<compile_context>
chip_gen: v7x
topology: tpu7x:2x2x1
jax: 0.10.2.dev20260603
libtpu: 0.0.44.dev20260713+nightly
codegen_flags: <defaults>
</compile_context>

<pallas_src>
import functools

import jax
import jax.numpy as jnp
from jax import lax
from jax.experimental import pallas as pl
from jax.experimental.pallas import tpu as pltpu
from jax.experimental.pallas import tpu_sc as plsc

B = 10000
K = 32
D = 128
W = D // 2
NC, NS = 2, 16
NW = NC * NS

NEIGH_IDX_ROWS = (B * K) // D
ROWS_W0 = 52
ROWS_W1 = 116
SPLIT = NS * ROWS_W0
TOTAL_IDX_ROWS = 2688
NEIGH_I32_ROWS = (B * K) // 2
UREP_I32_ROWS = (TOTAL_IDX_ROWS - NEIGH_IDX_ROWS) * W

TILE = 400
HT = TILE * K // 2
UT = TILE // 2
GRID = B // TILE

CHUNK = 2


def _sc_gather_body(idx_hbm, table_hbm, neigh_out, urep_out,
                    idx_v, bufs, gsemA, gsemB, ssemA, ssemB):
  c = lax.axis_index("c")
  sid = lax.axis_index("s")
  base = jnp.where(c == 0, sid * ROWS_W0, SPLIT + sid * ROWS_W1)
  rounds = jnp.where(c == 0, ROWS_W0 // (2 * CHUNK), ROWS_W1 // (2 * CHUNK))
  pltpu.sync_copy(idx_hbm.at[pl.ds(base, ROWS_W1)], idx_v)
  bufA = [bufs.at[t] for t in range(CHUNK)]
  bufB = [bufs.at[CHUNK + t] for t in range(CHUNK)]

  def gstart(j, buf, gsem):
    pltpu.make_async_copy(table_hbm.at[idx_v.at[j]], buf, gsem).start()

  def gwait(buf, gsem):
    pltpu.make_async_copy(table_hbm.at[idx_v.at[0]], buf, gsem).wait()

  def sstart(j, buf, ssem):
    r = base + j
    bE = buf.at[pl.ds(0, W)]
    bO = buf.at[pl.ds(W, W)]

    @pl.when(r < NEIGH_IDX_ROWS)
    def _():
      dst = neigh_out.at[pl.ds(r * W, W)]
      pltpu.make_async_copy(bE, dst.at[:, pl.ds(0, W)], ssem).start()
      pltpu.make_async_copy(bO, dst.at[:, pl.ds(W, W)], ssem).start()

    @pl.when(r >= NEIGH_IDX_ROWS)
    def _():
      dst = urep_out.at[pl.ds((r - NEIGH_IDX_ROWS) * W, W)]
      pltpu.make_async_copy(bE, dst.at[:, pl.ds(0, W)], ssem).start()
      pltpu.make_async_copy(bO, dst.at[:, pl.ds(W, W)], ssem).start()

  def swait(buf, ssem):
    dummy = neigh_out.at[pl.ds(0, W)]
    pltpu.make_async_copy(buf.at[pl.ds(0, W)], dummy.at[:, pl.ds(0, W)],
                          ssem).wait()
    pltpu.make_async_copy(buf.at[pl.ds(W, W)], dummy.at[:, pl.ds(W, W)],
                          ssem).wait()

  for t in range(CHUNK):
    gstart(t, bufA[t], gsemA)

  def body(i, carry):
    jA = 2 * CHUNK * i
    jB = jA + CHUNK
    for t in range(CHUNK):
      gstart(jB + t, bufB[t], gsemB)
    for t in range(CHUNK):
      gwait(bufA[t], gsemA)
    for t in range(CHUNK):
      sstart(jA + t, bufA[t], ssemA)
    for t in range(CHUNK):
      swait(bufA[t], ssemA)

    @pl.when(i + 1 < rounds)
    def _():
      for t in range(CHUNK):
        gstart(jA + 2 * CHUNK + t, bufA[t], gsemA)

    for t in range(CHUNK):
      gwait(bufB[t], gsemB)
    for t in range(CHUNK):
      sstart(jB + t, bufB[t], ssemB)
    for t in range(CHUNK):
      swait(bufB[t], ssemB)
    return carry

  lax.fori_loop(0, rounds, body, 0)


@functools.lru_cache(maxsize=1)
def _sc_gather():
  return functools.partial(
      pl.kernel,
      out_type=(
          jax.ShapeDtypeStruct((NEIGH_I32_ROWS, D), jnp.int32),
          jax.ShapeDtypeStruct((UREP_I32_ROWS, D), jnp.int32),
      ),
      mesh=plsc.VectorSubcoreMesh(
          core_axis_name="c", subcore_axis_name="s",
          num_cores=NC, num_subcores=NS),
      compiler_params=pltpu.CompilerParams(use_tc_tiling_on_sc=False),
      scratch_types=[
          pltpu.VMEM((ROWS_W1, D), jnp.int32),
          pltpu.VMEM((2 * CHUNK, D, W), jnp.int32),
          pltpu.SemaphoreType.DMA,
          pltpu.SemaphoreType.DMA,
          pltpu.SemaphoreType.DMA,
          pltpu.SemaphoreType.DMA,
      ],
  )(_sc_gather_body)


def _unpack_halves(v):
  lo = lax.bitcast_convert_type(v << 16, jnp.float32)
  hi = lax.bitcast_convert_type((v >> 16) << 16, jnp.float32)
  hA = jnp.concatenate([lo[:, :W], hi[:, :W]], axis=1)
  hB = jnp.concatenate([lo[:, W:], hi[:, W:]], axis=1)
  return hA, hB


def _tc_body(neigh_ref, urep_ref, w1e_ref, w1u_ref, b1_ref, w2_ref, b2_ref,
             w3_ref, out_ref):
  eA, eB = _unpack_halves(neigh_ref[...])
  uA, uB = _unpack_halves(urep_ref[...])
  b1 = b1_ref[...]
  w2 = w2_ref[...]
  b2 = b2_ref[...]
  w3 = w3_ref[...].reshape(1, 1, D)
  nodes_h = TILE // 2

  w1e_b = w1e_ref[...].astype(jnp.bfloat16)
  w1u_b = w1u_ref[...].astype(jnp.bfloat16)
  w2_b = w2.astype(jnp.bfloat16)

  def half(e, u):
    hu = jnp.dot(u.astype(jnp.bfloat16), w1u_b,
                 preferred_element_type=jnp.float32)
    hu_e = jnp.broadcast_to(
        hu[:, None, :], (nodes_h, K, D)).reshape(HT, D)
    h1 = jnp.maximum(
        jnp.dot(e.astype(jnp.bfloat16), w1e_b,
                preferred_element_type=jnp.float32)
        + hu_e + b1, 0.0)
    h2 = jnp.maximum(
        jnp.dot(h1.astype(jnp.bfloat16), w2_b,
                preferred_element_type=jnp.float32) + b2, 0.0)
    lg = jnp.sum(h2.reshape(nodes_h, K, D) * w3, axis=2)
    m = jnp.max(lg, axis=1, keepdims=True)
    p = jnp.exp(lg - m)
    att = p / jnp.sum(p, axis=1, keepdims=True)
    return jnp.sum(e.reshape(nodes_h, K, D) * att[:, :, None], axis=1)

  outA = half(eA, uA)
  outB = half(eB, uB)
  out = jnp.concatenate(
      [outA.reshape(TILE // 4, 2, D), outB.reshape(TILE // 4, 2, D)],
      axis=1).reshape(TILE, D)
  out_ref[...] = out


def _tc_call(neigh, urep, w1e, w1u, b1, w2, b2, w3, *, interpret=False):
  full = lambda shape: pl.BlockSpec(shape, lambda i: (0, 0))
  return pl.pallas_call(
      _tc_body,
      grid=(GRID,),
      in_specs=[
          pl.BlockSpec((HT, D), lambda i: (i, 0)),
          pl.BlockSpec((UT, D), lambda i: (i, 0)),
          full((D, D)), full((D, D)), full((1, D)),
          full((D, D)), full((1, D)), full((1, D)),
      ],
      out_specs=pl.BlockSpec((TILE, D), lambda i: (i, 0)),
      out_shape=jax.ShapeDtypeStruct((B, D), jnp.float32),
      interpret=interpret,
  )(neigh, urep, w1e, w1u, b1, w2, b2, w3)


PACK_BLK = 4000


def _pack_body(v_ref, out_ref):
  iv = lax.bitcast_convert_type(v_ref[...], jnp.int32)
  t = iv + 0x7FFF + ((iv >> 16) & 1)
  out_ref[...] = ((t[:, :W] >> 16) & 0xFFFF) | (t[:, W:] & -65536)


def _pack_table(u2e_weight):
  v = u2e_weight.shape[0]
  return pl.pallas_call(
      _pack_body,
      grid=(v // PACK_BLK,),
      in_specs=[pl.BlockSpec((PACK_BLK, D), lambda i: (i, 0))],
      out_specs=pl.BlockSpec((PACK_BLK, W), lambda i: (i, 0)),
      out_shape=jax.ShapeDtypeStruct((v, W), jnp.int32),
  )(u2e_weight)


def _node_region(nodes):
  quad = nodes.reshape(-1, 4)
  padlen = UREP_I32_ROWS - B // 2
  pad = jnp.zeros((padlen,), jnp.int32)
  va = jnp.concatenate([quad[:, :2].reshape(-1), pad]).reshape(-1, W)
  vb = jnp.concatenate([quad[:, 2:].reshape(-1), pad]).reshape(-1, W)
  return jnp.concatenate([va, vb], axis=1).reshape(-1)


def kernel(nodes, to_neighs, u2e_weight, att1_w, att1_b, att2_w, att2_b,
           att3_w, att3_b):
  del att3_b
  nodes = nodes.astype(jnp.int32)
  to_neighs = to_neighs.astype(jnp.int32)
  idx_cat = jnp.concatenate([
      to_neighs.reshape(-1), _node_region(nodes)
  ]).reshape(TOTAL_IDX_ROWS, D)

  tbl = _pack_table(u2e_weight)
  neigh, urep_full = _sc_gather()(idx_cat, tbl)
  urep = urep_full[:B // 2]

  w1e = att1_w[:, :D].T
  w1u = att1_w[:, D:].T
  return _tc_call(neigh, urep, w1e, w1u, att1_b.reshape(1, D), att2_w.T,
                  att2_b.reshape(1, D), att3_w.reshape(1, D))

# --- scband reference (transcript-rebuilt; emitter-appended) ---
"""Pipeline reference for scband-social-aggregator-19112604467373 (READ-ONLY COPY).

The authoritative reference and input builder live on the scoring server;
editing this copy changes nothing except your own understanding.
"""

import jax, jax.numpy as jnp
import numpy as np

NUM_USERS = 100000
EMBED_DIM = 128
BATCH = 10000
DEG = 32


def setup_inputs(seed: int = 0) -> dict:
    key = jax.random.key(seed)
    ks = jax.random.split(key, 10)
    nodes = jax.random.randint(ks[0], (BATCH,), 0, NUM_USERS, dtype=jnp.int64 if jax.config.jax_enable_x64 else jnp.int32)
    to_neighs = jax.random.randint(ks[1], (BATCH, DEG), 0, NUM_USERS, dtype=jnp.int64 if jax.config.jax_enable_x64 else jnp.int32)
    u2e_weight = jax.random.normal(ks[2], (NUM_USERS, EMBED_DIM), dtype=jnp.float32) * 0.05
    # Attention(embed_dim): att1: Linear(2d -> d), att2: Linear(d -> d), att3: Linear(d -> 1)
    att1_w = jax.random.normal(ks[3], (EMBED_DIM, 2 * EMBED_DIM), dtype=jnp.float32) / np.sqrt(2 * EMBED_DIM)
    att1_b = jnp.zeros((EMBED_DIM,), dtype=jnp.float32)
    att2_w = jax.random.normal(ks[4], (EMBED_DIM, EMBED_DIM), dtype=jnp.float32) / np.sqrt(EMBED_DIM)
    att2_b = jnp.zeros((EMBED_DIM,), dtype=jnp.float32)
    att3_w = jax.random.normal(ks[5], (1, EMBED_DIM), dtype=jnp.float32) / np.sqrt(EMBED_DIM)
    att3_b = jnp.zeros((1,), dtype=jnp.float32)
    return {
        "nodes": nodes,
        "to_neighs": to_neighs,
        "u2e_weight": u2e_weight,
        "att1_w": att1_w, "att1_b": att1_b,
        "att2_w": att2_w, "att2_b": att2_b,
        "att3_w": att3_w, "att3_b": att3_b,
    }


def reference(nodes, to_neighs, u2e_weight, att1_w, att1_b, att2_w, att2_b, att3_w, att3_b):
    # Vectorized, mathematically faithful version of the per-node python loop.
    # e_u = u2e.weight[list(tmp_adj)] for each node -> [B, K, d]
    e_u = jnp.take(u2e_weight, to_neighs, axis=0)
    # u_rep = u2e.weight[self_node] -> [B, d]
    u_rep = jnp.take(u2e_weight, nodes, axis=0)
    # Attention.forward: u_rep.repeat(num_neighs, 1); cat; MLP; softmax over neighbors (dim=0 per node)
    u_rep_b = jnp.broadcast_to(u_rep[:, None, :], e_u.shape)
    x = jnp.concatenate([e_u, u_rep_b], axis=-1)  # [B, K, 2d]
    h = jax.nn.relu(jnp.einsum('bkf,df->bkd', x, att1_w) + att1_b)
    h = jax.nn.relu(jnp.einsum('bkd,ed->bke', h, att2_w) + att2_b)
    logits = jnp.einsum('bkd,od->bko', h, att3_w) + att3_b  # [B, K, 1]
    att = jax.nn.softmax(logits, axis=1)  # softmax over neighbors
    # att_history = mm(e_u.T, att_weights).T -> weighted sum over neighbors
    out = jnp.sum(att * e_u, axis=1)  # [B, d]
    return out

if __name__ == "__main__":
    import jax
    _d = setup_inputs()
    print(jax.jit(kernel)(*tuple(_d.values())))

</pallas_src>

<mosaic_0001>
#map = affine_map<(d0, d1) -> (0, 0)>
module attributes {stable_mosaic.version = 14 : i64} {
  func.func @_sc_gather_body(%arg0: i32, %arg1: i32, %arg2: memref<2688x128xi32, #tpu.memory_space<hbm>>, %arg3: memref<100000x64xi32, #tpu.memory_space<hbm>>, %arg4: memref<160000x128xi32, #tpu.memory_space<hbm>>, %arg5: memref<12032x128xi32, #tpu.memory_space<hbm>>, %arg6: memref<116x128xi32, #tpu.memory_space<vmem>>, %arg7: memref<4x128x64xi32, #tpu.memory_space<vmem>>, %arg8: memref<!tpu.dma_semaphore, #tpu.memory_space<semaphore_mem>>, %arg9: memref<!tpu.dma_semaphore, #tpu.memory_space<semaphore_mem>>, %arg10: memref<!tpu.dma_semaphore, #tpu.memory_space<semaphore_mem>>, %arg11: memref<!tpu.dma_semaphore, #tpu.memory_space<semaphore_mem>>) attributes {dimension_semantics = [#tpu.dimension_semantics<core_parallel>, #tpu.dimension_semantics<subcore_parallel>], iteration_bounds = array<i64: 2, 16>, scalar_prefetch = 0 : i64, scratch_operands = 6 : i64, tpu.core_type = #tpu.core_type<sc_vector_subcore>, window_params = [{transform_indices = #map}, {transform_indices = #map}, {transform_indices = #map}, {transform_indices = #map}]} {
    %eq3A = arith.constant 0 : i32
    %eq3A_0 = arith.cmpi eq, %arg0, %eq3A : i32
    %mul3A = arith.constant 52 : i32
    %mul3A_1 = arith.muli %arg1, %mul3A : i32
    %mul3A_2 = arith.constant 116 : i32
    %mul3A_3 = arith.muli %arg1, %mul3A_2 : i32
    %add3A = arith.constant 832 : i32
    %add3A_4 = arith.addi %add3A, %mul3A_3 : i32
    %select_n3A = arith.select %eq3A_0, %mul3A_1, %add3A_4 : i32
    %eq3A_5 = arith.constant 0 : i32
    %eq3A_6 = arith.cmpi eq, %arg0, %eq3A_5 : i32
    %jit3A = arith.constant 13 : i32
    %jit3A_7 = arith.constant 29 : i32
    %select_n3A_8 = arith.select %eq3A_6, %jit3A, %jit3A_7 : i32
    "tpu.region"() ({
      %run_scoped3A = tpu.sem_alloc : memref<!tpu.dma_semaphore, #tpu.memory_space<semaphore_mem>>
      %dma_start3A_45 = arith.constant 0 : i32
      %dma_start3A_46 = tpu.memref_slice %arg2[%select_n3A, %dma_start3A_45] : memref<2688x128xi32, #tpu.memory_space<hbm>> -> memref<116x128xi32, #tpu.memory_space<hbm>>
      %dma_start3A_47 = arith.constant 0 : i32
      %dma_start3A_48 = tpu.memref_slice %arg2[%select_n3A, %dma_start3A_47] : memref<2688x128xi32, #tpu.memory_space<hbm>> -> memref<116x128xi32, #tpu.memory_space<hbm>>
      tpu.enqueue_dma source(%dma_start3A_48 : memref<116x128xi32, #tpu.memory_space<hbm>>) target(%arg6 : memref<116x128xi32, #tpu.memory_space<vmem>>) target_semaphore(%run_scoped3A : memref<!tpu.dma_semaphore, #tpu.memory_space<semaphore_mem>>)
      %dma_wait3A = arith.constant 0 : i32
      %dma_wait3A_49 = tpu.memref_slice %arg2[%select_n3A, %dma_wait3A] : memref<2688x128xi32, #tpu.memory_space<hbm>> -> memref<116x128xi32, #tpu.memory_space<hbm>>
      %dma_wait3A_50 = arith.constant 0 : i32
      %dma_wait3A_51 = tpu.memref_slice %arg2[%select_n3A, %dma_wait3A_50] : memref<2688x128xi32, #tpu.memory_space<hbm>> -> memref<116x128xi32, #tpu.memory_space<hbm>>
      tpu.wait_dma2 semaphore(%run_scoped3A : memref<!tpu.dma_semaphore, #tpu.memory_space<semaphore_mem>>) src(%dma_wait3A_51 : memref<116x128xi32, #tpu.memory_space<hbm>>) dst(%arg6 : memref<116x128xi32, #tpu.memory_space<vmem>>)
      tpu.yield
    }) : () -> ()
    %dma_start3A = arith.constant 0 : i32
    %dma_start3A_9 = arith.constant 0 : i32
    %dma_start3A_10 = arith.constant 0 : i32
    %dma_start3A_11 = arith.constant 0 : i32
    %dma_start3A_12 = tpu.memref_slice %arg7[%dma_start3A_9, %dma_start3A_10, %dma_start3A_11] : memref<4x128x64xi32, #tpu.memory_space<vmem>> -> memref<1x128x64xi32, #tpu.memory_space<vmem>>
    %dma_start3A_13 = tpu.memref_squeeze %dma_start3A_12 : memref<1x128x64xi32, #tpu.memory_space<vmem>> -> memref<128x64xi32, #tpu.memory_space<vmem>>
    %dma_start3A_14 = arith.constant 0 : i32
    %dma_start3A_15 = tpu.memref_slice %arg6[%dma_start3A, %dma_start3A_14] : memref<116x128xi32, #tpu.memory_space<vmem>> -> memref<1x128xi32, #tpu.memory_space<vmem>>
    %dma_start3A_16 = tpu.memref_squeeze %dma_start3A_15 : memref<1x128xi32, #tpu.memory_space<vmem>> -> memref<128xi32, #tpu.memory_space<vmem>>
    %dma_start3A_17 = arith.constant 0 : i32
    %dma_start3A_18 = arith.constant 0 : i32
    %dma_start3A_19 = tpu.memref_slice %arg3[%dma_start3A_17, %dma_start3A_18] : memref<100000x64xi32, #tpu.memory_space<hbm>> -> memref<100000x64xi32, #tpu.memory_space<hbm>>
    tpu.enqueue_indirect_dma source(%dma_start3A_19 : memref<100000x64xi32, #tpu.memory_space<hbm>>) target(%dma_start3A_13 : memref<128x64xi32, #tpu.memory_space<vmem>>) offsets(%dma_start3A_16 : memref<128xi32, #tpu.memory_space<vmem>>) semaphore(%arg8 : memref<!tpu.dma_semaphore, #tpu.memory_space<semaphore_mem>>)
    %dma_start3A_20 = arith.constant 1 : i32
    %dma_start3A_21 = arith.constant 1 : i32
    %dma_start3A_22 = arith.constant 0 : i32
    %dma_start3A_23 = arith.constant 0 : i32
    %dma_start3A_24 = tpu.memref_slice %arg7[%dma_start3A_21, %dma_start3A_22, %dma_start3A_23] : memref<4x128x64xi32, #tpu.memory_space<vmem>> -> memref<1x128x64xi32, #tpu.memory_space<vmem>>
    %dma_start3A_25 = tpu.memref_squeeze %dma_start3A_24 : memref<1x128x64xi32, #tpu.memory_space<vmem>> -> memref<128x64xi32, #tpu.memory_space<vmem>>
    %dma_start3A_26 = arith.constant 0 : i32
    %dma_start3A_27 = tpu.memref_slice %arg6[%dma_start3A_20, %dma_start3A_26] : memref<116x128xi32, #tpu.memory_space<vmem>> -> memref<1x128xi32, #tpu.memory_space<vmem>>
    %dma_start3A_28 = tpu.memref_squeeze %dma_start3A_27 : memref<1x128xi32, #tpu.memory_space<vmem>> -> memref<128xi32, #tpu.memory_space<vmem>>
    %dma_start3A_29 = arith.constant 0 : i32
    %dma_start3A_30 = arith.constant 0 : i32
    %dma_start3A_31 = tpu.memref_slice %arg3[%dma_start3A_29, %dma_start3A_30] : memref<100000x64xi32, #tpu.memory_space<hbm>> -> memref<100000x64xi32, #tpu.memory_space<hbm>>
    tpu.enqueue_indirect_dma source(%dma_start3A_31 : memref<100000x64xi32, #tpu.memory_space<hbm>>) target(%dma_start3A_25 : memref<128x64xi32, #tpu.memory_space<vmem>>) offsets(%dma_start3A_28 : memref<128xi32, #tpu.memory_space<vmem>>) semaphore(%arg8 : memref<!tpu.dma_semaphore, #tpu.memory_space<semaphore_mem>>)
    %while3A = arith.constant 0 : i32
    %while3A_32 = arith.constant 2 : i32
    %while3A_33 = arith.constant 3 : i32
    %while3A_34 = arith.constant 0 : i32
    %while3A_35 = arith.constant 1 : i32
    %while3A_36 = arith.constant 0 : i32
    %while3A_37 = arith.subi %select_n3A_8, %while3A_36 : i32
    %while3A_38 = arith.addi %while3A_36, %while3A_37 : i32
    %while3A_39 = arith.constant 1 : i32
    %while3A_40 = arith.divsi %while3A_37, %while3A_39 : i32
    %while3A_41 = arith.muli %while3A_40, %while3A_39 : i32
    %while3A_42 = arith.addi %while3A_36, %while3A_41 : i32
    %while3A_43 = arith.constant 1 : i32
    scf.for %while3A_45 = %while3A_36 to %while3A_42 step %while3A_43  : i32 {
      %mul3A_46 = arith.constant 4 : i32
      %mul3A_47 = arith.muli %mul3A_46, %while3A_45 : i32
      %add3A_48 = arith.constant 2 : i32
      %add3A_49 = arith.addi %mul3A_47, %add3A_48 : i32
      %add3A_50 = arith.constant 0 : i32
      %add3A_51 = arith.addi %add3A_49, %add3A_50 : i32
      %dma_start3A_52 = arith.constant 0 : i32
      %dma_start3A_53 = arith.constant 0 : i32
      %dma_start3A_54 = tpu.memref_slice %arg7[%while3A_32, %dma_start3A_52, %dma_start3A_53] : memref<4x128x64xi32, #tpu.memory_space<vmem>> -> memref<1x128x64xi32, #tpu.memory_space<vmem>>
      %dma_start3A_55 = tpu.memref_squeeze %dma_start3A_54 : memref<1x128x64xi32, #tpu.memory_space<vmem>> -> memref<128x64xi32, #tpu.memory_space<vmem>>
      %dma_start3A_56 = arith.constant 0 : i32
      %dma_start3A_57 = tpu.memref_slice %arg6[%add3A_51, %dma_start3A_56] : memref<116x128xi32, #tpu.memory_space<vmem>> -> memref<1x128xi32, #tpu.memory_space<vmem>>
      %dma_start3A_58 = tpu.memref_squeeze %dma_start3A_57 : memref<1x128xi32, #tpu.memory_space<vmem>> -> memref<128xi32, #tpu.memory_space<vmem>>
      %dma_start3A_59 = arith.constant 0 : i32
      %dma_start3A_60 = arith.constant 0 : i32
      %dma_start3A_61 = tpu.memref_slice %arg3[%dma_start3A_59, %dma_start3A_60] : memref<100000x64xi32, #tpu.memory_space<hbm>> -> memref<100000x64xi32, #tpu.memory_space<hbm>>
      tpu.enqueue_indirect_dma source(%dma_start3A_61 : memref<100000x64xi32, #tpu.memory_space<hbm>>) target(%dma_start3A_55 : memref<128x64xi32, #tpu.memory_space<vmem>>) offsets(%dma_start3A_58 : memref<128xi32, #tpu.memory_space<vmem>>) semaphore(%arg9 : memref<!tpu.dma_semaphore, #tpu.memory_space<semaphore_mem>>)
      %add3A_62 = arith.constant 1 : i32
      %add3A_63 = arith.addi %add3A_49, %add3A_62 : i32
      %dma_start3A_64 = arith.constant 0 : i32
      %dma_start3A_65 = arith.constant 0 : i32
      %dma_start3A_66 = tpu.memref_slice %arg7[%while3A_33, %dma_start3A_64, %dma_start3A_65] : memref<4x128x64xi32, #tpu.memory_space<vmem>> -> memref<1x128x64xi32, #tpu.memory_space<vmem>>
      %dma_start3A_67 = tpu.memref_squeeze %dma_start3A_66 : memref<1x128x64xi32, #tpu.memory_space<vmem>> -> memref<128x64xi32, #tpu.memory_space<vmem>>
      %dma_start3A_68 = arith.constant 0 : i32
      %dma_start3A_69 = tpu.memref_slice %arg6[%add3A_63, %dma_start3A_68] : memref<116x128xi32, #tpu.memory_space<vmem>> -> memref<1x128xi32, #tpu.memory_space<vmem>>
      %dma_start3A_70 = tpu.memref_squeeze %dma_start3A_69 : memref<1x128xi32, #tpu.memory_space<vmem>> -> memref<128xi32, #tpu.memory_space<vmem>>
      %dma_start3A_71 = arith.constant 0 : i32
      %dma_start3A_72 = arith.constant 0 : i32
      %dma_start3A_73 = tpu.memref_slice %arg3[%dma_start3A_71, %dma_start3A_72] : memref<100000x64xi32, #tpu.memory_space<hbm>> -> memref<100000x64xi32, #tpu.memory_space<hbm>>
      tpu.enqueue_indirect_dma source(%dma_start3A_73 : memref<100000x64xi32, #tpu.memory_space<hbm>>) target(%dma_start3A_67 : memref<128x64xi32, #tpu.memory_space<vmem>>) offsets(%dma_start3A_70 : memref<128xi32, #tpu.memory_space<vmem>>) semaphore(%arg9 : memref<!tpu.dma_semaphore, #tpu.memory_space<semaphore_mem>>)
      %dma_wait3A = arith.constant 0 : i32
      %dma_wait3A_74 = arith.constant 0 : i32
      %dma_wait3A_75 = arith.constant 0 : i32
      %dma_wait3A_76 = tpu.memref_slice %arg7[%while3A_34, %dma_wait3A_74, %dma_wait3A_75] : memref<4x128x64xi32, #tpu.memory_space<vmem>> -> memref<1x128x64xi32, #tpu.memory_space<vmem>>
      %dma_wait3A_77 = tpu.memref_squeeze %dma_wait3A_76 : memref<1x128x64xi32, #tpu.memory_space<vmem>> -> memref<128x64xi32, #tpu.memory_space<vmem>>
      %dma_wait3A_78 = arith.constant 0 : i32
      %dma_wait3A_79 = tpu.memref_slice %arg6[%dma_wait3A, %dma_wait3A_78] : memref<116x128xi32, #tpu.memory_space<vmem>> -> memref<1x128xi32, #tpu.memory_space<vmem>>
      %dma_wait3A_80 = tpu.memref_squeeze %dma_wait3A_79 : memref<1x128xi32, #tpu.memory_space<vmem>> -> memref<128xi32, #tpu.memory_space<vmem>>
      %dma_wait3A_81 = arith.constant 0 : i32
      %dma_wait3A_82 = arith.constant 0 : i32
      %dma_wait3A_83 = tpu.memref_slice %arg3[%dma_wait3A_81, %dma_wait3A_82] : memref<100000x64xi32, #tpu.memory_space<hbm>> -> memref<100000x64xi32, #tpu.memory_space<hbm>>
      tpu.wait_indirect_dma semaphore(%arg8 : memref<!tpu.dma_semaphore, #tpu.memory_space<semaphore_mem>>) src(%dma_wait3A_83 : memref<100000x64xi32, #tpu.memory_space<hbm>>) dst(%dma_wait3A_77 : memref<128x64xi32, #tpu.memory_space<vmem>>)
      %dma_wait3A_84 = arith.constant 0 : i32
      %dma_wait3A_85 = arith.constant 0 : i32
      %dma_wait3A_86 = arith.constant 0 : i32
      %dma_wait3A_87 = tpu.memref_slice %arg7[%while3A_35, %dma_wait3A_85, %dma_wait3A_86] : memref<4x128x64xi32, #tpu.memory_space<vmem>> -> memref<1x128x64xi32, #tpu.memory_space<vmem>>
      %dma_wait3A_88 = tpu.memref_squeeze %dma_wait3A_87 : memref<1x128x64xi32, #tpu.memory_space<vmem>> -> memref<128x64xi32, #tpu.memory_space<vmem>>
      %dma_wait3A_89 = arith.constant 0 : i32
      %dma_wait3A_90 = tpu.memref_slice %arg6[%dma_wait3A_84, %dma_wait3A_89] : memref<116x128xi32, #tpu.memory_space<vmem>> -> memref<1x128xi32, #tpu.memory_space<vmem>>
      %dma_wait3A_91 = tpu.memref_squeeze %dma_wait3A_90 : memref<1x128xi32, #tpu.memory_space<vmem>> -> memref<128xi32, #tpu.memory_space<vmem>>
      %dma_wait3A_92 = arith.constant 0 : i32
      %dma_wait3A_93 = arith.constant 0 : i32
      %dma_wait3A_94 = tpu.memref_slice %arg3[%dma_wait3A_92, %dma_wait3A_93] : memref<100000x64xi32, #tpu.memory_space<hbm>> -> memref<100000x64xi32, #tpu.memory_space<hbm>>
      tpu.wait_indirect_dma semaphore(%arg8 : memref<!tpu.dma_semaphore, #tpu.memory_space<semaphore_mem>>) src(%dma_wait3A_94 : memref<100000x64xi32, #tpu.memory_space<hbm>>) dst(%dma_wait3A_88 : memref<128x64xi32, #tpu.memory_space<vmem>>)
      %add3A_95 = arith.constant 0 : i32
      %add3A_96 = arith.addi %mul3A_47, %add3A_95 : i32
      %add3A_97 = arith.addi %select_n3A, %add3A_96 : i32
      %lt3A = arith.constant 2500 : i32
      %lt3A_98 = arith.cmpi slt, %add3A_97, %lt3A : i32
      %convert_element_type3A = arith.extui %lt3A_98 : i1 to i32
      %cond3A = arith.constant 0 : i32
      %cond3A_99 = arith.cmpi ne, %convert_element_type3A, %cond3A : i32
      scf.if %cond3A_99 {
        %mul3A_379 = arith.constant 64 : i32
        %mul3A_380 = arith.muli %add3A_97, %mul3A_379 : i32
        %dma_start3A_381 = arith.constant 0 : i32
        %dma_start3A_382 = arith.constant 0 : i32
        %dma_start3A_383 = tpu.memref_slice %arg7[%while3A_34, %dma_start3A_381, %dma_start3A_382] : memref<4x128x64xi32, #tpu.memory_space<vmem>> -> memref<1x128x64xi32, #tpu.memory_space<vmem>>
        %dma_start3A_384 = tpu.memref_squeeze %dma_start3A_383 : memref<1x128x64xi32, #tpu.memory_space<vmem>> -> memref<128x64xi32, #tpu.memory_space<vmem>>
        %dma_start3A_385 = arith.constant 0 : i32
        %dma_start3A_386 = arith.constant 0 : i32
        %dma_start3A_387 = tpu.memref_slice %dma_start3A_384[%dma_start3A_385, %dma_start3A_386] : memref<128x64xi32, #tpu.memory_space<vmem>> -> memref<64x64xi32, #tpu.memory_space<vmem>>
        %dma_start3A_388 = arith.constant 0 : i32
        %dma_start3A_389 = tpu.memref_slice %arg4[%mul3A_380, %dma_start3A_388] : memref<160000x128xi32, #tpu.memory_space<hbm>> -> memref<64x128xi32, #tpu.memory_space<hbm>>
        %dma_start3A_390 = arith.constant 0 : i32
        %dma_start3A_391 = arith.constant 0 : i32
        %dma_start3A_392 = tpu.memref_slice %dma_start3A_389[%dma_start3A_390, %dma_start3A_391] : memref<64x128xi32, #tpu.memory_space<hbm>> -> memref<64x64xi32, #tpu.memory_space<hbm>>
        %dma_start3A_393 = arith.constant 0 : i32
        %dma_start3A_394 = tpu.memref_slice %arg4[%mul3A_380, %dma_start3A_393] : memref<160000x128xi32, #tpu.memory_space<hbm>> -> memref<64x128xi32, #tpu.memory_space<hbm>>
        %dma_start3A_395 = arith.constant 0 : i32
        %dma_start3A_396 = arith.constant 0 : i32
        %dma_start3A_397 = tpu.memref_slice %dma_start3A_394[%dma_start3A_395, %dma_start3A_396] : memref<64x128xi32, #tpu.memory_space<hbm>> -> memref<64x64xi32, #tpu.memory_space<hbm>>
        %dma_start3A_398 = arith.constant 0 : i32
        %dma_start3A_399 = arith.constant 0 : i32
        %dma_start3A_400 = tpu.memref_slice %arg7[%while3A_34, %dma_start3A_398, %dma_start3A_399] : memref<4x128x64xi32, #tpu.memory_space<vmem>> -> memref<1x128x64xi32, #tpu.memory_space<vmem>>
        %dma_start3A_401 = tpu.memref_squeeze %dma_start3A_400 : memref<1x128x64xi32, #tpu.memory_space<vmem>> -> memref<128x64xi32, #tpu.memory_space<vmem>>
        %dma_start3A_402 = arith.constant 0 : i32
        %dma_start3A_403 = arith.constant 0 : i32
        %dma_start3A_404 = tpu.memref_slice %dma_start3A_401[%dma_start3A_402, %dma_start3A_403] : memref<128x64xi32, #tpu.memory_space<vmem>> -> memref<64x64xi32, #tpu.memory_space<vmem>>
        tpu.enqueue_dma source(%dma_start3A_404 : memref<64x64xi32, #tpu.memory_space<vmem>>) target(%dma_start3A_397 : memref<64x64xi32, #tpu.memory_space<hbm>>) target_semaphore(%arg10 : memref<!tpu.dma_semaphore, #tpu.memory_space<semaphore_mem>>)
        %dma_start3A_405 = arith.constant 0 : i32
        %dma_start3A_406 = arith.constant 0 : i32
        %dma_start3A_407 = tpu.memref_slice %arg7[%while3A_34, %dma_start3A_405, %dma_start3A_406] : memref<4x128x64xi32, #tpu.memory_space<vmem>> -> memref<1x128x64xi32, #tpu.memory_space<vmem>>
        %dma_start3A_408 = tpu.memref_squeeze %dma_start3A_407 : memref<1x128x64xi32, #tpu.memory_space<vmem>> -> memref<128x64xi32, #tpu.memory_space<vmem>>
        %dma_start3A_409 = arith.constant 64 : i32
        %dma_start3A_410 = arith.constant 0 : i32
        %dma_start3A_411 = tpu.memref_slice %dma_start3A_408[%dma_start3A_409, %dma_start3A_410] : memref<128x64xi32, #tpu.memory_space<vmem>> -> memref<64x64xi32, #tpu.memory_space<vmem>>
        %dma_start3A_412 = arith.constant 0 : i32
        %dma_start3A_413 = tpu.memref_slice %arg4[%mul3A_380, %dma_start3A_412] : memref<160000x128xi32, #tpu.memory_space<hbm>> -> memref<64x128xi32, #tpu.memory_space<hbm>>
        %dma_start3A_414 = arith.constant 0 : i32
        %dma_start3A_415 = arith.constant 64 : i32
        %dma_start3A_416 = tpu.memref_slice %dma_start3A_413[%dma_start3A_414, %dma_start3A_415] : memref<64x128xi32, #tpu.memory_space<hbm>> -> memref<64x64xi32, #tpu.memory_space<hbm>>
        %dma_start3A_417 = arith.constant 0 : i32
        %dma_start3A_418 = tpu.memref_slice %arg4[%mul3A_380, %dma_start3A_417] : memref<160000x128xi32, #tpu.memory_space<hbm>> -> memref<64x128xi32, #tpu.memory_space<hbm>>
        %dma_start3A_419 = arith.constant 0 : i32
        %dma_start3A_420 = arith.constant 64 : i32
        %dma_start3A_421 = tpu.memref_slice %dma_start3A_418[%dma_start3A_419, %dma_start3A_420] : memref<64x128xi32, #tpu.memory_space<hbm>> -> memref<64x64xi32, #tpu.memory_space<hbm>>
        %dma_start3A_422 = arith.constant 0 : i32
        %dma_start3A_423 = arith.constant 0 : i32
        %dma_start3A_424 = tpu.memref_slice %arg7[%while3A_34, %dma_start3A_422, %dma_start3A_423] : memref<4x128x64xi32, #tpu.memory_space<vmem>> -> memref<1x128x64xi32, #tpu.memory_space<vmem>>
        %dma_start3A_425 = tpu.memref_squeeze %dma_start3A_424 : memref<1x128x64xi32, #tpu.memory_space<vmem>> -> memref<128x64xi32, #tpu.memory_space<vmem>>
        %dma_start3A_426 = arith.constant 64 : i32
        %dma_start3A_427 = arith.constant 0 : i32
        %dma_start3A_428 = tpu.memref_slice %dma_start3A_425[%dma_start3A_426, %dma_start3A_427] : memref<128x64xi32, #tpu.memory_space<vmem>> -> memref<64x64xi32, #tpu.memory_space<vmem>>
        tpu.enqueue_dma source(%dma_start3A_428 : memref<64x64xi32, #tpu.memory_space<vmem>>) target(%dma_start3A_421 : memref<64x64xi32, #tpu.memory_space<hbm>>) target_semaphore(%arg10 : memref<!tpu.dma_semaphore, #tpu.memory_space<semaphore_mem>>)
      } else {
      }
      %ge3A = arith.constant 2500 : i32
      %ge3A_100 = arith.cmpi sge, %add3A_97, %ge3A : i32
      %convert_element_type3A_101 = arith.extui %ge3A_100 : i1 to i32
      %cond3A_102 = arith.constant 0 : i32
      %cond3A_103 = arith.cmpi ne, %convert_element_type3A_101, %cond3A_102 : i32
      scf.if %cond3A_103 {
        %sub3A = arith.constant 2500 : i32
        %sub3A_379 = arith.subi %add3A_97, %sub3A : i32
        %mul3A_380 = arith.constant 64 : i32
        %mul3A_381 = arith.muli %sub3A_379, %mul3A_380 : i32
        %dma_start3A_382 = arith.constant 0 : i32
        %dma_start3A_383 = arith.constant 0 : i32
        %dma_start3A_384 = tpu.memref_slice %arg7[%while3A_34, %dma_start3A_382, %dma_start3A_383] : memref<4x128x64xi32, #tpu.memory_space<vmem>> -> memref<1x128x64xi32, #tpu.memory_space<vmem>>
        %dma_start3A_385 = tpu.memref_squeeze %dma_start3A_384 : memref<1x128x64xi32, #tpu.memory_space<vmem>> -> memref<128x64xi32, #tpu.memory_space<vmem>>
        %dma_start3A_386 = arith.constant 0 : i32
        %dma_start3A_387 = arith.constant 0 : i32
        %dma_start3A_388 = tpu.memref_slice %dma_start3A_385[%dma_start3A_386, %dma_start3A_387] : memref<128x64xi32, #tpu.memory_space<vmem>> -> memref<64x64xi32, #tpu.memory_space<vmem>>
        %dma_start3A_389 = arith.constant 0 : i32
        %dma_start3A_390 = tpu.memref_slice %arg5[%mul3A_381, %dma_start3A_389] : memref<12032x128xi32, #tpu.memory_space<hbm>> -> memref<64x128xi32, #tpu.memory_space<hbm>>
        %dma_start3A_391 = arith.constant 0 : i32
        %dma_start3A_392 = arith.constant 0 : i32
        %dma_start3A_393 = tpu.memref_slice %dma_start3A_390[%dma_start3A_391, %dma_start3A_392] : memref<64x128xi32, #tpu.memory_space<hbm>> -> memref<64x64xi32, #tpu.memory_space<hbm>>
        %dma_start3A_394 = arith.constant 0 : i32
        %dma_start3A_395 = tpu.memref_slice %arg5[%mul3A_381, %dma_start3A_394] : memref<12032x128xi32, #tpu.memory_space<hbm>> -> memref<64x128xi32, #tpu.memory_space<hbm>>
        %dma_start3A_396 = arith.constant 0 : i32
        %dma_start3A_397 = arith.constant 0 : i32
        %dma_start3A_398 = tpu.memref_slice %dma_start3A_395[%dma_start3A_396, %dma_start3A_397] : memref<64x128xi32, #tpu.memory_space<hbm>> -> memref<64x64xi32, #tpu.memory_space<hbm>>
        %dma_start3A_399 = arith.constant 0 : i32
        %dma_start3A_400 = arith.constant 0 : i32
        %dma_start3A_401 = tpu.memref_slice %arg7[%while3A_34, %dma_start3A_399, %dma_start3A_400] : memref<4x128x64xi32, #tpu.memory_space<vmem>> -> memref<1x128x64xi32, #tpu.memory_space<vmem>>
        %dma_start3A_402 = tpu.memref_squeeze %dma_start3A_401 : memref<1x128x64xi32, #tpu.memory_space<vmem>> -> memref<128x64xi32, #tpu.memory_space<vmem>>
        %dma_start3A_403 = arith.constant 0 : i32
        %dma_start3A_404 = arith.constant 0 : i32
        %dma_start3A_405 = tpu.memref_slice %dma_start3A_402[%dma_start3A_403, %dma_start3A_404] : memref<128x64xi32, #tpu.memory_space<vmem>> -> memref<64x64xi32, #tpu.memory_space<vmem>>
        tpu.enqueue_dma source(%dma_start3A_405 : memref<64x64xi32, #tpu.memory_space<vmem>>) target(%dma_start3A_398 : memref<64x64xi32, #tpu.memory_space<hbm>>) target_semaphore(%arg10 : memref<!tpu.dma_semaphore, #tpu.memory_space<semaphore_mem>>)
        %dma_start3A_406 = arith.constant 0 : i32
        %dma_start3A_407 = arith.constant 0 : i32
        %dma_start3A_408 = tpu.memref_slice %arg7[%while3A_34, %dma_start3A_406, %dma_start3A_407] : memref<4x128x64xi32, #tpu.memory_space<vmem>> -> memref<1x128x64xi32, #tpu.memory_space<vmem>>
        %dma_start3A_409 = tpu.memref_squeeze %dma_start3A_408 : memref<1x128x64xi32, #tpu.memory_space<vmem>> -> memref<128x64xi32, #tpu.memory_space<vmem>>
        %dma_start3A_410 = arith.constant 64 : i32
        %dma_start3A_411 = arith.constant 0 : i32
        %dma_start3A_412 = tpu.memref_slice %dma_start3A_409[%dma_start3A_410, %dma_start3A_411] : memref<128x64xi32, #tpu.memory_space<vmem>> -> memref<64x64xi32, #tpu.memory_space<vmem>>
        %dma_start3A_413 = arith.constant 0 : i32
        %dma_start3A_414 = tpu.memref_slice %arg5[%mul3A_381, %dma_start3A_413] : memref<12032x128xi32, #tpu.memory_space<hbm>> -> memref<64x128xi32, #tpu.memory_space<hbm>>
        %dma_start3A_415 = arith.constant 0 : i32
        %dma_start3A_416 = arith.constant 64 : i32
        %dma_start3A_417 = tpu.memref_slice %dma_start3A_414[%dma_start3A_415, %dma_start3A_416] : memref<64x128xi32, #tpu.memory_space<hbm>> -> memref<64x64xi32, #tpu.memory_space<hbm>>
        %dma_start3A_418 = arith.constant 0 : i32
        %dma_start3A_419 = tpu.memref_slice %arg5[%mul3A_381, %dma_start3A_418] : memref<12032x128xi32, #tpu.memory_space<hbm>> -> memref<64x128xi32, #tpu.memory_space<hbm>>
        %dma_start3A_420 = arith.constant 0 : i32
        %dma_start3A_421 = arith.constant 64 : i32
        %dma_start3A_422 = tpu.memref_slice %dma_start3A_419[%dma_start3A_420, %dma_start3A_421] : memref<64x128xi32, #tpu.memory_space<hbm>> -> memref<64x64xi32, #tpu.memory_space<hbm>>
        %dma_start3A_423 = arith.constant 0 : i32
        %dma_start3A_424 = arith.constant 0 : i32
        %dma_start3A_425 = tpu.memref_slice %arg7[%while3A_34, %dma_start3A_423, %dma_start3A_424] : memref<4x128x64xi32, #tpu.memory_space<vmem>> -> memref<1x128x64xi32, #tpu.memory_space<vmem>>
        %dma_start3A_426 = tpu.memref_squeeze %dma_start3A_425 : memref<1x128x64xi32, #tpu.memory_space<vmem>> -> memref<128x64xi32, #tpu.memory_space<vmem>>
        %dma_start3A_427 = arith.constant 64 : i32
        %dma_start3A_428 = arith.constant 0 : i32
        %dma_start3A_429 = tpu.memref_slice %dma_start3A_426[%dma_start3A_427, %dma_start3A_428] : memref<128x64xi32, #tpu.memory_space<vmem>> -> memref<64x64xi32, #tpu.memory_space<vmem>>
        tpu.enqueue_dma source(%dma_start3A_429 : memref<64x64xi32, #tpu.memory_space<vmem>>) target(%dma_start3A_422 : memref<64x64xi32, #tpu.memory_space<hbm>>) target_semaphore(%arg10 : memref<!tpu.dma_semaphore, #tpu.memory_space<semaphore_mem>>)
      } else {
      }
      %add3A_104 = arith.constant 1 : i32
      %add3A_105 = arith.addi %mul3A_47, %add3A_104 : i32
      %add3A_106 = arith.addi %select_n3A, %add3A_105 : i32
      %lt3A_107 = arith.constant 2500 : i32
      %lt3A_108 = arith.cmpi slt, %add3A_106, %lt3A_107 : i32
      %convert_element_type3A_109 = arith.extui %lt3A_108 : i1 to i32
      %cond3A_110 = arith.constant 0 : i32
      %cond3A_111 = arith.cmpi ne, %convert_element_type3A_109, %cond3A_110 : i32
      scf.if %cond3A_111 {
        %mul3A_379 = arith.constant 64 : i32
        %mul3A_380 = arith.muli %add3A_106, %mul3A_379 : i32
        %dma_start3A_381 = arith.constant 0 : i32
        %dma_start3A_382 = arith.constant 0 : i32
        %dma_start3A_383 = tpu.memref_slice %arg7[%while3A_35, %dma_start3A_381, %dma_start3A_382] : memref<4x128x64xi32, #tpu.memory_space<vmem>> -> memref<1x128x64xi32, #tpu.memory_space<vmem>>
        %dma_start3A_384 = tpu.memref_squeeze %dma_start3A_383 : memref<1x128x64xi32, #tpu.memory_space<vmem>> -> memref<128x64xi32, #tpu.memory_space<vmem>>
        %dma_start3A_385 = arith.constant 0 : i32
        %dma_start3A_386 = arith.constant 0 : i32
        %dma_start3A_387 = tpu.memref_slice %dma_start3A_384[%dma_start3A_385, %dma_start3A_386] : memref<128x64xi32, #tpu.memory_space<vmem>> -> memref<64x64xi32, #tpu.memory_space<vmem>>
        %dma_start3A_388 = arith.constant 0 : i32
        %dma_start3A_389 = tpu.memref_slice %arg4[%mul3A_380, %dma_start3A_388] : memref<160000x128xi32, #tpu.memory_space<hbm>> -> memref<64x128xi32, #tpu.memory_space<hbm>>
        %dma_start3A_390 = arith.constant 0 : i32
        %dma_start3A_391 = arith.constant 0 : i32
        %dma_start3A_392 = tpu.memref_slice %dma_start3A_389[%dma_start3A_390, %dma_start3A_391] : memref<64x128xi32, #tpu.memory_space<hbm>> -> memref<64x64xi32, #tpu.memory_space<hbm>>
        %dma_start3A_393 = arith.constant 0 : i32
        %dma_start3A_394 = tpu.memref_slice %arg4[%mul3A_380, %dma_start3A_393] : memref<160000x128xi32, #tpu.memory_space<hbm>> -> memref<64x128xi32, #tpu.memory_space<hbm>>
        %dma_start3A_395 = arith.constant 0 : i32
        %dma_start3A_396 = arith.constant 0 : i32
        %dma_start3A_397 = tpu.memref_slice %dma_start3A_394[%dma_start3A_395, %dma_start3A_396] : memref<64x128xi32, #tpu.memory_space<hbm>> -> memref<64x64xi32, #tpu.memory_space<hbm>>
        %dma_start3A_398 = arith.constant 0 : i32
        %dma_start3A_399 = arith.constant 0 : i32
        %dma_start3A_400 = tpu.memref_slice %arg7[%while3A_35, %dma_start3A_398, %dma_start3A_399] : memref<4x128x64xi32, #tpu.memory_space<vmem>> -> memref<1x128x64xi32, #tpu.memory_space<vmem>>
        %dma_start3A_401 = tpu.memref_squeeze %dma_start3A_400 : memref<1x128x64xi32, #tpu.memory_space<vmem>> -> memref<128x64xi32, #tpu.memory_space<vmem>>
        %dma_start3A_402 = arith.constant 0 : i32
        %dma_start3A_403 = arith.constant 0 : i32
        %dma_start3A_404 = tpu.memref_slice %dma_start3A_401[%dma_start3A_402, %dma_start3A_403] : memref<128x64xi32, #tpu.memory_space<vmem>> -> memref<64x64xi32, #tpu.memory_space<vmem>>
        tpu.enqueue_dma source(%dma_start3A_404 : memref<64x64xi32, #tpu.memory_space<vmem>>) target(%dma_start3A_397 : memref<64x64xi32, #tpu.memory_space<hbm>>) target_semaphore(%arg10 : memref<!tpu.dma_semaphore, #tpu.memory_space<semaphore_mem>>)
        %dma_start3A_405 = arith.constant 0 : i32
        %dma_start3A_406 = arith.constant 0 : i32
        %dma_start3A_407 = tpu.memref_slice %arg7[%while3A_35, %dma_start3A_405, %dma_start3A_406] : memref<4x128x64xi32, #tpu.memory_space<vmem>> -> memref<1x128x64xi32, #tpu.memory_space<vmem>>
        %dma_start3A_408 = tpu.memref_squeeze %dma_start3A_407 : memref<1x128x64xi32, #tpu.memory_space<vmem>> -> memref<128x64xi32, #tpu.memory_space<vmem>>
        %dma_start3A_409 = arith.constant 64 : i32
        %dma_start3A_410 = arith.constant 0 : i32
        %dma_start3A_411 = tpu.memref_slice %dma_start3A_408[%dma_start3A_409, %dma_start3A_410] : memref<128x64xi32, #tpu.memory_space<vmem>> -> memref<64x64xi32, #tpu.memory_space<vmem>>
        %dma_start3A_412 = arith.constant 0 : i32
        %dma_start3A_413 = tpu.memref_slice %arg4[%mul3A_380, %dma_start3A_412] : memref<160000x128xi32, #tpu.memory_space<hbm>> -> memref<64x128xi32, #tpu.memory_space<hbm>>
        %dma_start3A_414 = arith.constant 0 : i32
        %dma_start3A_415 = arith.constant 64 : i32
        %dma_start3A_416 = tpu.memref_slice %dma_start3A_413[%dma_start3A_414, %dma_start3A_415] : memref<64x128xi32, #tpu.memory_space<hbm>> -> memref<64x64xi32, #tpu.memory_space<hbm>>
        %dma_start3A_417 = arith.constant 0 : i32
        %dma_start3A_418 = tpu.memref_slice %arg4[%mul3A_380, %dma_start3A_417] : memref<160000x128xi32, #tpu.memory_space<hbm>> -> memref<64x128xi32, #tpu.memory_space<hbm>>
        %dma_start3A_419 = arith.constant 0 : i32
        %dma_start3A_420 = arith.constant 64 : i32
        %dma_start3A_421 = tpu.memref_slice %dma_start3A_418[%dma_start3A_419, %dma_start3A_420] : memref<64x128xi32, #tpu.memory_space<hbm>> -> memref<64x64xi32, #tpu.memory_space<hbm>>
        %dma_start3A_422 = arith.constant 0 : i32
        %dma_start3A_423 = arith.constant 0 : i32
        %dma_start3A_424 = tpu.memref_slice %arg7[%while3A_35, %dma_start3A_422, %dma_start3A_423] : memref<4x128x64xi32, #tpu.memory_space<vmem>> -> memref<1x128x64xi32, #tpu.memory_space<vmem>>
        %dma_start3A_425 = tpu.memref_squeeze %dma_start3A_424 : memref<1x128x64xi32, #tpu.memory_space<vmem>> -> memref<128x64xi32, #tpu.memory_space<vmem>>
        %dma_start3A_426 = arith.constant 64 : i32
        %dma_start3A_427 = arith.constant 0 : i32
        %dma_start3A_428 = tpu.memref_slice %dma_start3A_425[%dma_start3A_426, %dma_start3A_427] : memref<128x64xi32, #tpu.memory_space<vmem>> -> memref<64x64xi32, #tpu.memory_space<vmem>>
        tpu.enqueue_dma source(%dma_start3A_428 : memref<64x64xi32, #tpu.memory_space<vmem>>) target(%dma_start3A_421 : memref<64x64xi32, #tpu.memory_space<hbm>>) target_semaphore(%arg10 : memref<!tpu.dma_semaphore, #tpu.memory_space<semaphore_mem>>)
      } else {
      }
      %ge3A_112 = arith.constant 2500 : i32
      %ge3A_113 = arith.cmpi sge, %add3A_106, %ge3A_112 : i32
      %convert_element_type3A_114 = arith.extui %ge3A_113 : i1 to i32
      %cond3A_115 = arith.constant 0 : i32
      %cond3A_116 = arith.cmpi ne, %convert_element_type3A_114, %cond3A_115 : i32
      scf.if %cond3A_116 {
        %sub3A = arith.constant 2500 : i32
        %sub3A_379 = arith.subi %add3A_106, %sub3A : i32
        %mul3A_380 = arith.constant 64 : i32
        %mul3A_381 = arith.muli %sub3A_379, %mul3A_380 : i32
        %dma_start3A_382 = arith.constant 0 : i32
        %dma_start3A_383 = arith.constant 0 : i32
        %dma_start3A_384 = tpu.memref_slice %arg7[%while3A_35, %dma_start3A_382, %dma_start3A_383] : memref<4x128x64xi32, #tpu.memory_space<vmem>> -> memref<1x128x64xi32, #tpu.memory_space<vmem>>
        %dma_start3A_385 = tpu.memref_squeeze %dma_start3A_384 : memref<1x128x64xi32, #tpu.memory_space<vmem>> -> memref<128x64xi32, #tpu.memory_space<vmem>>
        %dma_start3A_386 = arith.constant 0 : i32
        %dma_start3A_387 = arith.constant 0 : i32
        %dma_start3A_388 = tpu.memref_slice %dma_start3A_385[%dma_start3A_386, %dma_start3A_387] : memref<128x64xi32, #tpu.memory_space<vmem>> -> memref<64x64xi32, #tpu.memory_space<vmem>>
        %dma_start3A_389 = arith.constant 0 : i32
        %dma_start3A_390 = tpu.memref_slice %arg5[%mul3A_381, %dma_start3A_389] : memref<12032x128xi32, #tpu.memory_space<hbm>> -> memref<64x128xi32, #tpu.memory_space<hbm>>
        %dma_start3A_391 = arith.constant 0 : i32
        %dma_start3A_392 = arith.constant 0 : i32
        %dma_start3A_393 = tpu.memref_slice %dma_start3A_390[%dma_start3A_391, %dma_start3A_392] : memref<64x128xi32, #tpu.memory_space<hbm>> -> memref<64x64xi32, #tpu.memory_space<hbm>>
        %dma_start3A_394 = arith.constant 0 : i32
        %dma_start3A_395 = tpu.memref_slice %arg5[%mul3A_381, %dma_start3A_394] : memref<12032x128xi32, #tpu.memory_space<hbm>> -> memref<64x128xi32, #tpu.memory_space<hbm>>
        %dma_start3A_396 = arith.constant 0 : i32
        %dma_start3A_397 = arith.constant 0 : i32
        %dma_start3A_398 = tpu.memref_slice %dma_start3A_395[%dma_start3A_396, %dma_start3A_397] : memref<64x128xi32, #tpu.memory_space<hbm>> -> memref<64x64xi32, #tpu.memory_space<hbm>>
        %dma_start3A_399 = arith.constant 0 : i32
        %dma_start3A_400 = arith.constant 0 : i32
        %dma_start3A_401 = tpu.memref_slice %arg7[%while3A_35, %dma_start3A_399, %dma_start3A_400] : memref<4x128x64xi32, #tpu.memory_space<vmem>> -> memref<1x128x64xi32, #tpu.memory_space<vmem>>
        %dma_start3A_402 = tpu.memref_squeeze %dma_start3A_401 : memref<1x128x64xi32, #tpu.memory_space<vmem>> -> memref<128x64xi32, #tpu.memory_space<vmem>>
        %dma_start3A_403 = arith.constant 0 : i32
        %dma_start3A_404 = arith.constant 0 : i32
        %dma_start3A_405 = tpu.memref_slice %dma_start3A_402[%dma_start3A_403, %dma_start3A_404] : memref<128x64xi32, #tpu.memory_space<vmem>> -> memref<64x64xi32, #tpu.memory_space<vmem>>
        tpu.enqueue_dma source(%dma_start3A_405 : memref<64x64xi32, #tpu.memory_space<vmem>>) target(%dma_start3A_398 : memref<64x64xi32, #tpu.memory_space<hbm>>) target_semaphore(%arg10 : memref<!tpu.dma_semaphore, #tpu.memory_space<semaphore_mem>>)
        %dma_start3A_406 = arith.constant 0 : i32
        %dma_start3A_407 = arith.constant 0 : i32
        %dma_start3A_408 = tpu.memref_slice %arg7[%while3A_35, %dma_start3A_406, %dma_start3A_407] : memref<4x128x64xi32, #tpu.memory_space<vmem>> -> memref<1x128x64xi32, #tpu.memory_space<vmem>>
        %dma_start3A_409 = tpu.memref_squeeze %dma_start3A_408 : memref<1x128x64xi32, #tpu.memory_space<vmem>> -> memref<128x64xi32, #tpu.memory_space<vmem>>
        %dma_start3A_410 = arith.constant 64 : i32
        %dma_start3A_411 = arith.constant 0 : i32
        %dma_start3A_412 = tpu.memref_slice %dma_start3A_409[%dma_start3A_410, %dma_start3A_411] : memref<128x64xi32, #tpu.memory_space<vmem>> -> memref<64x64xi32, #tpu.memory_space<vmem>>
        %dma_start3A_413 = arith.constant 0 : i32
        %dma_start3A_414 = tpu.memref_slice %arg5[%mul3A_381, %dma_start3A_413] : memref<12032x128xi32, #tpu.memory_space<hbm>> -> memref<64x128xi32, #tpu.memory_space<hbm>>
        %dma_start3A_415 = arith.constant 0 : i32
        %dma_start3A_416 = arith.constant 64 : i32
        %dma_start3A_417 = tpu.memref_slice %dma_start3A_414[%dma_start3A_415, %dma_start3A_416] : memref<64x128xi32, #tpu.memory_space<hbm>> -> memref<64x64xi32, #tpu.memory_space<hbm>>
        %dma_start3A_418 = arith.constant 0 : i32
        %dma_start3A_419 = tpu.memref_slice %arg5[%mul3A_381, %dma_start3A_418] : memref<12032x128xi32, #tpu.memory_space<hbm>> -> memref<64x128xi32, #tpu.memory_space<hbm>>
        %dma_start3A_420 = arith.constant 0 : i32
        %dma_start3A_421 = arith.constant 64 : i32
        %dma_start3A_422 = tpu.memref_slice %dma_start3A_419[%dma_start3A_420, %dma_start3A_421] : memref<64x128xi32, #tpu.memory_space<hbm>> -> memref<64x64xi32, #tpu.memory_space<hbm>>
        %dma_start3A_423 = arith.constant 0 : i32
        %dma_start3A_424 = arith.constant 0 : i32
        %dma_start3A_425 = tpu.memref_slice %arg7[%while3A_35, %dma_start3A_423, %dma_start3A_424] : memref<4x128x64xi32, #tpu.memory_space<vmem>> -> memref<1x128x64xi32, #tpu.memory_space<vmem>>
        %dma_start3A_426 = tpu.memref_squeeze %dma_start3A_425 : memref<1x128x64xi32, #tpu.memory_space<vmem>> -> memref<128x64xi32, #tpu.memory_space<vmem>>
        %dma_start3A_427 = arith.constant 64 : i32
        %dma_start3A_428 = arith.constant 0 : i32
        %dma_start3A_429 = tpu.memref_slice %dma_start3A_426[%dma_start3A_427, %dma_start3A_428] : memref<128x64xi32, #tpu.memory_space<vmem>> -> memref<64x64xi32, #tpu.memory_space<vmem>>
        tpu.enqueue_dma source(%dma_start3A_429 : memref<64x64xi32, #tpu.memory_space<vmem>>) target(%dma_start3A_422 : memref<64x64xi32, #tpu.memory_space<hbm>>) target_semaphore(%arg10 : memref<!tpu.dma_semaphore, #tpu.memory_space<semaphore_mem>>)
      } else {
      }
      %dma_wait3A_117 = arith.constant 0 : i32
      %dma_wait3A_118 = arith.constant 0 : i32
      %dma_wait3A_119 = tpu.memref_slice %arg7[%while3A_34, %dma_wait3A_117, %dma_wait3A_118] : memref<4x128x64xi32, #tpu.memory_space<vmem>> -> memref<1x128x64xi32, #tpu.memory_space<vmem>>
      %dma_wait3A_120 = tpu.memref_squeeze %dma_wait3A_119 : memref<1x128x64xi32, #tpu.memory_space<vmem>> -> memref<128x64xi32, #tpu.memory_space<vmem>>
      %dma_wait3A_121 = arith.constant 0 : i32
      %dma_wait3A_122 = arith.constant 0 : i32
      %dma_wait3A_123 = tpu.memref_slice %dma_wait3A_120[%dma_wait3A_121, %dma_wait3A_122] : memref<128x64xi32, #tpu.memory_space<vmem>> -> memref<64x64xi32, #tpu.memory_space<vmem>>
      %dma_wait3A_124 = arith.constant 0 : i32
      %dma_wait3A_125 = arith.constant 0 : i32
      %dma_wait3A_126 = tpu.memref_slice %arg4[%dma_wait3A_124, %dma_wait3A_125] : memref<160000x128xi32, #tpu.memory_space<hbm>> -> memref<64x128xi32, #tpu.memory_space<hbm>>
      %dma_wait3A_127 = arith.constant 0 : i32
      %dma_wait3A_128 = arith.constant 0 : i32
      %dma_wait3A_129 = tpu.memref_slice %dma_wait3A_126[%dma_wait3A_127, %dma_wait3A_128] : memref<64x128xi32, #tpu.memory_space<hbm>> -> memref<64x64xi32, #tpu.memory_space<hbm>>
      %dma_wait3A_130 = arith.constant 0 : i32
      %dma_wait3A_131 = arith.constant 0 : i32
      %dma_wait3A_132 = tpu.memref_slice %arg4[%dma_wait3A_130, %dma_wait3A_131] : memref<160000x128xi32, #tpu.memory_space<hbm>> -> memref<64x128xi32, #tpu.memory_space<hbm>>
      %dma_wait3A_133 = arith.constant 0 : i32
      %dma_wait3A_134 = arith.constant 0 : i32
      %dma_wait3A_135 = tpu.memref_slice %dma_wait3A_132[%dma_wait3A_133, %dma_wait3A_134] : memref<64x128xi32, #tpu.memory_space<hbm>> -> memref<64x64xi32, #tpu.memory_space<hbm>>
      %dma_wait3A_136 = arith.constant 0 : i32
      %dma_wait3A_137 = arith.constant 0 : i32
      %dma_wait3A_138 = tpu.memref_slice %arg7[%while3A_34, %dma_wait3A_136, %dma_wait3A_137] : memref<4x128x64xi32, #tpu.memory_space<vmem>> -> memref<1x128x64xi32, #tpu.memory_space<vmem>>
      %dma_wait3A_139 = tpu.memref_squeeze %dma_wait3A_138 : memref<1x128x64xi32, #tpu.memory_space<vmem>> -> memref<128x64xi32, #tpu.memory_space<vmem>>
      %dma_wait3A_140 = arith.constant 0 : i32
      %dma_wait3A_141 = arith.constant 0 : i32
      %dma_wait3A_142 = tpu.memref_slice %dma_wait3A_139[%dma_wait3A_140, %dma_wait3A_141] : memref<128x64xi32, #tpu.memory_space<vmem>> -> memref<64x64xi32, #tpu.memory_space<vmem>>
      tpu.wait_dma2 semaphore(%arg10 : memref<!tpu.dma_semaphore, #tpu.memory_space<semaphore_mem>>) src(%dma_wait3A_142 : memref<64x64xi32, #tpu.memory_space<vmem>>) dst(%dma_wait3A_135 : memref<64x64xi32, #tpu.memory_space<hbm>>)
      %dma_wait3A_143 = arith.constant 0 : i32
      %dma_wait3A_144 = arith.constant 0 : i32
      %dma_wait3A_145 = tpu.memref_slice %arg7[%while3A_34, %dma_wait3A_143, %dma_wait3A_144] : memref<4x128x64xi32, #tpu.memory_space<vmem>> -> memref<1x128x64xi32, #tpu.memory_space<vmem>>
      %dma_wait3A_146 = tpu.memref_squeeze %dma_wait3A_145 : memref<1x128x64xi32, #tpu.memory_space<vmem>> -> memref<128x64xi32, #tpu.memory_space<vmem>>
      %dma_wait3A_147 = arith.constant 64 : i32
      %dma_wait3A_148 = arith.constant 0 : i32
      %dma_wait3A_149 = tpu.memref_slice %dma_wait3A_146[%dma_wait3A_147, %dma_wait3A_148] : memref<128x64xi32, #tpu.memory_space<vmem>> -> memref<64x64xi32, #tpu.memory_space<vmem>>
      %dma_wait3A_150 = arith.constant 0 : i32
      %dma_wait3A_151 = arith.constant 0 : i32
      %dma_wait3A_152 = tpu.memref_slice %arg4[%dma_wait3A_150, %dma_wait3A_151] : memref<160000x128xi32, #tpu.memory_space<hbm>> -> memref<64x128xi32, #tpu.memory_space<hbm>>
      %dma_wait3A_153 = arith.constant 0 : i32
      %dma_wait3A_154 = arith.constant 64 : i32
      %dma_wait3A_155 = tpu.memref_slice %dma_wait3A_152[%dma_wait3A_153, %dma_wait3A_154] : memref<64x128xi32, #tpu.memory_space<hbm>> -> memref<64x64xi32, #tpu.memory_space<hbm>>
      %dma_wait3A_156 = arith.constant 0 : i32
      %dma_wait3A_157 = arith.constant 0 : i32
      %dma_wait3A_158 = tpu.memref_slice %arg4[%dma_wait3A_156, %dma_wait3A_157] : memref<160000x128xi32, #tpu.memory_space<hbm>> -> memref<64x128xi32, #tpu.memory_space<hbm>>
      %dma_wait3A_159 = arith.constant 0 : i32
      %dma_wait3A_160 = arith.constant 64 : i32
      %dma_wait3A_161 = tpu.memref_slice %dma_wait3A_158[%dma_wait3A_159, %dma_wait3A_160] : memref<64x128xi32, #tpu.memory_space<hbm>> -> memref<64x64xi32, #tpu.memory_space<hbm>>
      %dma_wait3A_162 = arith.constant 0 : i32
      %dma_wait3A_163 = arith.constant 0 : i32
      %dma_wait3A_164 = tpu.memref_slice %arg7[%while3A_34, %dma_wait3A_162, %dma_wait3A_163] : memref<4x128x64xi32, #tpu.memory_space<vmem>> -> memref<1x128x64xi32, #tpu.memory_space<vmem>>
      %dma_wait3A_165 = tpu.memref_squeeze %dma_wait3A_164 : memref<1x128x64xi32, #tpu.memory_space<vmem>> -> memref<128x64xi32, #tpu.memory_space<vmem>>
      %dma_wait3A_166 = arith.constant 64 : i32
      %dma_wait3A_167 = arith.constant 0 : i32
      %dma_wait3A_168 = tpu.memref_slice %dma_wait3A_165[%dma_wait3A_166, %dma_wait3A_167] : memref<128x64xi32, #tpu.memory_space<vmem>> -> memref<64x64xi32, #tpu.memory_space<vmem>>
      tpu.wait_dma2 semaphore(%arg10 : memref<!tpu.dma_semaphore, #tpu.memory_space<semaphore_mem>>) src(%dma_wait3A_168 : memref<64x64xi32, #tpu.memory_space<vmem>>) dst(%dma_wait3A_161 : memref<64x64xi32, #tpu.memory_space<hbm>>)
      %dma_wait3A_169 = arith.constant 0 : i32
      %dma_wait3A_170 = arith.constant 0 : i32
      %dma_wait3A_171 = tpu.memref_slice %arg7[%while3A_35, %dma_wait3A_169, %dma_wait3A_170] : memref<4x128x64xi32, #tpu.memory_space<vmem>> -> memref<1x128x64xi32, #tpu.memory_space<vmem>>
      %dma_wait3A_172 = tpu.memref_squeeze %dma_wait3A_171 : memref<1x128x64xi32, #tpu.memory_space<vmem>> -> memref<128x64xi32, #tpu.memory_space<vmem>>
      %dma_wait3A_173 = arith.constant 0 : i32
      %dma_wait3A_174 = arith.constant 0 : i32
      %dma_wait3A_175 = tpu.memref_slice %dma_wait3A_172[%dma_wait3A_173, %dma_wait3A_174] : memref<128x64xi32, #tpu.memory_space<vmem>> -> memref<64x64xi32, #tpu.memory_space<vmem>>
      %dma_wait3A_176 = arith.constant 0 : i32
      %dma_wait3A_177 = arith.constant 0 : i32
      %dma_wait3A_178 = tpu.memref_slice %arg4[%dma_wait3A_176, %dma_wait3A_177] : memref<160000x128xi32, #tpu.memory_space<hbm>> -> memref<64x128xi32, #tpu.memory_space<hbm>>
      %dma_wait3A_179 = arith.constant 0 : i32
      %dma_wait3A_180 = arith.constant 0 : i32
      %dma_wait3A_181 = tpu.memref_slice %dma_wait3A_178[%dma_wait3A_179, %dma_wait3A_180] : memref<64x128xi32, #tpu.memory_space<hbm>> -> memref<64x64xi32, #tpu.memory_space<hbm>>
      %dma_wait3A_182 = arith.constant 0 : i32
      %dma_wait3A_183 = arith.constant 0 : i32
      %dma_wait3A_184 = tpu.memref_slice %arg4[%dma_wait3A_182, %dma_wait3A_183] : memref<160000x128xi32, #tpu.memory_space<hbm>> -> memref<64x128xi32, #tpu.memory_space<hbm>>
      %dma_wait3A_185 = arith.constant 0 : i32
      %dma_wait3A_186 = arith.constant 0 : i32
      %dma_wait3A_187 = tpu.memref_slice %dma_wait3A_184[%dma_wait3A_185, %dma_wait3A_186] : memref<64x128xi32, #tpu.memory_space<hbm>> -> memref<64x64xi32, #tpu.memory_space<hbm>>
      %dma_wait3A_188 = arith.constant 0 : i32
      %dma_wait3A_189 = arith.constant 0 : i32
      %dma_wait3A_190 = tpu.memref_slice %arg7[%while3A_35, %dma_wait3A_188, %dma_wait3A_189] : memref<4x128x64xi32, #tpu.memory_space<vmem>> -> memref<1x128x64xi32, #tpu.memory_space<vmem>>
      %dma_wait3A_191 = tpu.memref_squeeze %dma_wait3A_190 : memref<1x128x64xi32, #tpu.memory_space<vmem>> -> memref<128x64xi32, #tpu.memory_space<vmem>>
      %dma_wait3A_192 = arith.constant 0 : i32
      %dma_wait3A_193 = arith.constant 0 : i32
      %dma_wait3A_194 = tpu.memref_slice %dma_wait3A_191[%dma_wait3A_192, %dma_wait3A_193] : memref<128x64xi32, #tpu.memory_space<vmem>> -> memref<64x64xi32, #tpu.memory_space<vmem>>
      tpu.wait_dma2 semaphore(%arg10 : memref<!tpu.dma_semaphore, #tpu.memory_space<semaphore_mem>>) src(%dma_wait3A_194 : memref<64x64xi32, #tpu.memory_space<vmem>>) dst(%dma_wait3A_187 : memref<64x64xi32, #tpu.memory_space<hbm>>)
      %dma_wait3A_195 = arith.constant 0 : i32
      %dma_wait3A_196 = arith.constant 0 : i32
      %dma_wait3A_197 = tpu.memref_slice %arg7[%while3A_35, %dma_wait3A_195, %dma_wait3A_196] : memref<4x128x64xi32, #tpu.memory_space<vmem>> -> memref<1x128x64xi32, #tpu.memory_space<vmem>>
      %dma_wait3A_198 = tpu.memref_squeeze %dma_wait3A_197 : memref<1x128x64xi32, #tpu.memory_space<vmem>> -> memref<128x64xi32, #tpu.memory_space<vmem>>
      %dma_wait3A_199 = arith.constant 64 : i32
      %dma_wait3A_200 = arith.constant 0 : i32
      %dma_wait3A_201 = tpu.memref_slice %dma_wait3A_198[%dma_wait3A_199, %dma_wait3A_200] : memref<128x64xi32, #tpu.memory_space<vmem>> -> memref<64x64xi32, #tpu.memory_space<vmem>>
      %dma_wait3A_202 = arith.constant 0 : i32
      %dma_wait3A_203 = arith.constant 0 : i32
      %dma_wait3A_204 = tpu.memref_slice %arg4[%dma_wait3A_202, %dma_wait3A_203] : memref<160000x128xi32, #tpu.memory_space<hbm>> -> memref<64x128xi32, #tpu.memory_space<hbm>>
      %dma_wait3A_205 = arith.constant 0 : i32
      %dma_wait3A_206 = arith.constant 64 : i32
      %dma_wait3A_207 = tpu.memref_slice %dma_wait3A_204[%dma_wait3A_205, %dma_wait3A_206] : memref<64x128xi32, #tpu.memory_space<hbm>> -> memref<64x64xi32, #tpu.memory_space<hbm>>
      %dma_wait3A_208 = arith.constant 0 : i32
      %dma_wait3A_209 = arith.constant 0 : i32
      %dma_wait3A_210 = tpu.memref_slice %arg4[%dma_wait3A_208, %dma_wait3A_209] : memref<160000x128xi32, #tpu.memory_space<hbm>> -> memref<64x128xi32, #tpu.memory_space<hbm>>
      %dma_wait3A_211 = arith.constant 0 : i32
      %dma_wait3A_212 = arith.constant 64 : i32
      %dma_wait3A_213 = tpu.memref_slice %dma_wait3A_210[%dma_wait3A_211, %dma_wait3A_212] : memref<64x128xi32, #tpu.memory_space<hbm>> -> memref<64x64xi32, #tpu.memory_space<hbm>>
      %dma_wait3A_214 = arith.constant 0 : i32
      %dma_wait3A_215 = arith.constant 0 : i32
      %dma_wait3A_216 = tpu.memref_slice %arg7[%while3A_35, %dma_wait3A_214, %dma_wait3A_215] : memref<4x128x64xi32, #tpu.memory_space<vmem>> -> memref<1x128x64xi32, #tpu.memory_space<vmem>>
      %dma_wait3A_217 = tpu.memref_squeeze %dma_wait3A_216 : memref<1x128x64xi32, #tpu.memory_space<vmem>> -> memref<128x64xi32, #tpu.memory_space<vmem>>
      %dma_wait3A_218 = arith.constant 64 : i32
      %dma_wait3A_219 = arith.constant 0 : i32
      %dma_wait3A_220 = tpu.memref_slice %dma_wait3A_217[%dma_wait3A_218, %dma_wait3A_219] : memref<128x64xi32, #tpu.memory_space<vmem>> -> memref<64x64xi32, #tpu.memory_space<vmem>>
      tpu.wait_dma2 semaphore(%arg10 : memref<!tpu.dma_semaphore, #tpu.memory_space<semaphore_mem>>) src(%dma_wait3A_220 : memref<64x64xi32, #tpu.memory_space<vmem>>) dst(%dma_wait3A_213 : memref<64x64xi32, #tpu.memory_space<hbm>>)
      %add3A_221 = arith.constant 1 : i32
      %add3A_222 = arith.addi %while3A_45, %add3A_221 : i32
      %lt3A_223 = arith.cmpi slt, %add3A_222, %select_n3A_8 : i32
      %convert_element_type3A_224 = arith.extui %lt3A_223 : i1 to i32
      %cond3A_225 = arith.constant 0 : i32
      %cond3A_226 = arith.cmpi ne, %convert_element_type3A_224, %cond3A_225 : i32
      scf.if %cond3A_226 {
        %add3A_379 = arith.constant 4 : i32
        %add3A_380 = arith.addi %mul3A_47, %add3A_379 : i32
        %add3A_381 = arith.constant 0 : i32
        %add3A_382 = arith.addi %add3A_380, %add3A_381 : i32
        %dma_start3A_383 = arith.constant 0 : i32
        %dma_start3A_384 = arith.constant 0 : i32
        %dma_start3A_385 = tpu.memref_slice %arg7[%while3A_34, %dma_start3A_383, %dma_start3A_384] : memref<4x128x64xi32, #tpu.memory_space<vmem>> -> memref<1x128x64xi32, #tpu.memory_space<vmem>>
        %dma_start3A_386 = tpu.memref_squeeze %dma_start3A_385 : memref<1x128x64xi32, #tpu.memory_space<vmem>> -> memref<128x64xi32, #tpu.memory_space<vmem>>
        %dma_start3A_387 = arith.constant 0 : i32
        %dma_start3A_388 = tpu.memref_slice %arg6[%add3A_382, %dma_start3A_387] : memref<116x128xi32, #tpu.memory_space<vmem>> -> memref<1x128xi32, #tpu.memory_space<vmem>>
        %dma_start3A_389 = tpu.memref_squeeze %dma_start3A_388 : memref<1x128xi32, #tpu.memory_space<vmem>> -> memref<128xi32, #tpu.memory_space<vmem>>
        %dma_start3A_390 = arith.constant 0 : i32
        %dma_start3A_391 = arith.constant 0 : i32
        %dma_start3A_392 = tpu.memref_slice %arg3[%dma_start3A_390, %dma_start3A_391] : memref<100000x64xi32, #tpu.memory_space<hbm>> -> memref<100000x64xi32, #tpu.memory_space<hbm>>
        tpu.enqueue_indirect_dma source(%dma_start3A_392 : memref<100000x64xi32, #tpu.memory_space<hbm>>) target(%dma_start3A_386 : memref<128x64xi32, #tpu.memory_space<vmem>>) offsets(%dma_start3A_389 : memref<128xi32, #tpu.memory_space<vmem>>) semaphore(%arg8 : memref<!tpu.dma_semaphore, #tpu.memory_space<semaphore_mem>>)
        %add3A_393 = arith.constant 4 : i32
        %add3A_394 = arith.addi %mul3A_47, %add3A_393 : i32
        %add3A_395 = arith.constant 1 : i32
        %add3A_396 = arith.addi %add3A_394, %add3A_395 : i32
        %dma_start3A_397 = arith.constant 0 : i32
        %dma_start3A_398 = arith.constant 0 : i32
        %dma_start3A_399 = tpu.memref_slice %arg7[%while3A_35, %dma_start3A_397, %dma_start3A_398] : memref<4x128x64xi32, #tpu.memory_space<vmem>> -> memref<1x128x64xi32, #tpu.memory_space<vmem>>
        %dma_start3A_400 = tpu.memref_squeeze %dma_start3A_399 : memref<1x128x64xi32, #tpu.memory_space<vmem>> -> memref<128x64xi32, #tpu.memory_space<vmem>>
        %dma_start3A_401 = arith.constant 0 : i32
        %dma_start3A_402 = tpu.memref_slice %arg6[%add3A_396, %dma_start3A_401] : memref<116x128xi32, #tpu.memory_space<vmem>> -> memref<1x128xi32, #tpu.memory_space<vmem>>
        %dma_start3A_403 = tpu.memref_squeeze %dma_start3A_402 : memref<1x128xi32, #tpu.memory_space<vmem>> -> memref<128xi32, #tpu.memory_space<vmem>>
        %dma_start3A_404 = arith.constant 0 : i32
        %dma_start3A_405 = arith.constant 0 : i32
        %dma_start3A_406 = tpu.memref_slice %arg3[%dma_start3A_404, %dma_start3A_405] : memref<100000x64xi32, #tpu.memory_space<hbm>> -> memref<100000x64xi32, #tpu.memory_space<hbm>>
        tpu.enqueue_indirect_dma source(%dma_start3A_406 : memref<100000x64xi32, #tpu.memory_space<hbm>>) target(%dma_start3A_400 : memref<128x64xi32, #tpu.memory_space<vmem>>) offsets(%dma_start3A_403 : memref<128xi32, #tpu.memory_space<vmem>>) semaphore(%arg8 : memref<!tpu.dma_semaphore, #tpu.memory_space<semaphore_mem>>)
      } else {
      }
      %dma_wait3A_227 = arith.constant 0 : i32
      %dma_wait3A_228 = arith.constant 0 : i32
      %dma_wait3A_229 = arith.constant 0 : i32
      %dma_wait3A_230 = tpu.memref_slice %arg7[%while3A_32, %dma_wait3A_228, %dma_wait3A_229] : memref<4x128x64xi32, #tpu.memory_space<vmem>> -> memref<1x128x64xi32, #tpu.memory_space<vmem>>
      %dma_wait3A_231 = tpu.memref_squeeze %dma_wait3A_230 : memref<1x128x64xi32, #tpu.memory_space<vmem>> -> memref<128x64xi32, #tpu.memory_space<vmem>>
      %dma_wait3A_232 = arith.constant 0 : i32
      %dma_wait3A_233 = tpu.memref_slice %arg6[%dma_wait3A_227, %dma_wait3A_232] : memref<116x128xi32, #tpu.memory_space<vmem>> -> memref<1x128xi32, #tpu.memory_space<vmem>>
      %dma_wait3A_234 = tpu.memref_squeeze %dma_wait3A_233 : memref<1x128xi32, #tpu.memory_space<vmem>> -> memref<128xi32, #tpu.memory_space<vmem>>
      %dma_wait3A_235 = arith.constant 0 : i32
      %dma_wait3A_236 = arith.constant 0 : i32
      %dma_wait3A_237 = tpu.memref_slice %arg3[%dma_wait3A_235, %dma_wait3A_236] : memref<100000x64xi32, #tpu.memory_space<hbm>> -> memref<100000x64xi32, #tpu.memory_space<hbm>>
      tpu.wait_indirect_dma semaphore(%arg9 : memref<!tpu.dma_semaphore, #tpu.memory_space<semaphore_mem>>) src(%dma_wait3A_237 : memref<100000x64xi32, #tpu.memory_space<hbm>>) dst(%dma_wait3A_231 : memref<128x64xi32, #tpu.memory_space<vmem>>)
      %dma_wait3A_238 = arith.constant 0 : i32
      %dma_wait3A_239 = arith.constant 0 : i32
      %dma_wait3A_240 = arith.constant 0 : i32
      %dma_wait3A_241 = tpu.memref_slice %arg7[%while3A_33, %dma_wait3A_239, %dma_wait3A_240] : memref<4x128x64xi32, #tpu.memory_space<vmem>> -> memref<1x128x64xi32, #tpu.memory_space<vmem>>
      %dma_wait3A_242 = tpu.memref_squeeze %dma_wait3A_241 : memref<1x128x64xi32, #tpu.memory_space<vmem>> -> memref<128x64xi32, #tpu.memory_space<vmem>>
      %dma_wait3A_243 = arith.constant 0 : i32
      %dma_wait3A_244 = tpu.memref_slice %arg6[%dma_wait3A_238, %dma_wait3A_243] : memref<116x128xi32, #tpu.memory_space<vmem>> -> memref<1x128xi32, #tpu.memory_space<vmem>>
      %dma_wait3A_245 = tpu.memref_squeeze %dma_wait3A_244 : memref<1x128xi32, #tpu.memory_space<vmem>> -> memref<128xi32, #tpu.memory_space<vmem>>
      %dma_wait3A_246 = arith.constant 0 : i32
      %dma_wait3A_247 = arith.constant 0 : i32
      %dma_wait3A_248 = tpu.memref_slice %arg3[%dma_wait3A_246, %dma_wait3A_247] : memref<100000x64xi32, #tpu.memory_space<hbm>> -> memref<100000x64xi32, #tpu.memory_space<hbm>>
      tpu.wait_indirect_dma semaphore(%arg9 : memref<!tpu.dma_semaphore, #tpu.memory_space<semaphore_mem>>) src(%dma_wait3A_248 : memref<100000x64xi32, #tpu.memory_space<hbm>>) dst(%dma_wait3A_242 : memref<128x64xi32, #tpu.memory_space<vmem>>)
      %add3A_249 = arith.constant 0 : i32
      %add3A_250 = arith.addi %add3A_49, %add3A_249 : i32
      %add3A_251 = arith.addi %select_n3A, %add3A_250 : i32
      %lt3A_252 = arith.constant 2500 : i32
      %lt3A_253 = arith.cmpi slt, %add3A_251, %lt3A_252 : i32
      %convert_element_type3A_254 = arith.extui %lt3A_253 : i1 to i32
      %cond3A_255 = arith.constant 0 : i32
      %cond3A_256 = arith.cmpi ne, %convert_element_type3A_254, %cond3A_255 : i32
      scf.if %cond3A_256 {
        %mul3A_379 = arith.constant 64 : i32
        %mul3A_380 = arith.muli %add3A_251, %mul3A_379 : i32
        %dma_start3A_381 = arith.constant 0 : i32
        %dma_start3A_382 = arith.constant 0 : i32
        %dma_start3A_383 = tpu.memref_slice %arg7[%while3A_32, %dma_start3A_381, %dma_start3A_382] : memref<4x128x64xi32, #tpu.memory_space<vmem>> -> memref<1x128x64xi32, #tpu.memory_space<vmem>>
        %dma_start3A_384 = tpu.memref_squeeze %dma_start3A_383 : memref<1x128x64xi32, #tpu.memory_space<vmem>> -> memref<128x64xi32, #tpu.memory_space<vmem>>
        %dma_start3A_385 = arith.constant 0 : i32
        %dma_start3A_386 = arith.constant 0 : i32
        %dma_start3A_387 = tpu.memref_slice %dma_start3A_384[%dma_start3A_385, %dma_start3A_386] : memref<128x64xi32, #tpu.memory_space<vmem>> -> memref<64x64xi32, #tpu.memory_space<vmem>>
        %dma_start3A_388 = arith.constant 0 : i32
        %dma_start3A_389 = tpu.memref_slice %arg4[%mul3A_380, %dma_start3A_388] : memref<160000x128xi32, #tpu.memory_space<hbm>> -> memref<64x128xi32, #tpu.memory_space<hbm>>
        %dma_start3A_390 = arith.constant 0 : i32
        %dma_start3A_391 = arith.constant 0 : i32
        %dma_start3A_392 = tpu.memref_slice %dma_start3A_389[%dma_start3A_390, %dma_start3A_391] : memref<64x128xi32, #tpu.memory_space<hbm>> -> memref<64x64xi32, #tpu.memory_space<hbm>>
        %dma_start3A_393 = arith.constant 0 : i32
        %dma_start3A_394 = tpu.memref_slice %arg4[%mul3A_380, %dma_start3A_393] : memref<160000x128xi32, #tpu.memory_space<hbm>> -> memref<64x128xi32, #tpu.memory_space<hbm>>
        %dma_start3A_395 = arith.constant 0 : i32
        %dma_start3A_396 = arith.constant 0 : i32
        %dma_start3A_397 = tpu.memref_slice %dma_start3A_394[%dma_start3A_395, %dma_start3A_396] : memref<64x128xi32, #tpu.memory_space<hbm>> -> memref<64x64xi32, #tpu.memory_space<hbm>>
        %dma_start3A_398 = arith.constant 0 : i32
        %dma_start3A_399 = arith.constant 0 : i32
        %dma_start3A_400 = tpu.memref_slice %arg7[%while3A_32, %dma_start3A_398, %dma_start3A_399] : memref<4x128x64xi32, #tpu.memory_space<vmem>> -> memref<1x128x64xi32, #tpu.memory_space<vmem>>
        %dma_start3A_401 = tpu.memref_squeeze %dma_start3A_400 : memref<1x128x64xi32, #tpu.memory_space<vmem>> -> memref<128x64xi32, #tpu.memory_space<vmem>>
        %dma_start3A_402 = arith.constant 0 : i32
        %dma_start3A_403 = arith.constant 0 : i32
        %dma_start3A_404 = tpu.memref_slice %dma_start3A_401[%dma_start3A_402, %dma_start3A_403] : memref<128x64xi32, #tpu.memory_space<vmem>> -> memref<64x64xi32, #tpu.memory_space<vmem>>
        tpu.enqueue_dma source(%dma_start3A_404 : memref<64x64xi32, #tpu.memory_space<vmem>>) target(%dma_start3A_397 : memref<64x64xi32, #tpu.memory_space<hbm>>) target_semaphore(%arg11 : memref<!tpu.dma_semaphore, #tpu.memory_space<semaphore_mem>>)
        %dma_start3A_405 = arith.constant 0 : i32
        %dma_start3A_406 = arith.constant 0 : i32
        %dma_start3A_407 = tpu.memref_slice %arg7[%while3A_32, %dma_start3A_405, %dma_start3A_406] : memref<4x128x64xi32, #tpu.memory_space<vmem>> -> memref<1x128x64xi32, #tpu.memory_space<vmem>>
        %dma_start3A_408 = tpu.memref_squeeze %dma_start3A_407 : memref<1x128x64xi32, #tpu.memory_space<vmem>> -> memref<128x64xi32, #tpu.memory_space<vmem>>
        %dma_start3A_409 = arith.constant 64 : i32
        %dma_start3A_410 = arith.constant 0 : i32
        %dma_start3A_411 = tpu.memref_slice %dma_start3A_408[%dma_start3A_409, %dma_start3A_410] : memref<128x64xi32, #tpu.memory_space<vmem>> -> memref<64x64xi32, #tpu.memory_space<vmem>>
        %dma_start3A_412 = arith.constant 0 : i32
        %dma_start3A_413 = tpu.memref_slice %arg4[%mul3A_380, %dma_start3A_412] : memref<160000x128xi32, #tpu.memory_space<hbm>> -> memref<64x128xi32, #tpu.memory_space<hbm>>
        %dma_start3A_414 = arith.constant 0 : i32
        %dma_start3A_415 = arith.constant 64 : i32
        %dma_start3A_416 = tpu.memref_slice %dma_start3A_413[%dma_start3A_414, %dma_start3A_415] : memref<64x128xi32, #tpu.memory_space<hbm>> -> memref<64x64xi32, #tpu.memory_space<hbm>>
        %dma_start3A_417 = arith.constant 0 : i32
        %dma_start3A_418 = tpu.memref_slice %arg4[%mul3A_380, %dma_start3A_417] : memref<160000x128xi32, #tpu.memory_space<hbm>> -> memref<64x128xi32, #tpu.memory_space<hbm>>
        %dma_start3A_419 = arith.constant 0 : i32
        %dma_start3A_420 = arith.constant 64 : i32
        %dma_start3A_421 = tpu.memref_slice %dma_start3A_418[%dma_start3A_419, %dma_start3A_420] : memref<64x128xi32, #tpu.memory_space<hbm>> -> memref<64x64xi32, #tpu.memory_space<hbm>>
        %dma_start3A_422 = arith.constant 0 : i32
        %dma_start3A_423 = arith.constant 0 : i32
        %dma_start3A_424 = tpu.memref_slice %arg7[%while3A_32, %dma_start3A_422, %dma_start3A_423] : memref<4x128x64xi32, #tpu.memory_space<vmem>> -> memref<1x128x64xi32, #tpu.memory_space<vmem>>
        %dma_start3A_425 = tpu.memref_squeeze %dma_start3A_424 : memref<1x128x64xi32, #tpu.memory_space<vmem>> -> memref<128x64xi32, #tpu.memory_space<vmem>>
        %dma_start3A_426 = arith.constant 64 : i32
        %dma_start3A_427 = arith.constant 0 : i32
        %dma_start3A_428 = tpu.memref_slice %dma_start3A_425[%dma_start3A_426, %dma_start3A_427] : memref<128x64xi32, #tpu.memory_space<vmem>> -> memref<64x64xi32, #tpu.memory_space<vmem>>
        tpu.enqueue_dma source(%dma_start3A_428 : memref<64x64xi32, #tpu.memory_space<vmem>>) target(%dma_start3A_421 : memref<64x64xi32, #tpu.memory_space<hbm>>) target_semaphore(%arg11 : memref<!tpu.dma_semaphore, #tpu.memory_space<semaphore_mem>>)
      } else {
      }
      %ge3A_257 = arith.constant 2500 : i32
      %ge3A_258 = arith.cmpi sge, %add3A_251, %ge3A_257 : i32
      %convert_element_type3A_259 = arith.extui %ge3A_258 : i1 to i32
      %cond3A_260 = arith.constant 0 : i32
      %cond3A_261 = arith.cmpi ne, %convert_element_type3A_259, %cond3A_260 : i32
      scf.if %cond3A_261 {
        %sub3A = arith.constant 2500 : i32
        %sub3A_379 = arith.subi %add3A_251, %sub3A : i32
        %mul3A_380 = arith.constant 64 : i32
        %mul3A_381 = arith.muli %sub3A_379, %mul3A_380 : i32
        %dma_start3A_382 = arith.constant 0 : i32
        %dma_start3A_383 = arith.constant 0 : i32
        %dma_start3A_384 = tpu.memref_slice %arg7[%while3A_32, %dma_start3A_382, %dma_start3A_383] : memref<4x128x64xi32, #tpu.memory_space<vmem>> -> memref<1x128x64xi32, #tpu.memory_space<vmem>>
        %dma_start3A_385 = tpu.memref_squeeze %dma_start3A_384 : memref<1x128x64xi32, #tpu.memory_space<vmem>> -> memref<128x64xi32, #tpu.memory_space<vmem>>
        %dma_start3A_386 = arith.constant 0 : i32
        %dma_start3A_387 = arith.constant 0 : i32
        %dma_start3A_388 = tpu.memref_slice %dma_start3A_385[%dma_start3A_386, %dma_start3A_387] : memref<128x64xi32, #tpu.memory_space<vmem>> -> memref<64x64xi32, #tpu.memory_space<vmem>>
        %dma_start3A_389 = arith.constant 0 : i32
        %dma_start3A_390 = tpu.memref_slice %arg5[%mul3A_381, %dma_start3A_389] : memref<12032x128xi32, #tpu.memory_space<hbm>> -> memref<64x128xi32, #tpu.memory_space<hbm>>
        %dma_start3A_391 = arith.constant 0 : i32
        %dma_start3A_392 = arith.constant 0 : i32
        %dma_start3A_393 = tpu.memref_slice %dma_start3A_390[%dma_start3A_391, %dma_start3A_392] : memref<64x128xi32, #tpu.memory_space<hbm>> -> memref<64x64xi32, #tpu.memory_space<hbm>>
        %dma_start3A_394 = arith.constant 0 : i32
        %dma_start3A_395 = tpu.memref_slice %arg5[%mul3A_381, %dma_start3A_394] : memref<12032x128xi32, #tpu.memory_space<hbm>> -> memref<64x128xi32, #tpu.memory_space<hbm>>
        %dma_start3A_396 = arith.constant 0 : i32
        %dma_start3A_397 = arith.constant 0 : i32
        %dma_start3A_398 = tpu.memref_slice %dma_start3A_395[%dma_start3A_396, %dma_start3A_397] : memref<64x128xi32, #tpu.memory_space<hbm>> -> memref<64x64xi32, #tpu.memory_space<hbm>>
        %dma_start3A_399 = arith.constant 0 : i32
        %dma_start3A_400 = arith.constant 0 : i32
        %dma_start3A_401 = tpu.memref_slice %arg7[%while3A_32, %dma_start3A_399, %dma_start3A_400] : memref<4x128x64xi32, #tpu.memory_space<vmem>> -> memref<1x128x64xi32, #tpu.memory_space<vmem>>
        %dma_start3A_402 = tpu.memref_squeeze %dma_start3A_401 : memref<1x128x64xi32, #tpu.memory_space<vmem>> -> memref<128x64xi32, #tpu.memory_space<vmem>>
        %dma_start3A_403 = arith.constant 0 : i32
        %dma_start3A_404 = arith.constant 0 : i32
        %dma_start3A_405 = tpu.memref_slice %dma_start3A_402[%dma_start3A_403, %dma_start3A_404] : memref<128x64xi32, #tpu.memory_space<vmem>> -> memref<64x64xi32, #tpu.memory_space<vmem>>
        tpu.enqueue_dma source(%dma_start3A_405 : memref<64x64xi32, #tpu.memory_space<vmem>>) target(%dma_start3A_398 : memref<64x64xi32, #tpu.memory_space<hbm>>) target_semaphore(%arg11 : memref<!tpu.dma_semaphore, #tpu.memory_space<semaphore_mem>>)
        %dma_start3A_406 = arith.constant 0 : i32
        %dma_start3A_407 = arith.constant 0 : i32
        %dma_start3A_408 = tpu.memref_slice %arg7[%while3A_32, %dma_start3A_406, %dma_start3A_407] : memref<4x128x64xi32, #tpu.memory_space<vmem>> -> memref<1x128x64xi32, #tpu.memory_space<vmem>>
        %dma_start3A_409 = tpu.memref_squeeze %dma_start3A_408 : memref<1x128x64xi32, #tpu.memory_space<vmem>> -> memref<128x64xi32, #tpu.memory_space<vmem>>
        %dma_start3A_410 = arith.constant 64 : i32
        %dma_start3A_411 = arith.constant 0 : i32
        %dma_start3A_412 = tpu.memref_slice %dma_start3A_409[%dma_start3A_410, %dma_start3A_411] : memref<128x64xi32, #tpu.memory_space<vmem>> -> memref<64x64xi32, #tpu.memory_space<vmem>>
        %dma_start3A_413 = arith.constant 0 : i32
        %dma_start3A_414 = tpu.memref_slice %arg5[%mul3A_381, %dma_start3A_413] : memref<12032x128xi32, #tpu.memory_space<hbm>> -> memref<64x128xi32, #tpu.memory_space<hbm>>
        %dma_start3A_415 = arith.constant 0 : i32
        %dma_start3A_416 = arith.constant 64 : i32
        %dma_start3A_417 = tpu.memref_slice %dma_start3A_414[%dma_start3A_415, %dma_start3A_416] : memref<64x128xi32, #tpu.memory_space<hbm>> -> memref<64x64xi32, #tpu.memory_space<hbm>>
        %dma_start3A_418 = arith.constant 0 : i32
        %dma_start3A_419 = tpu.memref_slice %arg5[%mul3A_381, %dma_start3A_418] : memref<12032x128xi32, #tpu.memory_space<hbm>> -> memref<64x128xi32, #tpu.memory_space<hbm>>
        %dma_start3A_420 = arith.constant 0 : i32
        %dma_start3A_421 = arith.constant 64 : i32
        %dma_start3A_422 = tpu.memref_slice %dma_start3A_419[%dma_start3A_420, %dma_start3A_421] : memref<64x128xi32, #tpu.memory_space<hbm>> -> memref<64x64xi32, #tpu.memory_space<hbm>>
        %dma_start3A_423 = arith.constant 0 : i32
        %dma_start3A_424 = arith.constant 0 : i32
        %dma_start3A_425 = tpu.memref_slice %arg7[%while3A_32, %dma_start3A_423, %dma_start3A_424] : memref<4x128x64xi32, #tpu.memory_space<vmem>> -> memref<1x128x64xi32, #tpu.memory_space<vmem>>
        %dma_start3A_426 = tpu.memref_squeeze %dma_start3A_425 : memref<1x128x64xi32, #tpu.memory_space<vmem>> -> memref<128x64xi32, #tpu.memory_space<vmem>>
        %dma_start3A_427 = arith.constant 64 : i32
        %dma_start3A_428 = arith.constant 0 : i32
        %dma_start3A_429 = tpu.memref_slice %dma_start3A_426[%dma_start3A_427, %dma_start3A_428] : memref<128x64xi32, #tpu.memory_space<vmem>> -> memref<64x64xi32, #tpu.memory_space<vmem>>
        tpu.enqueue_dma source(%dma_start3A_429 : memref<64x64xi32, #tpu.memory_space<vmem>>) target(%dma_start3A_422 : memref<64x64xi32, #tpu.memory_space<hbm>>) target_semaphore(%arg11 : memref<!tpu.dma_semaphore, #tpu.memory_space<semaphore_mem>>)
      } else {
      }
      %add3A_262 = arith.constant 1 : i32
      %add3A_263 = arith.addi %add3A_49, %add3A_262 : i32
      %add3A_264 = arith.addi %select_n3A, %add3A_263 : i32
      %lt3A_265 = arith.constant 2500 : i32
      %lt3A_266 = arith.cmpi slt, %add3A_264, %lt3A_265 : i32
      %convert_element_type3A_267 = arith.extui %lt3A_266 : i1 to i32
      %cond3A_268 = arith.constant 0 : i32
      %cond3A_269 = arith.cmpi ne, %convert_element_type3A_267, %cond3A_268 : i32
      scf.if %cond3A_269 {
        %mul3A_379 = arith.constant 64 : i32
        %mul3A_380 = arith.muli %add3A_264, %mul3A_379 : i32
        %dma_start3A_381 = arith.constant 0 : i32
        %dma_start3A_382 = arith.constant 0 : i32
        %dma_start3A_383 = tpu.memref_slice %arg7[%while3A_33, %dma_start3A_381, %dma_start3A_382] : memref<4x128x64xi32, #tpu.memory_space<vmem>> -> memref<1x128x64xi32, #tpu.memory_space<vmem>>
        %dma_start3A_384 = tpu.memref_squeeze %dma_start3A_383 : memref<1x128x64xi32, #tpu.memory_space<vmem>> -> memref<128x64xi32, #tpu.memory_space<vmem>>
        %dma_start3A_385 = arith.constant 0 : i32
        %dma_start3A_386 = arith.constant 0 : i32
        %dma_start3A_387 = tpu.memref_slice %dma_start3A_384[%dma_start3A_385, %dma_start3A_386] : memref<128x64xi32, #tpu.memory_space<vmem>> -> memref<64x64xi32, #tpu.memory_space<vmem>>
        %dma_start3A_388 = arith.constant 0 : i32
        %dma_start3A_389 = tpu.memref_slice %arg4[%mul3A_380, %dma_start3A_388] : memref<160000x128xi32, #tpu.memory_space<hbm>> -> memref<64x128xi32, #tpu.memory_space<hbm>>
        %dma_start3A_390 = arith.constant 0 : i32
        %dma_start3A_391 = arith.constant 0 : i32
        %dma_start3A_392 = tpu.memref_slice %dma_start3A_389[%dma_start3A_390, %dma_start3A_391] : memref<64x128xi32, #tpu.memory_space<hbm>> -> memref<64x64xi32, #tpu.memory_space<hbm>>
        %dma_start3A_393 = arith.constant 0 : i32
        %dma_start3A_394 = tpu.memref_slice %arg4[%mul3A_380, %dma_start3A_393] : memref<160000x128xi32, #tpu.memory_space<hbm>> -> memref<64x128xi32, #tpu.memory_space<hbm>>
        %dma_start3A_395 = arith.constant 0 : i32
        %dma_start3A_396 = arith.constant 0 : i32
        %dma_start3A_397 = tpu.memref_slice %dma_start3A_394[%dma_start3A_395, %dma_start3A_396] : memref<64x128xi32, #tpu.memory_space<hbm>> -> memref<64x64xi32, #tpu.memory_space<hbm>>
        %dma_start3A_398 = arith.constant 0 : i32
        %dma_start3A_399 = arith.constant 0 : i32
        %dma_start3A_400 = tpu.memref_slice %arg7[%while3A_33, %dma_start3A_398, %dma_start3A_399] : memref<4x128x64xi32, #tpu.memory_space<vmem>> -> memref<1x128x64xi32, #tpu.memory_space<vmem>>
        %dma_start3A_401 = tpu.memref_squeeze %dma_start3A_400 : memref<1x128x64xi32, #tpu.memory_space<vmem>> -> memref<128x64xi32, #tpu.memory_space<vmem>>
        %dma_start3A_402 = arith.constant 0 : i32
        %dma_start3A_403 = arith.constant 0 : i32
        %dma_start3A_404 = tpu.memref_slice %dma_start3A_401[%dma_start3A_402, %dma_start3A_403] : memref<128x64xi32, #tpu.memory_space<vmem>> -> memref<64x64xi32, #tpu.memory_space<vmem>>
        tpu.enqueue_dma source(%dma_start3A_404 : memref<64x64xi32, #tpu.memory_space<vmem>>) target(%dma_start3A_397 : memref<64x64xi32, #tpu.memory_space<hbm>>) target_semaphore(%arg11 : memref<!tpu.dma_semaphore, #tpu.memory_space<semaphore_mem>>)
        %dma_start3A_405 = arith.constant 0 : i32
        %dma_start3A_406 = arith.constant 0 : i32
        %dma_start3A_407 = tpu.memref_slice %arg7[%while3A_33, %dma_start3A_405, %dma_start3A_406] : memref<4x128x64xi32, #tpu.memory_space<vmem>> -> memref<1x128x64xi32, #tpu.memory_space<vmem>>
        %dma_start3A_408 = tpu.memref_squeeze %dma_start3A_407 : memref<1x128x64xi32, #tpu.memory_space<vmem>> -> memref<128x64xi32, #tpu.memory_space<vmem>>
        %dma_start3A_409 = arith.constant 64 : i32
        %dma_start3A_410 = arith.constant 0 : i32
        %dma_start3A_411 = tpu.memref_slice %dma_start3A_408[%dma_start3A_409, %dma_start3A_410] : memref<128x64xi32, #tpu.memory_space<vmem>> -> memref<64x64xi32, #tpu.memory_space<vmem>>
        %dma_start3A_412 = arith.constant 0 : i32
        %dma_start3A_413 = tpu.memref_slice %arg4[%mul3A_380, %dma_start3A_412] : memref<160000x128xi32, #tpu.memory_space<hbm>> -> memref<64x128xi32, #tpu.memory_space<hbm>>
        %dma_start3A_414 = arith.constant 0 : i32
        %dma_start3A_415 = arith.constant 64 : i32
        %dma_start3A_416 = tpu.memref_slice %dma_start3A_413[%dma_start3A_414, %dma_start3A_415] : memref<64x128xi32, #tpu.memory_space<hbm>> -> memref<64x64xi32, #tpu.memory_space<hbm>>
        %dma_start3A_417 = arith.constant 0 : i32
        %dma_start3A_418 = tpu.memref_slice %arg4[%mul3A_380, %dma_start3A_417] : memref<160000x128xi32, #tpu.memory_space<hbm>> -> memref<64x128xi32, #tpu.memory_space<hbm>>
        %dma_start3A_419 = arith.constant 0 : i32
        %dma_start3A_420 = arith.constant 64 : i32
        %dma_start3A_421 = tpu.memref_slice %dma_start3A_418[%dma_start3A_419, %dma_start3A_420] : memref<64x128xi32, #tpu.memory_space<hbm>> -> memref<64x64xi32, #tpu.memory_space<hbm>>
        %dma_start3A_422 = arith.constant 0 : i32
        %dma_start3A_423 = arith.constant 0 : i32
        %dma_start3A_424 = tpu.memref_slice %arg7[%while3A_33, %dma_start3A_422, %dma_start3A_423] : memref<4x128x64xi32, #tpu.memory_space<vmem>> -> memref<1x128x64xi32, #tpu.memory_space<vmem>>
        %dma_start3A_425 = tpu.memref_squeeze %dma_start3A_424 : memref<1x128x64xi32, #tpu.memory_space<vmem>> -> memref<128x64xi32, #tpu.memory_space<vmem>>
        %dma_start3A_426 = arith.constant 64 : i32
        %dma_start3A_427 = arith.constant 0 : i32
        %dma_start3A_428 = tpu.memref_slice %dma_start3A_425[%dma_start3A_426, %dma_start3A_427] : memref<128x64xi32, #tpu.memory_space<vmem>> -> memref<64x64xi32, #tpu.memory_space<vmem>>
        tpu.enqueue_dma source(%dma_start3A_428 : memref<64x64xi32, #tpu.memory_space<vmem>>) target(%dma_start3A_421 : memref<64x64xi32, #tpu.memory_space<hbm>>) target_semaphore(%arg11 : memref<!tpu.dma_semaphore, #tpu.memory_space<semaphore_mem>>)
      } else {
      }
      %ge3A_270 = arith.constant 2500 : i32
      %ge3A_271 = arith.cmpi sge, %add3A_264, %ge3A_270 : i32
      %convert_element_type3A_272 = arith.extui %ge3A_271 : i1 to i32
      %cond3A_273 = arith.constant 0 : i32
      %cond3A_274 = arith.cmpi ne, %convert_element_type3A_272, %cond3A_273 : i32
      scf.if %cond3A_274 {
        %sub3A = arith.constant 2500 : i32
        %sub3A_379 = arith.subi %add3A_264, %sub3A : i32
        %mul3A_380 = arith.constant 64 : i32
        %mul3A_381 = arith.muli %sub3A_379, %mul3A_380 : i32
        %dma_start3A_382 = arith.constant 0 : i32
        %dma_start3A_383 = arith.constant 0 : i32
        %dma_start3A_384 = tpu.memref_slice %arg7[%while3A_33, %dma_start3A_382, %dma_start3A_383] : memref<4x128x64xi32, #tpu.memory_space<vmem>> -> memref<1x128x64xi32, #tpu.memory_space<vmem>>
        %dma_start3A_385 = tpu.memref_squeeze %dma_start3A_384 : memref<1x128x64xi32, #tpu.memory_space<vmem>> -> memref<128x64xi32, #tpu.memory_space<vmem>>
        %dma_start3A_386 = arith.constant 0 : i32
        %dma_start3A_387 = arith.constant 0 : i32
        %dma_start3A_388 = tpu.memref_slice %dma_start3A_385[%dma_start3A_386, %dma_start3A_387] : memref<128x64xi32, #tpu.memory_space<vmem>> -> memref<64x64xi32, #tpu.memory_space<vmem>>
        %dma_start3A_389 = arith.constant 0 : i32
        %dma_start3A_390 = tpu.memref_slice %arg5[%mul3A_381, %dma_start3A_389] : memref<12032x128xi32, #tpu.memory_space<hbm>> -> memref<64x128xi32, #tpu.memory_space<hbm>>
        %dma_start3A_391 = arith.constant 0 : i32
        %dma_start3A_392 = arith.constant 0 : i32
        %dma_start3A_393 = tpu.memref_slice %dma_start3A_390[%dma_start3A_391, %dma_start3A_392] : memref<64x128xi32, #tpu.memory_space<hbm>> -> memref<64x64xi32, #tpu.memory_space<hbm>>
        %dma_start3A_394 = arith.constant 0 : i32
        %dma_start3A_395 = tpu.memref_slice %arg5[%mul3A_381, %dma_start3A_394] : memref<12032x128xi32, #tpu.memory_space<hbm>> -> memref<64x128xi32, #tpu.memory_space<hbm>>
        %dma_start3A_396 = arith.constant 0 : i32
        %dma_start3A_397 = arith.constant 0 : i32
        %dma_start3A_398 = tpu.memref_slice %dma_start3A_395[%dma_start3A_396, %dma_start3A_397] : memref<64x128xi32, #tpu.memory_space<hbm>> -> memref<64x64xi32, #tpu.memory_space<hbm>>
        %dma_start3A_399 = arith.constant 0 : i32
        %dma_start3A_400 = arith.constant 0 : i32
        %dma_start3A_401 = tpu.memref_slice %arg7[%while3A_33, %dma_start3A_399, %dma_start3A_400] : memref<4x128x64xi32, #tpu.memory_space<vmem>> -> memref<1x128x64xi32, #tpu.memory_space<vmem>>
        %dma_start3A_402 = tpu.memref_squeeze %dma_start3A_401 : memref<1x128x64xi32, #tpu.memory_space<vmem>> -> memref<128x64xi32, #tpu.memory_space<vmem>>
        %dma_start3A_403 = arith.constant 0 : i32
        %dma_start3A_404 = arith.constant 0 : i32
        %dma_start3A_405 = tpu.memref_slice %dma_start3A_402[%dma_start3A_403, %dma_start3A_404] : memref<128x64xi32, #tpu.memory_space<vmem>> -> memref<64x64xi32, #tpu.memory_space<vmem>>
        tpu.enqueue_dma source(%dma_start3A_405 : memref<64x64xi32, #tpu.memory_space<vmem>>) target(%dma_start3A_398 : memref<64x64xi32, #tpu.memory_space<hbm>>) target_semaphore(%arg11 : memref<!tpu.dma_semaphore, #tpu.memory_space<semaphore_mem>>)
        %dma_start3A_406 = arith.constant 0 : i32
        %dma_start3A_407 = arith.constant 0 : i32
        %dma_start3A_408 = tpu.memref_slice %arg7[%while3A_33, %dma_start3A_406, %dma_start3A_407] : memref<4x128x64xi32, #tpu.memory_space<vmem>> -> memref<1x128x64xi32, #tpu.memory_space<vmem>>
        %dma_start3A_409 = tpu.memref_squeeze %dma_start3A_408 : memref<1x128x64xi32, #tpu.memory_space<vmem>> -> memref<128x64xi32, #tpu.memory_space<vmem>>
        %dma_start3A_410 = arith.constant 64 : i32
        %dma_start3A_411 = arith.constant 0 : i32
        %dma_start3A_412 = tpu.memref_slice %dma_start3A_409[%dma_start3A_410, %dma_start3A_411] : memref<128x64xi32, #tpu.memory_space<vmem>> -> memref<64x64xi32, #tpu.memory_space<vmem>>
        %dma_start3A_413 = arith.constant 0 : i32
        %dma_start3A_414 = tpu.memref_slice %arg5[%mul3A_381, %dma_start3A_413] : memref<12032x128xi32, #tpu.memory_space<hbm>> -> memref<64x128xi32, #tpu.memory_space<hbm>>
        %dma_start3A_415 = arith.constant 0 : i32
        %dma_start3A_416 = arith.constant 64 : i32
        %dma_start3A_417 = tpu.memref_slice %dma_start3A_414[%dma_start3A_415, %dma_start3A_416] : memref<64x128xi32, #tpu.memory_space<hbm>> -> memref<64x64xi32, #tpu.memory_space<hbm>>
        %dma_start3A_418 = arith.constant 0 : i32
        %dma_start3A_419 = tpu.memref_slice %arg5[%mul3A_381, %dma_start3A_418] : memref<12032x128xi32, #tpu.memory_space<hbm>> -> memref<64x128xi32, #tpu.memory_space<hbm>>
        %dma_start3A_420 = arith.constant 0 : i32
        %dma_start3A_421 = arith.constant 64 : i32
        %dma_start3A_422 = tpu.memref_slice %dma_start3A_419[%dma_start3A_420, %dma_start3A_421] : memref<64x128xi32, #tpu.memory_space<hbm>> -> memref<64x64xi32, #tpu.memory_space<hbm>>
        %dma_start3A_423 = arith.constant 0 : i32
        %dma_start3A_424 = arith.constant 0 : i32
        %dma_start3A_425 = tpu.memref_slice %arg7[%while3A_33, %dma_start3A_423, %dma_start3A_424] : memref<4x128x64xi32, #tpu.memory_space<vmem>> -> memref<1x128x64xi32, #tpu.memory_space<vmem>>
        %dma_start3A_426 = tpu.memref_squeeze %dma_start3A_425 : memref<1x128x64xi32, #tpu.memory_space<vmem>> -> memref<128x64xi32, #tpu.memory_space<vmem>>
        %dma_start3A_427 = arith.constant 64 : i32
        %dma_start3A_428 = arith.constant 0 : i32
        %dma_start3A_429 = tpu.memref_slice %dma_start3A_426[%dma_start3A_427, %dma_start3A_428] : memref<128x64xi32, #tpu.memory_space<vmem>> -> memref<64x64xi32, #tpu.memory_space<vmem>>
        tpu.enqueue_dma source(%dma_start3A_429 : memref<64x64xi32, #tpu.memory_space<vmem>>) target(%dma_start3A_422 : memref<64x64xi32, #tpu.memory_space<hbm>>) target_semaphore(%arg11 : memref<!tpu.dma_semaphore, #tpu.memory_space<semaphore_mem>>)
      } else {
      }
      %dma_wait3A_275 = arith.constant 0 : i32
      %dma_wait3A_276 = arith.constant 0 : i32
      %dma_wait3A_277 = tpu.memref_slice %arg7[%while3A_32, %dma_wait3A_275, %dma_wait3A_276] : memref<4x128x64xi32, #tpu.memory_space<vmem>> -> memref<1x128x64xi32, #tpu.memory_space<vmem>>
      %dma_wait3A_278 = tpu.memref_squeeze %dma_wait3A_277 : memref<1x128x64xi32, #tpu.memory_space<vmem>> -> memref<128x64xi32, #tpu.memory_space<vmem>>
      %dma_wait3A_279 = arith.constant 0 : i32
      %dma_wait3A_280 = arith.constant 0 : i32
      %dma_wait3A_281 = tpu.memref_slice %dma_wait3A_278[%dma_wait3A_279, %dma_wait3A_280] : memref<128x64xi32, #tpu.memory_space<vmem>> -> memref<64x64xi32, #tpu.memory_space<vmem>>
      %dma_wait3A_282 = arith.constant 0 : i32
      %dma_wait3A_283 = arith.constant 0 : i32
      %dma_wait3A_284 = tpu.memref_slice %arg4[%dma_wait3A_282, %dma_wait3A_283] : memref<160000x128xi32, #tpu.memory_space<hbm>> -> memref<64x128xi32, #tpu.memory_space<hbm>>
      %dma_wait3A_285 = arith.constant 0 : i32
      %dma_wait3A_286 = arith.constant 0 : i32
      %dma_wait3A_287 = tpu.memref_slice %dma_wait3A_284[%dma_wait3A_285, %dma_wait3A_286] : memref<64x128xi32, #tpu.memory_space<hbm>> -> memref<64x64xi32, #tpu.memory_space<hbm>>
      %dma_wait3A_288 = arith.constant 0 : i32
      %dma_wait3A_289 = arith.constant 0 : i32
      %dma_wait3A_290 = tpu.memref_slice %arg4[%dma_wait3A_288, %dma_wait3A_289] : memref<160000x128xi32, #tpu.memory_space<hbm>> -> memref<64x128xi32, #tpu.memory_space<hbm>>
      %dma_wait3A_291 = arith.constant 0 : i32
      %dma_wait3A_292 = arith.constant 0 : i32
      %dma_wait3A_293 = tpu.memref_slice %dma_wait3A_290[%dma_wait3A_291, %dma_wait3A_292] : memref<64x128xi32, #tpu.memory_space<hbm>> -> memref<64x64xi32, #tpu.memory_space<hbm>>
      %dma_wait3A_294 = arith.constant 0 : i32
      %dma_wait3A_295 = arith.constant 0 : i32
      %dma_wait3A_296 = tpu.memref_slice %arg7[%while3A_32, %dma_wait3A_294, %dma_wait3A_295] : memref<4x128x64xi32, #tpu.memory_space<vmem>> -> memref<1x128x64xi32, #tpu.memory_space<vmem>>
      %dma_wait3A_297 = tpu.memref_squeeze %dma_wait3A_296 : memref<1x128x64xi32, #tpu.memory_space<vmem>> -> memref<128x64xi32, #tpu.memory_space<vmem>>
      %dma_wait3A_298 = arith.constant 0 : i32
      %dma_wait3A_299 = arith.constant 0 : i32
      %dma_wait3A_300 = tpu.memref_slice %dma_wait3A_297[%dma_wait3A_298, %dma_wait3A_299] : memref<128x64xi32, #tpu.memory_space<vmem>> -> memref<64x64xi32, #tpu.memory_space<vmem>>
      tpu.wait_dma2 semaphore(%arg11 : memref<!tpu.dma_semaphore, #tpu.memory_space<semaphore_mem>>) src(%dma_wait3A_300 : memref<64x64xi32, #tpu.memory_space<vmem>>) dst(%dma_wait3A_293 : memref<64x64xi32, #tpu.memory_space<hbm>>)
      %dma_wait3A_301 = arith.constant 0 : i32
      %dma_wait3A_302 = arith.constant 0 : i32
      %dma_wait3A_303 = tpu.memref_slice %arg7[%while3A_32, %dma_wait3A_301, %dma_wait3A_302] : memref<4x128x64xi32, #tpu.memory_space<vmem>> -> memref<1x128x64xi32, #tpu.memory_space<vmem>>
      %dma_wait3A_304 = tpu.memref_squeeze %dma_wait3A_303 : memref<1x128x64xi32, #tpu.memory_space<vmem>> -> memref<128x64xi32, #tpu.memory_space<vmem>>
      %dma_wait3A_305 = arith.constant 64 : i32
      %dma_wait3A_306 = arith.constant 0 : i32
      %dma_wait3A_307 = tpu.memref_slice %dma_wait3A_304[%dma_wait3A_305, %dma_wait3A_306] : memref<128x64xi32, #tpu.memory_space<vmem>> -> memref<64x64xi32, #tpu.memory_space<vmem>>
      %dma_wait3A_308 = arith.constant 0 : i32
      %dma_wait3A_309 = arith.constant 0 : i32
      %dma_wait3A_310 = tpu.memref_slice %arg4[%dma_wait3A_308, %dma_wait3A_309] : memref<160000x128xi32, #tpu.memory_space<hbm>> -> memref<64x128xi32, #tpu.memory_space<hbm>>
      %dma_wait3A_311 = arith.constant 0 : i32
      %dma_wait3A_312 = arith.constant 64 : i32
      %dma_wait3A_313 = tpu.memref_slice %dma_wait3A_310[%dma_wait3A_311, %dma_wait3A_312] : memref<64x128xi32, #tpu.memory_space<hbm>> -> memref<64x64xi32, #tpu.memory_space<hbm>>
      %dma_wait3A_314 = arith.constant 0 : i32
      %dma_wait3A_315 = arith.constant 0 : i32
      %dma_wait3A_316 = tpu.memref_slice %arg4[%dma_wait3A_314, %dma_wait3A_315] : memref<160000x128xi32, #tpu.memory_space<hbm>> -> memref<64x128xi32, #tpu.memory_space<hbm>>
      %dma_wait3A_317 = arith.constant 0 : i32
      %dma_wait3A_318 = arith.constant 64 : i32
      %dma_wait3A_319 = tpu.memref_slice %dma_wait3A_316[%dma_wait3A_317, %dma_wait3A_318] : memref<64x128xi32, #tpu.memory_space<hbm>> -> memref<64x64xi32, #tpu.memory_space<hbm>>
      %dma_wait3A_320 = arith.constant 0 : i32
      %dma_wait3A_321 = arith.constant 0 : i32
      %dma_wait3A_322 = tpu.memref_slice %arg7[%while3A_32, %dma_wait3A_320, %dma_wait3A_321] : memref<4x128x64xi32, #tpu.memory_space<vmem>> -> memref<1x128x64xi32, #tpu.memory_space<vmem>>
      %dma_wait3A_323 = tpu.memref_squeeze %dma_wait3A_322 : memref<1x128x64xi32, #tpu.memory_space<vmem>> -> memref<128x64xi32, #tpu.memory_space<vmem>>
      %dma_wait3A_324 = arith.constant 64 : i32
      %dma_wait3A_325 = arith.constant 0 : i32
      %dma_wait3A_326 = tpu.memref_slice %dma_wait3A_323[%dma_wait3A_324, %dma_wait3A_325] : memref<128x64xi32, #tpu.memory_space<vmem>> -> memref<64x64xi32, #tpu.memory_space<vmem>>
      tpu.wait_dma2 semaphore(%arg11 : memref<!tpu.dma_semaphore, #tpu.memory_space<semaphore_mem>>) src(%dma_wait3A_326 : memref<64x64xi32, #tpu.memory_space<vmem>>) dst(%dma_wait3A_319 : memref<64x64xi32, #tpu.memory_space<hbm>>)
      %dma_wait3A_327 = arith.constant 0 : i32
      %dma_wait3A_328 = arith.constant 0 : i32
      %dma_wait3A_329 = tpu.memref_slice %arg7[%while3A_33, %dma_wait3A_327, %dma_wait3A_328] : memref<4x128x64xi32, #tpu.memory_space<vmem>> -> memref<1x128x64xi32, #tpu.memory_space<vmem>>
      %dma_wait3A_330 = tpu.memref_squeeze %dma_wait3A_329 : memref<1x128x64xi32, #tpu.memory_space<vmem>> -> memref<128x64xi32, #tpu.memory_space<vmem>>
      %dma_wait3A_331 = arith.constant 0 : i32
      %dma_wait3A_332 = arith.constant 0 : i32
      %dma_wait3A_333 = tpu.memref_slice %dma_wait3A_330[%dma_wait3A_331, %dma_wait3A_332] : memref<128x64xi32, #tpu.memory_space<vmem>> -> memref<64x64xi32, #tpu.memory_space<vmem>>
      %dma_wait3A_334 = arith.constant 0 : i32
      %dma_wait3A_335 = arith.constant 0 : i32
      %dma_wait3A_336 = tpu.memref_slice %arg4[%dma_wait3A_334, %dma_wait3A_335] : memref<160000x128xi32, #tpu.memory_space<hbm>> -> memref<64x128xi32, #tpu.memory_space<hbm>>
      %dma_wait3A_337 = arith.constant 0 : i32
      %dma_wait3A_338 = arith.constant 0 : i32
      %dma_wait3A_339 = tpu.memref_slice %dma_wait3A_336[%dma_wait3A_337, %dma_wait3A_338] : memref<64x128xi32, #tpu.memory_space<hbm>> -> memref<64x64xi32, #tpu.memory_space<hbm>>
      %dma_wait3A_340 = arith.constant 0 : i32
      %dma_wait3A_341 = arith.constant 0 : i32
      %dma_wait3A_342 = tpu.memref_slice %arg4[%dma_wait3A_340, %dma_wait3A_341] : memref<160000x128xi32, #tpu.memory_space<hbm>> -> memref<64x128xi32, #tpu.memory_space<hbm>>
      %dma_wait3A_343 = arith.constant 0 : i32
      %dma_wait3A_344 = arith.constant 0 : i32
      %dma_wait3A_345 = tpu.memref_slice %dma_wait3A_342[%dma_wait3A_343, %dma_wait3A_344] : memref<64x128xi32, #tpu.memory_space<hbm>> -> memref<64x64xi32, #tpu.memory_space<hbm>>
      %dma_wait3A_346 = arith.constant 0 : i32
      %dma_wait3A_347 = arith.constant 0 : i32
      %dma_wait3A_348 = tpu.memref_slice %arg7[%while3A_33, %dma_wait3A_346, %dma_wait3A_347] : memref<4x128x64xi32, #tpu.memory_space<vmem>> -> memref<1x128x64xi32, #tpu.memory_space<vmem>>
      %dma_wait3A_349 = tpu.memref_squeeze %dma_wait3A_348 : memref<1x128x64xi32, #tpu.memory_space<vmem>> -> memref<128x64xi32, #tpu.memory_space<vmem>>
      %dma_wait3A_350 = arith.constant 0 : i32
      %dma_wait3A_351 = arith.constant 0 : i32
      %dma_wait3A_352 = tpu.memref_slice %dma_wait3A_349[%dma_wait3A_350, %dma_wait3A_351] : memref<128x64xi32, #tpu.memory_space<vmem>> -> memref<64x64xi32, #tpu.memory_space<vmem>>
      tpu.wait_dma2 semaphore(%arg11 : memref<!tpu.dma_semaphore, #tpu.memory_space<semaphore_mem>>) src(%dma_wait3A_352 : memref<64x64xi32, #tpu.memory_space<vmem>>) dst(%dma_wait3A_345 : memref<64x64xi32, #tpu.memory_space<hbm>>)
      %dma_wait3A_353 = arith.constant 0 : i32
      %dma_wait3A_354 = arith.constant 0 : i32
      %dma_wait3A_355 = tpu.memref_slice %arg7[%while3A_33, %dma_wait3A_353, %dma_wait3A_354] : memref<4x128x64xi32, #tpu.memory_space<vmem>> -> memref<1x128x64xi32, #tpu.memory_space<vmem>>
      %dma_wait3A_356 = tpu.memref_squeeze %dma_wait3A_355 : memref<1x128x64xi32, #tpu.memory_space<vmem>> -> memref<128x64xi32, #tpu.memory_space<vmem>>
      %dma_wait3A_357 = arith.constant 64 : i32
      %dma_wait3A_358 = arith.constant 0 : i32
      %dma_wait3A_359 = tpu.memref_slice %dma_wait3A_356[%dma_wait3A_357, %dma_wait3A_358] : memref<128x64xi32, #tpu.memory_space<vmem>> -> memref<64x64xi32, #tpu.memory_space<vmem>>
      %dma_wait3A_360 = arith.constant 0 : i32
      %dma_wait3A_361 = arith.constant 0 : i32
      %dma_wait3A_362 = tpu.memref_slice %arg4[%dma_wait3A_360, %dma_wait3A_361] : memref<160000x128xi32, #tpu.memory_space<hbm>> -> memref<64x128xi32, #tpu.memory_space<hbm>>
      %dma_wait3A_363 = arith.constant 0 : i32
      %dma_wait3A_364 = arith.constant 64 : i32
      %dma_wait3A_365 = tpu.memref_slice %dma_wait3A_362[%dma_wait3A_363, %dma_wait3A_364] : memref<64x128xi32, #tpu.memory_space<hbm>> -> memref<64x64xi32, #tpu.memory_space<hbm>>
      %dma_wait3A_366 = arith.constant 0 : i32
      %dma_wait3A_367 = arith.constant 0 : i32
      %dma_wait3A_368 = tpu.memref_slice %arg4[%dma_wait3A_366, %dma_wait3A_367] : memref<160000x128xi32, #tpu.memory_space<hbm>> -> memref<64x128xi32, #tpu.memory_space<hbm>>
      %dma_wait3A_369 = arith.constant 0 : i32
      %dma_wait3A_370 = arith.constant 64 : i32
      %dma_wait3A_371 = tpu.memref_slice %dma_wait3A_368[%dma_wait3A_369, %dma_wait3A_370] : memref<64x128xi32, #tpu.memory_space<hbm>> -> memref<64x64xi32, #tpu.memory_space<hbm>>
      %dma_wait3A_372 = arith.constant 0 : i32
      %dma_wait3A_373 = arith.constant 0 : i32
      %dma_wait3A_374 = tpu.memref_slice %arg7[%while3A_33, %dma_wait3A_372, %dma_wait3A_373] : memref<4x128x64xi32, #tpu.memory_space<vmem>> -> memref<1x128x64xi32, #tpu.memory_space<vmem>>
      %dma_wait3A_375 = tpu.memref_squeeze %dma_wait3A_374 : memref<1x128x64xi32, #tpu.memory_space<vmem>> -> memref<128x64xi32, #tpu.memory_space<vmem>>
      %dma_wait3A_376 = arith.constant 64 : i32
      %dma_wait3A_377 = arith.constant 0 : i32
      %dma_wait3A_378 = tpu.memref_slice %dma_wait3A_375[%dma_wait3A_376, %dma_wait3A_377] : memref<128x64xi32, #tpu.memory_space<vmem>> -> memref<64x64xi32, #tpu.memory_space<vmem>>
      tpu.wait_dma2 semaphore(%arg11 : memref<!tpu.dma_semaphore, #tpu.memory_space<semaphore_mem>>) src(%dma_wait3A_378 : memref<64x64xi32, #tpu.memory_space<vmem>>) dst(%dma_wait3A_371 : memref<64x64xi32, #tpu.memory_space<hbm>>)
    }
    %while3A_44 = arith.constant 1 : i32
    scf.for %while3A_45 = %while3A_42 to %while3A_38 step %while3A_44  : i32 {
      %mul3A_46 = arith.constant 4 : i32
      %mul3A_47 = arith.muli %mul3A_46, %while3A_45 : i32
      %add3A_48 = arith.constant 2 : i32
      %add3A_49 = arith.addi %mul3A_47, %add3A_48 : i32
      %add3A_50 = arith.constant 0 : i32
      %add3A_51 = arith.addi %add3A_49, %add3A_50 : i32
      %dma_start3A_52 = arith.constant 0 : i32
      %dma_start3A_53 = arith.constant 0 : i32
      %dma_start3A_54 = tpu.memref_slice %arg7[%while3A_32, %dma_start3A_52, %dma_start3A_53] : memref<4x128x64xi32, #tpu.memory_space<vmem>> -> memref<1x128x64xi32, #tpu.memory_space<vmem>>
      %dma_start3A_55 = tpu.memref_squeeze %dma_start3A_54 : memref<1x128x64xi32, #tpu.memory_space<vmem>> -> memref<128x64xi32, #tpu.memory_space<vmem>>
      %dma_start3A_56 = arith.constant 0 : i32
      %dma_start3A_57 = tpu.memref_slice %arg6[%add3A_51, %dma_start3A_56] : memref<116x128xi32, #tpu.memory_space<vmem>> -> memref<1x128xi32, #tpu.memory_space<vmem>>
      %dma_start3A_58 = tpu.memref_squeeze %dma_start3A_57 : memref<1x128xi32, #tpu.memory_space<vmem>> -> memref<128xi32, #tpu.memory_space<vmem>>
      %dma_start3A_59 = arith.constant 0 : i32
      %dma_start3A_60 = arith.constant 0 : i32
      %dma_start3A_61 = tpu.memref_slice %arg3[%dma_start3A_59, %dma_start3A_60] : memref<100000x64xi32, #tpu.memory_space<hbm>> -> memref<100000x64xi32, #tpu.memory_space<hbm>>
      tpu.enqueue_indirect_dma source(%dma_start3A_61 : memref<100000x64xi32, #tpu.memory_space<hbm>>) target(%dma_start3A_55 : memref<128x64xi32, #tpu.memory_space<vmem>>) offsets(%dma_start3A_58 : memref<128xi32, #tpu.memory_space<vmem>>) semaphore(%arg9 : memref<!tpu.dma_semaphore, #tpu.memory_space<semaphore_mem>>)
      %add3A_62 = arith.constant 1 : i32
      %add3A_63 = arith.addi %add3A_49, %add3A_62 : i32
      %dma_start3A_64 = arith.constant 0 : i32
      %dma_start3A_65 = arith.constant 0 : i32
      %dma_start3A_66 = tpu.memref_slice %arg7[%while3A_33, %dma_start3A_64, %dma_start3A_65] : memref<4x128x64xi32, #tpu.memory_space<vmem>> -> memref<1x128x64xi32, #tpu.memory_space<vmem>>
      %dma_start3A_67 = tpu.memref_squeeze %dma_start3A_66 : memref<1x128x64xi32, #tpu.memory_space<vmem>> -> memref<128x64xi32, #tpu.memory_space<vmem>>
      %dma_start3A_68 = arith.constant 0 : i32
      %dma_start3A_69 = tpu.memref_slice %arg6[%add3A_63, %dma_start3A_68] : memref<116x128xi32, #tpu.memory_space<vmem>> -> memref<1x128xi32, #tpu.memory_space<vmem>>
      %dma_start3A_70 = tpu.memref_squeeze %dma_start3A_69 : memref<1x128xi32, #tpu.memory_space<vmem>> -> memref<128xi32, #tpu.memory_space<vmem>>
      %dma_start3A_71 = arith.constant 0 : i32
      %dma_start3A_72 = arith.constant 0 : i32
      %dma_start3A_73 = tpu.memref_slice %arg3[%dma_start3A_71, %dma_start3A_72] : memref<100000x64xi32, #tpu.memory_space<hbm>> -> memref<100000x64xi32, #tpu.memory_space<hbm>>
      tpu.enqueue_indirect_dma source(%dma_start3A_73 : memref<100000x64xi32, #tpu.memory_space<hbm>>) target(%dma_start3A_67 : memref<128x64xi32, #tpu.memory_space<vmem>>) offsets(%dma_start3A_70 : memref<128xi32, #tpu.memory_space<vmem>>) semaphore(%arg9 : memref<!tpu.dma_semaphore, #tpu.memory_space<semaphore_mem>>)
      %dma_wait3A = arith.constant 0 : i32
      %dma_wait3A_74 = arith.constant 0 : i32
      %dma_wait3A_75 = arith.constant 0 : i32
      %dma_wait3A_76 = tpu.memref_slice %arg7[%while3A_34, %dma_wait3A_74, %dma_wait3A_75] : memref<4x128x64xi32, #tpu.memory_space<vmem>> -> memref<1x128x64xi32, #tpu.memory_space<vmem>>
      %dma_wait3A_77 = tpu.memref_squeeze %dma_wait3A_76 : memref<1x128x64xi32, #tpu.memory_space<vmem>> -> memref<128x64xi32, #tpu.memory_space<vmem>>
      %dma_wait3A_78 = arith.constant 0 : i32
      %dma_wait3A_79 = tpu.memref_slice %arg6[%dma_wait3A, %dma_wait3A_78] : memref<116x128xi32, #tpu.memory_space<vmem>> -> memref<1x128xi32, #tpu.memory_space<vmem>>
      %dma_wait3A_80 = tpu.memref_squeeze %dma_wait3A_79 : memref<1x128xi32, #tpu.memory_space<vmem>> -> memref<128xi32, #tpu.memory_space<vmem>>
      %dma_wait3A_81 = arith.constant 0 : i32
      %dma_wait3A_82 = arith.constant 0 : i32
      %dma_wait3A_83 = tpu.memref_slice %arg3[%dma_wait3A_81, %dma_wait3A_82] : memref<100000x64xi32, #tpu.memory_space<hbm>> -> memref<100000x64xi32, #tpu.memory_space<hbm>>
      tpu.wait_indirect_dma semaphore(%arg8 : memref<!tpu.dma_semaphore, #tpu.memory_space<semaphore_mem>>) src(%dma_wait3A_83 : memref<100000x64xi32, #tpu.memory_space<hbm>>) dst(%dma_wait3A_77 : memref<128x64xi32, #tpu.memory_space<vmem>>)
      %dma_wait3A_84 = arith.constant 0 : i32
      %dma_wait3A_85 = arith.constant 0 : i32
      %dma_wait3A_86 = arith.constant 0 : i32
      %dma_wait3A_87 = tpu.memref_slice %arg7[%while3A_35, %dma_wait3A_85, %dma_wait3A_86] : memref<4x128x64xi32, #tpu.memory_space<vmem>> -> memref<1x128x64xi32, #tpu.memory_space<vmem>>
      %dma_wait3A_88 = tpu.memref_squeeze %dma_wait3A_87 : memref<1x128x64xi32, #tpu.memory_space<vmem>> -> memref<128x64xi32, #tpu.memory_space<vmem>>
      %dma_wait3A_89 = arith.constant 0 : i32
      %dma_wait3A_90 = tpu.memref_slice %arg6[%dma_wait3A_84, %dma_wait3A_89] : memref<116x128xi32, #tpu.memory_space<vmem>> -> memref<1x128xi32, #tpu.memory_space<vmem>>
      %dma_wait3A_91 = tpu.memref_squeeze %dma_wait3A_90 : memref<1x128xi32, #tpu.memory_space<vmem>> -> memref<128xi32, #tpu.memory_space<vmem>>
      %dma_wait3A_92 = arith.constant 0 : i32
      %dma_wait3A_93 = arith.constant 0 : i32
      %dma_wait3A_94 = tpu.memref_slice %arg3[%dma_wait3A_92, %dma_wait3A_93] : memref<100000x64xi32, #tpu.memory_space<hbm>> -> memref<100000x64xi32, #tpu.memory_space<hbm>>
      tpu.wait_indirect_dma semaphore(%arg8 : memref<!tpu.dma_semaphore, #tpu.memory_space<semaphore_mem>>) src(%dma_wait3A_94 : memref<100000x64xi32, #tpu.memory_space<hbm>>) dst(%dma_wait3A_88 : memref<128x64xi32, #tpu.memory_space<vmem>>)
      %add3A_95 = arith.constant 0 : i32
      %add3A_96 = arith.addi %mul3A_47, %add3A_95 : i32
      %add3A_97 = arith.addi %select_n3A, %add3A_96 : i32
      %lt3A = arith.constant 2500 : i32
      %lt3A_98 = arith.cmpi slt, %add3A_97, %lt3A : i32
      %convert_element_type3A = arith.extui %lt3A_98 : i1 to i32
      %cond3A = arith.constant 0 : i32
      %cond3A_99 = arith.cmpi ne, %convert_element_type3A, %cond3A : i32
      scf.if %cond3A_99 {
        %mul3A_379 = arith.constant 64 : i32
        %mul3A_380 = arith.muli %add3A_97, %mul3A_379 : i32
        %dma_start3A_381 = arith.constant 0 : i32
        %dma_start3A_382 = arith.constant 0 : i32
        %dma_start3A_383 = tpu.memref_slice %arg7[%while3A_34, %dma_start3A_381, %dma_start3A_382] : memref<4x128x64xi32, #tpu.memory_space<vmem>> -> memref<1x128x64xi32, #tpu.memory_space<vmem>>
        %dma_start3A_384 = tpu.memref_squeeze %dma_start3A_383 : memref<1x128x64xi32, #tpu.memory_space<vmem>> -> memref<128x64xi32, #tpu.memory_space<vmem>>
        %dma_start3A_385 = arith.constant 0 : i32
        %dma_start3A_386 = arith.constant 0 : i32
        %dma_start3A_387 = tpu.memref_slice %dma_start3A_384[%dma_start3A_385, %dma_start3A_386] : memref<128x64xi32, #tpu.memory_space<vmem>> -> memref<64x64xi32, #tpu.memory_space<vmem>>
        %dma_start3A_388 = arith.constant 0 : i32
        %dma_start3A_389 = tpu.memref_slice %arg4[%mul3A_380, %dma_start3A_388] : memref<160000x128xi32, #tpu.memory_space<hbm>> -> memref<64x128xi32, #tpu.memory_space<hbm>>
        %dma_start3A_390 = arith.constant 0 : i32
        %dma_start3A_391 = arith.constant 0 : i32
        %dma_start3A_392 = tpu.memref_slice %dma_start3A_389[%dma_start3A_390, %dma_start3A_391] : memref<64x128xi32, #tpu.memory_space<hbm>> -> memref<64x64xi32, #tpu.memory_space<hbm>>
        %dma_start3A_393 = arith.constant 0 : i32
        %dma_start3A_394 = tpu.memref_slice %arg4[%mul3A_380, %dma_start3A_393] : memref<160000x128xi32, #tpu.memory_space<hbm>> -> memref<64x128xi32, #tpu.memory_space<hbm>>
        %dma_start3A_395 = arith.constant 0 : i32
        %dma_start3A_396 = arith.constant 0 : i32
        %dma_start3A_397 = tpu.memref_slice %dma_start3A_394[%dma_start3A_395, %dma_start3A_396] : memref<64x128xi32, #tpu.memory_space<hbm>> -> memref<64x64xi32, #tpu.memory_space<hbm>>
        %dma_start3A_398 = arith.constant 0 : i32
        %dma_start3A_399 = arith.constant 0 : i32
        %dma_start3A_400 = tpu.memref_slice %arg7[%while3A_34, %dma_start3A_398, %dma_start3A_399] : memref<4x128x64xi32, #tpu.memory_space<vmem>> -> memref<1x128x64xi32, #tpu.memory_space<vmem>>
        %dma_start3A_401 = tpu.memref_squeeze %dma_start3A_400 : memref<1x128x64xi32, #tpu.memory_space<vmem>> -> memref<128x64xi32, #tpu.memory_space<vmem>>
        %dma_start3A_402 = arith.constant 0 : i32
        %dma_start3A_403 = arith.constant 0 : i32
        %dma_start3A_404 = tpu.memref_slice %dma_start3A_401[%dma_start3A_402, %dma_start3A_403] : memref<128x64xi32, #tpu.memory_space<vmem>> -> memref<64x64xi32, #tpu.memory_space<vmem>>
        tpu.enqueue_dma source(%dma_start3A_404 : memref<64x64xi32, #tpu.memory_space<vmem>>) target(%dma_start3A_397 : memref<64x64xi32, #tpu.memory_space<hbm>>) target_semaphore(%arg10 : memref<!tpu.dma_semaphore, #tpu.memory_space<semaphore_mem>>)
        %dma_start3A_405 = arith.constant 0 : i32
        %dma_start3A_406 = arith.constant 0 : i32
        %dma_start3A_407 = tpu.memref_slice %arg7[%while3A_34, %dma_start3A_405, %dma_start3A_406] : memref<4x128x64xi32, #tpu.memory_space<vmem>> -> memref<1x128x64xi32, #tpu.memory_space<vmem>>
        %dma_start3A_408 = tpu.memref_squeeze %dma_start3A_407 : memref<1x128x64xi32, #tpu.memory_space<vmem>> -> memref<128x64xi32, #tpu.memory_space<vmem>>
        %dma_start3A_409 = arith.constant 64 : i32
        %dma_start3A_410 = arith.constant 0 : i32
        %dma_start3A_411 = tpu.memref_slice %dma_start3A_408[%dma_start3A_409, %dma_start3A_410] : memref<128x64xi32, #tpu.memory_space<vmem>> -> memref<64x64xi32, #tpu.memory_space<vmem>>
        %dma_start3A_412 = arith.constant 0 : i32
        %dma_start3A_413 = tpu.memref_slice %arg4[%mul3A_380, %dma_start3A_412] : memref<160000x128xi32, #tpu.memory_space<hbm>> -> memref<64x128xi32, #tpu.memory_space<hbm>>
        %dma_start3A_414 = arith.constant 0 : i32
        %dma_start3A_415 = arith.constant 64 : i32
        %dma_start3A_416 = tpu.memref_slice %dma_start3A_413[%dma_start3A_414, %dma_start3A_415] : memref<64x128xi32, #tpu.memory_space<hbm>> -> memref<64x64xi32, #tpu.memory_space<hbm>>
        %dma_start3A_417 = arith.constant 0 : i32
        %dma_start3A_418 = tpu.memref_slice %arg4[%mul3A_380, %dma_start3A_417] : memref<160000x128xi32, #tpu.memory_space<hbm>> -> memref<64x128xi32, #tpu.memory_space<hbm>>
        %dma_start3A_419 = arith.constant 0 : i32
        %dma_start3A_420 = arith.constant 64 : i32
        %dma_start3A_421 = tpu.memref_slice %dma_start3A_418[%dma_start3A_419, %dma_start3A_420] : memref<64x128xi32, #tpu.memory_space<hbm>> -> memref<64x64xi32, #tpu.memory_space<hbm>>
        %dma_start3A_422 = arith.constant 0 : i32
        %dma_start3A_423 = arith.constant 0 : i32
        %dma_start3A_424 = tpu.memref_slice %arg7[%while3A_34, %dma_start3A_422, %dma_start3A_423] : memref<4x128x64xi32, #tpu.memory_space<vmem>> -> memref<1x128x64xi32, #tpu.memory_space<vmem>>
        %dma_start3A_425 = tpu.memref_squeeze %dma_start3A_424 : memref<1x128x64xi32, #tpu.memory_space<vmem>> -> memref<128x64xi32, #tpu.memory_space<vmem>>
        %dma_start3A_426 = arith.constant 64 : i32
        %dma_start3A_427 = arith.constant 0 : i32
        %dma_start3A_428 = tpu.memref_slice %dma_start3A_425[%dma_start3A_426, %dma_start3A_427] : memref<128x64xi32, #tpu.memory_space<vmem>> -> memref<64x64xi32, #tpu.memory_space<vmem>>
        tpu.enqueue_dma source(%dma_start3A_428 : memref<64x64xi32, #tpu.memory_space<vmem>>) target(%dma_start3A_421 : memref<64x64xi32, #tpu.memory_space<hbm>>) target_semaphore(%arg10 : memref<!tpu.dma_semaphore, #tpu.memory_space<semaphore_mem>>)
      } else {
      }
      %ge3A = arith.constant 2500 : i32
      %ge3A_100 = arith.cmpi sge, %add3A_97, %ge3A : i32
      %convert_element_type3A_101 = arith.extui %ge3A_100 : i1 to i32
      %cond3A_102 = arith.constant 0 : i32
      %cond3A_103 = arith.cmpi ne, %convert_element_type3A_101, %cond3A_102 : i32
      scf.if %cond3A_103 {
        %sub3A = arith.constant 2500 : i32
        %sub3A_379 = arith.subi %add3A_97, %sub3A : i32
        %mul3A_380 = arith.constant 64 : i32
        %mul3A_381 = arith.muli %sub3A_379, %mul3A_380 : i32
        %dma_start3A_382 = arith.constant 0 : i32
        %dma_start3A_383 = arith.constant 0 : i32
        %dma_start3A_384 = tpu.memref_slice %arg7[%while3A_34, %dma_start3A_382, %dma_start3A_383] : memref<4x128x64xi32, #tpu.memory_space<vmem>> -> memref<1x128x64xi32, #tpu.memory_space<vmem>>
        %dma_start3A_385 = tpu.memref_squeeze %dma_start3A_384 : memref<1x128x64xi32, #tpu.memory_space<vmem>> -> memref<128x64xi32, #tpu.memory_space<vmem>>
        %dma_start3A_386 = arith.constant 0 : i32
        %dma_start3A_387 = arith.constant 0 : i32
        %dma_start3A_388 = tpu.memref_slice %dma_start3A_385[%dma_start3A_386, %dma_start3A_387] : memref<128x64xi32, #tpu.memory_space<vmem>> -> memref<64x64xi32, #tpu.memory_space<vmem>>
        %dma_start3A_389 = arith.constant 0 : i32
        %dma_start3A_390 = tpu.memref_slice %arg5[%mul3A_381, %dma_start3A_389] : memref<12032x128xi32, #tpu.memory_space<hbm>> -> memref<64x128xi32, #tpu.memory_space<hbm>>
        %dma_start3A_391 = arith.constant 0 : i32
        %dma_start3A_392 = arith.constant 0 : i32
        %dma_start3A_393 = tpu.memref_slice %dma_start3A_390[%dma_start3A_391, %dma_start3A_392] : memref<64x128xi32, #tpu.memory_space<hbm>> -> memref<64x64xi32, #tpu.memory_space<hbm>>
        %dma_start3A_394 = arith.constant 0 : i32
        %dma_start3A_395 = tpu.memref_slice %arg5[%mul3A_381, %dma_start3A_394] : memref<12032x128xi32, #tpu.memory_space<hbm>> -> memref<64x128xi32, #tpu.memory_space<hbm>>
        %dma_start3A_396 = arith.constant 0 : i32
        %dma_start3A_397 = arith.constant 0 : i32
        %dma_start3A_398 = tpu.memref_slice %dma_start3A_395[%dma_start3A_396, %dma_start3A_397] : memref<64x128xi32, #tpu.memory_space<hbm>> -> memref<64x64xi32, #tpu.memory_space<hbm>>
        %dma_start3A_399 = arith.constant 0 : i32
        %dma_start3A_400 = arith.constant 0 : i32
        %dma_start3A_401 = tpu.memref_slice %arg7[%while3A_34, %dma_start3A_399, %dma_start3A_400] : memref<4x128x64xi32, #tpu.memory_space<vmem>> -> memref<1x128x64xi32, #tpu.memory_space<vmem>>
        %dma_start3A_402 = tpu.memref_squeeze %dma_start3A_401 : memref<1x128x64xi32, #tpu.memory_space<vmem>> -> memref<128x64xi32, #tpu.memory_space<vmem>>
        %dma_start3A_403 = arith.constant 0 : i32
        %dma_start3A_404 = arith.constant 0 : i32
        %dma_start3A_405 = tpu.memref_slice %dma_start3A_402[%dma_start3A_403, %dma_start3A_404] : memref<128x64xi32, #tpu.memory_space<vmem>> -> memref<64x64xi32, #tpu.memory_space<vmem>>
        tpu.enqueue_dma source(%dma_start3A_405 : memref<64x64xi32, #tpu.memory_space<vmem>>) target(%dma_start3A_398 : memref<64x64xi32, #tpu.memory_space<hbm>>) target_semaphore(%arg10 : memref<!tpu.dma_semaphore, #tpu.memory_space<semaphore_mem>>)
        %dma_start3A_406 = arith.constant 0 : i32
        %dma_start3A_407 = arith.constant 0 : i32
        %dma_start3A_408 = tpu.memref_slice %arg7[%while3A_34, %dma_start3A_406, %dma_start3A_407] : memref<4x128x64xi32, #tpu.memory_space<vmem>> -> memref<1x128x64xi32, #tpu.memory_space<vmem>>
        %dma_start3A_409 = tpu.memref_squeeze %dma_start3A_408 : memref<1x128x64xi32, #tpu.memory_space<vmem>> -> memref<128x64xi32, #tpu.memory_space<vmem>>
        %dma_start3A_410 = arith.constant 64 : i32
        %dma_start3A_411 = arith.constant 0 : i32
        %dma_start3A_412 = tpu.memref_slice %dma_start3A_409[%dma_start3A_410, %dma_start3A_411] : memref<128x64xi32, #tpu.memory_space<vmem>> -> memref<64x64xi32, #tpu.memory_space<vmem>>
        %dma_start3A_413 = arith.constant 0 : i32
        %dma_start3A_414 = tpu.memref_slice %arg5[%mul3A_381, %dma_start3A_413] : memref<12032x128xi32, #tpu.memory_space<hbm>> -> memref<64x128xi32, #tpu.memory_space<hbm>>
        %dma_start3A_415 = arith.constant 0 : i32
        %dma_start3A_416 = arith.constant 64 : i32
        %dma_start3A_417 = tpu.memref_slice %dma_start3A_414[%dma_start3A_415, %dma_start3A_416] : memref<64x128xi32, #tpu.memory_space<hbm>> -> memref<64x64xi32, #tpu.memory_space<hbm>>
        %dma_start3A_418 = arith.constant 0 : i32
        %dma_start3A_419 = tpu.memref_slice %arg5[%mul3A_381, %dma_start3A_418] : memref<12032x128xi32, #tpu.memory_space<hbm>> -> memref<64x128xi32, #tpu.memory_space<hbm>>
        %dma_start3A_420 = arith.constant 0 : i32
        %dma_start3A_421 = arith.constant 64 : i32
        %dma_start3A_422 = tpu.memref_slice %dma_start3A_419[%dma_start3A_420, %dma_start3A_421] : memref<64x128xi32, #tpu.memory_space<hbm>> -> memref<64x64xi32, #tpu.memory_space<hbm>>
        %dma_start3A_423 = arith.constant 0 : i32
        %dma_start3A_424 = arith.constant 0 : i32
        %dma_start3A_425 = tpu.memref_slice %arg7[%while3A_34, %dma_start3A_423, %dma_start3A_424] : memref<4x128x64xi32, #tpu.memory_space<vmem>> -> memref<1x128x64xi32, #tpu.memory_space<vmem>>
        %dma_start3A_426 = tpu.memref_squeeze %dma_start3A_425 : memref<1x128x64xi32, #tpu.memory_space<vmem>> -> memref<128x64xi32, #tpu.memory_space<vmem>>
        %dma_start3A_427 = arith.constant 64 : i32
        %dma_start3A_428 = arith.constant 0 : i32
        %dma_start3A_429 = tpu.memref_slice %dma_start3A_426[%dma_start3A_427, %dma_start3A_428] : memref<128x64xi32, #tpu.memory_space<vmem>> -> memref<64x64xi32, #tpu.memory_space<vmem>>
        tpu.enqueue_dma source(%dma_start3A_429 : memref<64x64xi32, #tpu.memory_space<vmem>>) target(%dma_start3A_422 : memref<64x64xi32, #tpu.memory_space<hbm>>) target_semaphore(%arg10 : memref<!tpu.dma_semaphore, #tpu.memory_space<semaphore_mem>>)
      } else {
      }
      %add3A_104 = arith.constant 1 : i32
      %add3A_105 = arith.addi %mul3A_47, %add3A_104 : i32
      %add3A_106 = arith.addi %select_n3A, %add3A_105 : i32
      %lt3A_107 = arith.constant 2500 : i32
      %lt3A_108 = arith.cmpi slt, %add3A_106, %lt3A_107 : i32
      %convert_element_type3A_109 = arith.extui %lt3A_108 : i1 to i32
      %cond3A_110 = arith.constant 0 : i32
      %cond3A_111 = arith.cmpi ne, %convert_element_type3A_109, %cond3A_110 : i32
      scf.if %cond3A_111 {
        %mul3A_379 = arith.constant 64 : i32
        %mul3A_380 = arith.muli %add3A_106, %mul3A_379 : i32
        %dma_start3A_381 = arith.constant 0 : i32
        %dma_start3A_382 = arith.constant 0 : i32
        %dma_start3A_383 = tpu.memref_slice %arg7[%while3A_35, %dma_start3A_381, %dma_start3A_382] : memref<4x128x64xi32, #tpu.memory_space<vmem>> -> memref<1x128x64xi32, #tpu.memory_space<vmem>>
        %dma_start3A_384 = tpu.memref_squeeze %dma_start3A_383 : memref<1x128x64xi32, #tpu.memory_space<vmem>> -> memref<128x64xi32, #tpu.memory_space<vmem>>
        %dma_start3A_385 = arith.constant 0 : i32
        %dma_start3A_386 = arith.constant 0 : i32
        %dma_start3A_387 = tpu.memref_slice %dma_start3A_384[%dma_start3A_385, %dma_start3A_386] : memref<128x64xi32, #tpu.memory_space<vmem>> -> memref<64x64xi32, #tpu.memory_space<vmem>>
        %dma_start3A_388 = arith.constant 0 : i32
        %dma_start3A_389 = tpu.memref_slice %arg4[%mul3A_380, %dma_start3A_388] : memref<160000x128xi32, #tpu.memory_space<hbm>> -> memref<64x128xi32, #tpu.memory_space<hbm>>
        %dma_start3A_390 = arith.constant 0 : i32
        %dma_start3A_391 = arith.constant 0 : i32
        %dma_start3A_392 = tpu.memref_slice %dma_start3A_389[%dma_start3A_390, %dma_start3A_391] : memref<64x128xi32, #tpu.memory_space<hbm>> -> memref<64x64xi32, #tpu.memory_space<hbm>>
        %dma_start3A_393 = arith.constant 0 : i32
        %dma_start3A_394 = tpu.memref_slice %arg4[%mul3A_380, %dma_start3A_393] : memref<160000x128xi32, #tpu.memory_space<hbm>> -> memref<64x128xi32, #tpu.memory_space<hbm>>
        %dma_start3A_395 = arith.constant 0 : i32
        %dma_start3A_396 = arith.constant 0 : i32
        %dma_start3A_397 = tpu.memref_slice %dma_start3A_394[%dma_start3A_395, %dma_start3A_396] : memref<64x128xi32, #tpu.memory_space<hbm>> -> memref<64x64xi32, #tpu.memory_space<hbm>>
        %dma_start3A_398 = arith.constant 0 : i32
        %dma_start3A_399 = arith.constant 0 : i32
        %dma_start3A_400 = tpu.memref_slice %arg7[%while3A_35, %dma_start3A_398, %dma_start3A_399] : memref<4x128x64xi32, #tpu.memory_space<vmem>> -> memref<1x128x64xi32, #tpu.memory_space<vmem>>
        %dma_start3A_401 = tpu.memref_squeeze %dma_start3A_400 : memref<1x128x64xi32, #tpu.memory_space<vmem>> -> memref<128x64xi32, #tpu.memory_space<vmem>>
        %dma_start3A_402 = arith.constant 0 : i32
        %dma_start3A_403 = arith.constant 0 : i32
        %dma_start3A_404 = tpu.memref_slice %dma_start3A_401[%dma_start3A_402, %dma_start3A_403] : memref<128x64xi32, #tpu.memory_space<vmem>> -> memref<64x64xi32, #tpu.memory_space<vmem>>
        tpu.enqueue_dma source(%dma_start3A_404 : memref<64x64xi32, #tpu.memory_space<vmem>>) target(%dma_start3A_397 : memref<64x64xi32, #tpu.memory_space<hbm>>) target_semaphore(%arg10 : memref<!tpu.dma_semaphore, #tpu.memory_space<semaphore_mem>>)
        %dma_start3A_405 = arith.constant 0 : i32
        %dma_start3A_406 = arith.constant 0 : i32
        %dma_start3A_407 = tpu.memref_slice %arg7[%while3A_35, %dma_start3A_405, %dma_start3A_406] : memref<4x128x64xi32, #tpu.memory_space<vmem>> -> memref<1x128x64xi32, #tpu.memory_space<vmem>>
        %dma_start3A_408 = tpu.memref_squeeze %dma_start3A_407 : memref<1x128x64xi32, #tpu.memory_space<vmem>> -> memref<128x64xi32, #tpu.memory_space<vmem>>
        %dma_start3A_409 = arith.constant 64 : i32
        %dma_start3A_410 = arith.constant 0 : i32
        %dma_start3A_411 = tpu.memref_slice %dma_start3A_408[%dma_start3A_409, %dma_start3A_410] : memref<128x64xi32, #tpu.memory_space<vmem>> -> memref<64x64xi32, #tpu.memory_space<vmem>>
        %dma_start3A_412 = arith.constant 0 : i32
        %dma_start3A_413 = tpu.memref_slice %arg4[%mul3A_380, %dma_start3A_412] : memref<160000x128xi32, #tpu.memory_space<hbm>> -> memref<64x128xi32, #tpu.memory_space<hbm>>
        %dma_start3A_414 = arith.constant 0 : i32
        %dma_start3A_415 = arith.constant 64 : i32
        %dma_start3A_416 = tpu.memref_slice %dma_start3A_413[%dma_start3A_414, %dma_start3A_415] : memref<64x128xi32, #tpu.memory_space<hbm>> -> memref<64x64xi32, #tpu.memory_space<hbm>>
        %dma_start3A_417 = arith.constant 0 : i32
        %dma_start3A_418 = tpu.memref_slice %arg4[%mul3A_380, %dma_start3A_417] : memref<160000x128xi32, #tpu.memory_space<hbm>> -> memref<64x128xi32, #tpu.memory_space<hbm>>
        %dma_start3A_419 = arith.constant 0 : i32
        %dma_start3A_420 = arith.constant 64 : i32
        %dma_start3A_421 = tpu.memref_slice %dma_start3A_418[%dma_start3A_419, %dma_start3A_420] : memref<64x128xi32, #tpu.memory_space<hbm>> -> memref<64x64xi32, #tpu.memory_space<hbm>>
        %dma_start3A_422 = arith.constant 0 : i32
        %dma_start3A_423 = arith.constant 0 : i32
        %dma_start3A_424 = tpu.memref_slice %arg7[%while3A_35, %dma_start3A_422, %dma_start3A_423] : memref<4x128x64xi32, #tpu.memory_space<vmem>> -> memref<1x128x64xi32, #tpu.memory_space<vmem>>
        %dma_start3A_425 = tpu.memref_squeeze %dma_start3A_424 : memref<1x128x64xi32, #tpu.memory_space<vmem>> -> memref<128x64xi32, #tpu.memory_space<vmem>>
        %dma_start3A_426 = arith.constant 64 : i32
        %dma_start3A_427 = arith.constant 0 : i32
        %dma_start3A_428 = tpu.memref_slice %dma_start3A_425[%dma_start3A_426, %dma_start3A_427] : memref<128x64xi32, #tpu.memory_space<vmem>> -> memref<64x64xi32, #tpu.memory_space<vmem>>
        tpu.enqueue_dma source(%dma_start3A_428 : memref<64x64xi32, #tpu.memory_space<vmem>>) target(%dma_start3A_421 : memref<64x64xi32, #tpu.memory_space<hbm>>) target_semaphore(%arg10 : memref<!tpu.dma_semaphore, #tpu.memory_space<semaphore_mem>>)
      } else {
      }
      %ge3A_112 = arith.constant 2500 : i32
      %ge3A_113 = arith.cmpi sge, %add3A_106, %ge3A_112 : i32
      %convert_element_type3A_114 = arith.extui %ge3A_113 : i1 to i32
      %cond3A_115 = arith.constant 0 : i32
      %cond3A_116 = arith.cmpi ne, %convert_element_type3A_114, %cond3A_115 : i32
      scf.if %cond3A_116 {
        %sub3A = arith.constant 2500 : i32
        %sub3A_379 = arith.subi %add3A_106, %sub3A : i32
        %mul3A_380 = arith.constant 64 : i32
        %mul3A_381 = arith.muli %sub3A_379, %mul3A_380 : i32
        %dma_start3A_382 = arith.constant 0 : i32
        %dma_start3A_383 = arith.constant 0 : i32
        %dma_start3A_384 = tpu.memref_slice %arg7[%while3A_35, %dma_start3A_382, %dma_start3A_383] : memref<4x128x64xi32, #tpu.memory_space<vmem>> -> memref<1x128x64xi32, #tpu.memory_space<vmem>>
        %dma_start3A_385 = tpu.memref_squeeze %dma_start3A_384 : memref<1x128x64xi32, #tpu.memory_space<vmem>> -> memref<128x64xi32, #tpu.memory_space<vmem>>
        %dma_start3A_386 = arith.constant 0 : i32
        %dma_start3A_387 = arith.constant 0 : i32
        %dma_start3A_388 = tpu.memref_slice %dma_start3A_385[%dma_start3A_386, %dma_start3A_387] : memref<128x64xi32, #tpu.memory_space<vmem>> -> memref<64x64xi32, #tpu.memory_space<vmem>>
        %dma_start3A_389 = arith.constant 0 : i32
        %dma_start3A_390 = tpu.memref_slice %arg5[%mul3A_381, %dma_start3A_389] : memref<12032x128xi32, #tpu.memory_space<hbm>> -> memref<64x128xi32, #tpu.memory_space<hbm>>
        %dma_start3A_391 = arith.constant 0 : i32
        %dma_start3A_392 = arith.constant 0 : i32
        %dma_start3A_393 = tpu.memref_slice %dma_start3A_390[%dma_start3A_391, %dma_start3A_392] : memref<64x128xi32, #tpu.memory_space<hbm>> -> memref<64x64xi32, #tpu.memory_space<hbm>>
        %dma_start3A_394 = arith.constant 0 : i32
        %dma_start3A_395 = tpu.memref_slice %arg5[%mul3A_381, %dma_start3A_394] : memref<12032x128xi32, #tpu.memory_space<hbm>> -> memref<64x128xi32, #tpu.memory_space<hbm>>
        %dma_start3A_396 = arith.constant 0 : i32
        %dma_start3A_397 = arith.constant 0 : i32
        %dma_start3A_398 = tpu.memref_slice %dma_start3A_395[%dma_start3A_396, %dma_start3A_397] : memref<64x128xi32, #tpu.memory_space<hbm>> -> memref<64x64xi32, #tpu.memory_space<hbm>>
        %dma_start3A_399 = arith.constant 0 : i32
        %dma_start3A_400 = arith.constant 0 : i32
        %dma_start3A_401 = tpu.memref_slice %arg7[%while3A_35, %dma_start3A_399, %dma_start3A_400] : memref<4x128x64xi32, #tpu.memory_space<vmem>> -> memref<1x128x64xi32, #tpu.memory_space<vmem>>
        %dma_start3A_402 = tpu.memref_squeeze %dma_start3A_401 : memref<1x128x64xi32, #tpu.memory_space<vmem>> -> memref<128x64xi32, #tpu.memory_space<vmem>>
        %dma_start3A_403 = arith.constant 0 : i32
        %dma_start3A_404 = arith.constant 0 : i32
        %dma_start3A_405 = tpu.memref_slice %dma_start3A_402[%dma_start3A_403, %dma_start3A_404] : memref<128x64xi32, #tpu.memory_space<vmem>> -> memref<64x64xi32, #tpu.memory_space<vmem>>
        tpu.enqueue_dma source(%dma_start3A_405 : memref<64x64xi32, #tpu.memory_space<vmem>>) target(%dma_start3A_398 : memref<64x64xi32, #tpu.memory_space<hbm>>) target_semaphore(%arg10 : memref<!tpu.dma_semaphore, #tpu.memory_space<semaphore_mem>>)
        %dma_start3A_406 = arith.constant 0 : i32
        %dma_start3A_407 = arith.constant 0 : i32
        %dma_start3A_408 = tpu.memref_slice %arg7[%while3A_35, %dma_start3A_406, %dma_start3A_407] : memref<4x128x64xi32, #tpu.memory_space<vmem>> -> memref<1x128x64xi32, #tpu.memory_space<vmem>>
        %dma_start3A_409 = tpu.memref_squeeze %dma_start3A_408 : memref<1x128x64xi32, #tpu.memory_space<vmem>> -> memref<128x64xi32, #tpu.memory_space<vmem>>
        %dma_start3A_410 = arith.constant 64 : i32
        %dma_start3A_411 = arith.constant 0 : i32
        %dma_start3A_412 = tpu.memref_slice %dma_start3A_409[%dma_start3A_410, %dma_start3A_411] : memref<128x64xi32, #tpu.memory_space<vmem>> -> memref<64x64xi32, #tpu.memory_space<vmem>>
        %dma_start3A_413 = arith.constant 0 : i32
        %dma_start3A_414 = tpu.memref_slice %arg5[%mul3A_381, %dma_start3A_413] : memref<12032x128xi32, #tpu.memory_space<hbm>> -> memref<64x128xi32, #tpu.memory_space<hbm>>
        %dma_start3A_415 = arith.constant 0 : i32
        %dma_start3A_416 = arith.constant 64 : i32
        %dma_start3A_417 = tpu.memref_slice %dma_start3A_414[%dma_start3A_415, %dma_start3A_416] : memref<64x128xi32, #tpu.memory_space<hbm>> -> memref<64x64xi32, #tpu.memory_space<hbm>>
        %dma_start3A_418 = arith.constant 0 : i32
        %dma_start3A_419 = tpu.memref_slice %arg5[%mul3A_381, %dma_start3A_418] : memref<12032x128xi32, #tpu.memory_space<hbm>> -> memref<64x128xi32, #tpu.memory_space<hbm>>
        %dma_start3A_420 = arith.constant 0 : i32
        %dma_start3A_421 = arith.constant 64 : i32
        %dma_start3A_422 = tpu.memref_slice %dma_start3A_419[%dma_start3A_420, %dma_start3A_421] : memref<64x128xi32, #tpu.memory_space<hbm>> -> memref<64x64xi32, #tpu.memory_space<hbm>>
        %dma_start3A_423 = arith.constant 0 : i32
        %dma_start3A_424 = arith.constant 0 : i32
        %dma_start3A_425 = tpu.memref_slice %arg7[%while3A_35, %dma_start3A_423, %dma_start3A_424] : memref<4x128x64xi32, #tpu.memory_space<vmem>> -> memref<1x128x64xi32, #tpu.memory_space<vmem>>
        %dma_start3A_426 = tpu.memref_squeeze %dma_start3A_425 : memref<1x128x64xi32, #tpu.memory_space<vmem>> -> memref<128x64xi32, #tpu.memory_space<vmem>>
        %dma_start3A_427 = arith.constant 64 : i32
        %dma_start3A_428 = arith.constant 0 : i32
        %dma_start3A_429 = tpu.memref_slice %dma_start3A_426[%dma_start3A_427, %dma_start3A_428] : memref<128x64xi32, #tpu.memory_space<vmem>> -> memref<64x64xi32, #tpu.memory_space<vmem>>
        tpu.enqueue_dma source(%dma_start3A_429 : memref<64x64xi32, #tpu.memory_space<vmem>>) target(%dma_start3A_422 : memref<64x64xi32, #tpu.memory_space<hbm>>) target_semaphore(%arg10 : memref<!tpu.dma_semaphore, #tpu.memory_space<semaphore_mem>>)
      } else {
      }
      %dma_wait3A_117 = arith.constant 0 : i32
      %dma_wait3A_118 = arith.constant 0 : i32
      %dma_wait3A_119 = tpu.memref_slice %arg7[%while3A_34, %dma_wait3A_117, %dma_wait3A_118] : memref<4x128x64xi32, #tpu.memory_space<vmem>> -> memref<1x128x64xi32, #tpu.memory_space<vmem>>
      %dma_wait3A_120 = tpu.memref_squeeze %dma_wait3A_119 : memref<1x128x64xi32, #tpu.memory_space<vmem>> -> memref<128x64xi32, #tpu.memory_space<vmem>>
      %dma_wait3A_121 = arith.constant 0 : i32
      %dma_wait3A_122 = arith.constant 0 : i32
      %dma_wait3A_123 = tpu.memref_slice %dma_wait3A_120[%dma_wait3A_121, %dma_wait3A_122] : memref<128x64xi32, #tpu.memory_space<vmem>> -> memref<64x64xi32, #tpu.memory_space<vmem>>
      %dma_wait3A_124 = arith.constant 0 : i32
      %dma_wait3A_125 = arith.constant 0 : i32
      %dma_wait3A_126 = tpu.memref_slice %arg4[%dma_wait3A_124, %dma_wait3A_125] : memref<160000x128xi32, #tpu.memory_space<hbm>> -> memref<64x128xi32, #tpu.memory_space<hbm>>
      %dma_wait3A_127 = arith.constant 0 : i32
      %dma_wait3A_128 = arith.constant 0 : i32
      %dma_wait3A_129 = tpu.memref_slice %dma_wait3A_126[%dma_wait3A_127, %dma_wait3A_128] : memref<64x128xi32, #tpu.memory_space<hbm>> -> memref<64x64xi32, #tpu.memory_space<hbm>>
      %dma_wait3A_130 = arith.constant 0 : i32
      %dma_wait3A_131 = arith.constant 0 : i32
      %dma_wait3A_132 = tpu.memref_slice %arg4[%dma_wait3A_130, %dma_wait3A_131] : memref<160000x128xi32, #tpu.memory_space<hbm>> -> memref<64x128xi32, #tpu.memory_space<hbm>>
      %dma_wait3A_133 = arith.constant 0 : i32
      %dma_wait3A_134 = arith.constant 0 : i32
      %dma_wait3A_135 = tpu.memref_slice %dma_wait3A_132[%dma_wait3A_133, %dma_wait3A_134] : memref<64x128xi32, #tpu.memory_space<hbm>> -> memref<64x64xi32, #tpu.memory_space<hbm>>
      %dma_wait3A_136 = arith.constant 0 : i32
      %dma_wait3A_137 = arith.constant 0 : i32
      %dma_wait3A_138 = tpu.memref_slice %arg7[%while3A_34, %dma_wait3A_136, %dma_wait3A_137] : memref<4x128x64xi32, #tpu.memory_space<vmem>> -> memref<1x128x64xi32, #tpu.memory_space<vmem>>
      %dma_wait3A_139 = tpu.memref_squeeze %dma_wait3A_138 : memref<1x128x64xi32, #tpu.memory_space<vmem>> -> memref<128x64xi32, #tpu.memory_space<vmem>>
      %dma_wait3A_140 = arith.constant 0 : i32
      %dma_wait3A_141 = arith.constant 0 : i32
      %dma_wait3A_142 = tpu.memref_slice %dma_wait3A_139[%dma_wait3A_140, %dma_wait3A_141] : memref<128x64xi32, #tpu.memory_space<vmem>> -> memref<64x64xi32, #tpu.memory_space<vmem>>
      tpu.wait_dma2 semaphore(%arg10 : memref<!tpu.dma_semaphore, #tpu.memory_space<semaphore_mem>>) src(%dma_wait3A_142 : memref<64x64xi32, #tpu.memory_space<vmem>>) dst(%dma_wait3A_135 : memref<64x64xi32, #tpu.memory_space<hbm>>)
      %dma_wait3A_143 = arith.constant 0 : i32
      %dma_wait3A_144 = arith.constant 0 : i32
      %dma_wait3A_145 = tpu.memref_slice %arg7[%while3A_34, %dma_wait3A_143, %dma_wait3A_144] : memref<4x128x64xi32, #tpu.memory_space<vmem>> -> memref<1x128x64xi32, #tpu.memory_space<vmem>>
      %dma_wait3A_146 = tpu.memref_squeeze %dma_wait3A_145 : memref<1x128x64xi32, #tpu.memory_space<vmem>> -> memref<128x64xi32, #tpu.memory_space<vmem>>
      %dma_wait3A_147 = arith.constant 64 : i32
      %dma_wait3A_148 = arith.constant 0 : i32
      %dma_wait3A_149 = tpu.memref_slice %dma_wait3A_146[%dma_wait3A_147, %dma_wait3A_148] : memref<128x64xi32, #tpu.memory_space<vmem>> -> memref<64x64xi32, #tpu.memory_space<vmem>>
      %dma_wait3A_150 = arith.constant 0 : i32
      %dma_wait3A_151 = arith.constant 0 : i32
      %dma_wait3A_152 = tpu.memref_slice %arg4[%dma_wait3A_150, %dma_wait3A_151] : memref<160000x128xi32, #tpu.memory_space<hbm>> -> memref<64x128xi32, #tpu.memory_space<hbm>>
      %dma_wait3A_153 = arith.constant 0 : i32
      %dma_wait3A_154 = arith.constant 64 : i32
      %dma_wait3A_155 = tpu.memref_slice %dma_wait3A_152[%dma_wait3A_153, %dma_wait3A_154] : memref<64x128xi32, #tpu.memory_space<hbm>> -> memref<64x64xi32, #tpu.memory_space<hbm>>
      %dma_wait3A_156 = arith.constant 0 : i32
      %dma_wait3A_157 = arith.constant 0 : i32
      %dma_wait3A_158 = tpu.memref_slice %arg4[%dma_wait3A_156, %dma_wait3A_157] : memref<160000x128xi32, #tpu.memory_space<hbm>> -> memref<64x128xi32, #tpu.memory_space<hbm>>
      %dma_wait3A_159 = arith.constant 0 : i32
      %dma_wait3A_160 = arith.constant 64 : i32
      %dma_wait3A_161 = tpu.memref_slice %dma_wait3A_158[%dma_wait3A_159, %dma_wait3A_160] : memref<64x128xi32, #tpu.memory_space<hbm>> -> memref<64x64xi32, #tpu.memory_space<hbm>>
      %dma_wait3A_162 = arith.constant 0 : i32
      %dma_wait3A_163 = arith.constant 0 : i32
      %dma_wait3A_164 = tpu.memref_slice %arg7[%while3A_34, %dma_wait3A_162, %dma_wait3A_163] : memref<4x128x64xi32, #tpu.memory_space<vmem>> -> memref<1x128x64xi32, #tpu.memory_space<vmem>>
      %dma_wait3A_165 = tpu.memref_squeeze %dma_wait3A_164 : memref<1x128x64xi32, #tpu.memory_space<vmem>> -> memref<128x64xi32, #tpu.memory_space<vmem>>
      %dma_wait3A_166 = arith.constant 64 : i32
      %dma_wait3A_167 = arith.constant 0 : i32
      %dma_wait3A_168 = tpu.memref_slice %dma_wait3A_165[%dma_wait3A_166, %dma_wait3A_167] : memref<128x64xi32, #tpu.memory_space<vmem>> -> memref<64x64xi32, #tpu.memory_space<vmem>>
      tpu.wait_dma2 semaphore(%arg10 : memref<!tpu.dma_semaphore, #tpu.memory_space<semaphore_mem>>) src(%dma_wait3A_168 : memref<64x64xi32, #tpu.memory_space<vmem>>) dst(%dma_wait3A_161 : memref<64x64xi32, #tpu.memory_space<hbm>>)
      %dma_wait3A_169 = arith.constant 0 : i32
      %dma_wait3A_170 = arith.constant 0 : i32
      %dma_wait3A_171 = tpu.memref_slice %arg7[%while3A_35, %dma_wait3A_169, %dma_wait3A_170] : memref<4x128x64xi32, #tpu.memory_space<vmem>> -> memref<1x128x64xi32, #tpu.memory_space<vmem>>
      %dma_wait3A_172 = tpu.memref_squeeze %dma_wait3A_171 : memref<1x128x64xi32, #tpu.memory_space<vmem>> -> memref<128x64xi32, #tpu.memory_space<vmem>>
      %dma_wait3A_173 = arith.constant 0 : i32
      %dma_wait3A_174 = arith.constant 0 : i32
      %dma_wait3A_175 = tpu.memref_slice %dma_wait3A_172[%dma_wait3A_173, %dma_wait3A_174] : memref<128x64xi32, #tpu.memory_space<vmem>> -> memref<64x64xi32, #tpu.memory_space<vmem>>
      %dma_wait3A_176 = arith.constant 0 : i32
      %dma_wait3A_177 = arith.constant 0 : i32
      %dma_wait3A_178 = tpu.memref_slice %arg4[%dma_wait3A_176, %dma_wait3A_177] : memref<160000x128xi32, #tpu.memory_space<hbm>> -> memref<64x128xi32, #tpu.memory_space<hbm>>
      %dma_wait3A_179 = arith.constant 0 : i32
      %dma_wait3A_180 = arith.constant 0 : i32
      %dma_wait3A_181 = tpu.memref_slice %dma_wait3A_178[%dma_wait3A_179, %dma_wait3A_180] : memref<64x128xi32, #tpu.memory_space<hbm>> -> memref<64x64xi32, #tpu.memory_space<hbm>>
      %dma_wait3A_182 = arith.constant 0 : i32
      %dma_wait3A_183 = arith.constant 0 : i32
      %dma_wait3A_184 = tpu.memref_slice %arg4[%dma_wait3A_182, %dma_wait3A_183] : memref<160000x128xi32, #tpu.memory_space<hbm>> -> memref<64x128xi32, #tpu.memory_space<hbm>>
      %dma_wait3A_185 = arith.constant 0 : i32
      %dma_wait3A_186 = arith.constant 0 : i32
      %dma_wait3A_187 = tpu.memref_slice %dma_wait3A_184[%dma_wait3A_185, %dma_wait3A_186] : memref<64x128xi32, #tpu.memory_space<hbm>> -> memref<64x64xi32, #tpu.memory_space<hbm>>
      %dma_wait3A_188 = arith.constant 0 : i32
      %dma_wait3A_189 = arith.constant 0 : i32
      %dma_wait3A_190 = tpu.memref_slice %arg7[%while3A_35, %dma_wait3A_188, %dma_wait3A_189] : memref<4x128x64xi32, #tpu.memory_space<vmem>> -> memref<1x128x64xi32, #tpu.memory_space<vmem>>
      %dma_wait3A_191 = tpu.memref_squeeze %dma_wait3A_190 : memref<1x128x64xi32, #tpu.memory_space<vmem>> -> memref<128x64xi32, #tpu.memory_space<vmem>>
      %dma_wait3A_192 = arith.constant 0 : i32
      %dma_wait3A_193 = arith.constant 0 : i32
      %dma_wait3A_194 = tpu.memref_slice %dma_wait3A_191[%dma_wait3A_192, %dma_wait3A_193] : memref<128x64xi32, #tpu.memory_space<vmem>> -> memref<64x64xi32, #tpu.memory_space<vmem>>
      tpu.wait_dma2 semaphore(%arg10 : memref<!tpu.dma_semaphore, #tpu.memory_space<semaphore_mem>>) src(%dma_wait3A_194 : memref<64x64xi32, #tpu.memory_space<vmem>>) dst(%dma_wait3A_187 : memref<64x64xi32, #tpu.memory_space<hbm>>)
      %dma_wait3A_195 = arith.constant 0 : i32
      %dma_wait3A_196 = arith.constant 0 : i32
      %dma_wait3A_197 = tpu.memref_slice %arg7[%while3A_35, %dma_wait3A_195, %dma_wait3A_196] : memref<4x128x64xi32, #tpu.memory_space<vmem>> -> memref<1x128x64xi32, #tpu.memory_space<vmem>>
      %dma_wait3A_198 = tpu.memref_squeeze %dma_wait3A_197 : memref<1x128x64xi32, #tpu.memory_space<vmem>> -> memref<128x64xi32, #tpu.memory_space<vmem>>
      %dma_wait3A_199 = arith.constant 64 : i32
      %dma_wait3A_200 = arith.constant 0 : i32
      %dma_wait3A_201 = tpu.memref_slice %dma_wait3A_198[%dma_wait3A_199, %dma_wait3A_200] : memref<128x64xi32, #tpu.memory_space<vmem>> -> memref<64x64xi32, #tpu.memory_space<vmem>>
      %dma_wait3A_202 = arith.constant 0 : i32
      %dma_wait3A_203 = arith.constant 0 : i32
      %dma_wait3A_204 = tpu.memref_slice %arg4[%dma_wait3A_202, %dma_wait3A_203] : memref<160000x128xi32, #tpu.memory_space<hbm>> -> memref<64x128xi32, #tpu.memory_space<hbm>>
      %dma_wait3A_205 = arith.constant 0 : i32
      %dma_wait3A_206 = arith.constant 64 : i32
      %dma_wait3A_207 = tpu.memref_slice %dma_wait3A_204[%dma_wait3A_205, %dma_wait3A_206] : memref<64x128xi32, #tpu.memory_space<hbm>> -> memref<64x64xi32, #tpu.memory_space<hbm>>
      %dma_wait3A_208 = arith.constant 0 : i32
      %dma_wait3A_209 = arith.constant 0 : i32
      %dma_wait3A_210 = tpu.memref_slice %arg4[%dma_wait3A_208, %dma_wait3A_209] : memref<160000x128xi32, #tpu.memory_space<hbm>> -> memref<64x128xi32, #tpu.memory_space<hbm>>
      %dma_wait3A_211 = arith.constant 0 : i32
      %dma_wait3A_212 = arith.constant 64 : i32
      %dma_wait3A_213 = tpu.memref_slice %dma_wait3A_210[%dma_wait3A_211, %dma_wait3A_212] : memref<64x128xi32, #tpu.memory_space<hbm>> -> memref<64x64xi32, #tpu.memory_space<hbm>>
      %dma_wait3A_214 = arith.constant 0 : i32
      %dma_wait3A_215 = arith.constant 0 : i32
      %dma_wait3A_216 = tpu.memref_slice %arg7[%while3A_35, %dma_wait3A_214, %dma_wait3A_215] : memref<4x128x64xi32, #tpu.memory_space<vmem>> -> memref<1x128x64xi32, #tpu.memory_space<vmem>>
      %dma_wait3A_217 = tpu.memref_squeeze %dma_wait3A_216 : memref<1x128x64xi32, #tpu.memory_space<vmem>> -> memref<128x64xi32, #tpu.memory_space<vmem>>
      %dma_wait3A_218 = arith.constant 64 : i32
      %dma_wait3A_219 = arith.constant 0 : i32
      %dma_wait3A_220 = tpu.memref_slice %dma_wait3A_217[%dma_wait3A_218, %dma_wait3A_219] : memref<128x64xi32, #tpu.memory_space<vmem>> -> memref<64x64xi32, #tpu.memory_space<vmem>>
      tpu.wait_dma2 semaphore(%arg10 : memref<!tpu.dma_semaphore, #tpu.memory_space<semaphore_mem>>) src(%dma_wait3A_220 : memref<64x64xi32, #tpu.memory_space<vmem>>) dst(%dma_wait3A_213 : memref<64x64xi32, #tpu.memory_space<hbm>>)
      %add3A_221 = arith.constant 1 : i32
      %add3A_222 = arith.addi %while3A_45, %add3A_221 : i32
      %lt3A_223 = arith.cmpi slt, %add3A_222, %select_n3A_8 : i32
      %convert_element_type3A_224 = arith.extui %lt3A_223 : i1 to i32
      %cond3A_225 = arith.constant 0 : i32
      %cond3A_226 = arith.cmpi ne, %convert_element_type3A_224, %cond3A_225 : i32
      scf.if %cond3A_226 {
        %add3A_379 = arith.constant 4 : i32
        %add3A_380 = arith.addi %mul3A_47, %add3A_379 : i32
        %add3A_381 = arith.constant 0 : i32
        %add3A_382 = arith.addi %add3A_380, %add3A_381 : i32
        %dma_start3A_383 = arith.constant 0 : i32
        %dma_start3A_384 = arith.constant 0 : i32
        %dma_start3A_385 = tpu.memref_slice %arg7[%while3A_34, %dma_start3A_383, %dma_start3A_384] : memref<4x128x64xi32, #tpu.memory_space<vmem>> -> memref<1x128x64xi32, #tpu.memory_space<vmem>>
        %dma_start3A_386 = tpu.memref_squeeze %dma_start3A_385 : memref<1x128x64xi32, #tpu.memory_space<vmem>> -> memref<128x64xi32, #tpu.memory_space<vmem>>
        %dma_start3A_387 = arith.constant 0 : i32
        %dma_start3A_388 = tpu.memref_slice %arg6[%add3A_382, %dma_start3A_387] : memref<116x128xi32, #tpu.memory_space<vmem>> -> memref<1x128xi32, #tpu.memory_space<vmem>>
        %dma_start3A_389 = tpu.memref_squeeze %dma_start3A_388 : memref<1x128xi32, #tpu.memory_space<vmem>> -> memref<128xi32, #tpu.memory_space<vmem>>
        %dma_start3A_390 = arith.constant 0 : i32
        %dma_start3A_391 = arith.constant 0 : i32
        %dma_start3A_392 = tpu.memref_slice %arg3[%dma_start3A_390, %dma_start3A_391] : memref<100000x64xi32, #tpu.memory_space<hbm>> -> memref<100000x64xi32, #tpu.memory_space<hbm>>
        tpu.enqueue_indirect_dma source(%dma_start3A_392 : memref<100000x64xi32, #tpu.memory_space<hbm>>) target(%dma_start3A_386 : memref<128x64xi32, #tpu.memory_space<vmem>>) offsets(%dma_start3A_389 : memref<128xi32, #tpu.memory_space<vmem>>) semaphore(%arg8 : memref<!tpu.dma_semaphore, #tpu.memory_space<semaphore_mem>>)
        %add3A_393 = arith.constant 4 : i32
        %add3A_394 = arith.addi %mul3A_47, %add3A_393 : i32
        %add3A_395 = arith.constant 1 : i32
        %add3A_396 = arith.addi %add3A_394, %add3A_395 : i32
        %dma_start3A_397 = arith.constant 0 : i32
        %dma_start3A_398 = arith.constant 0 : i32
        %dma_start3A_399 = tpu.memref_slice %arg7[%while3A_35, %dma_start3A_397, %dma_start3A_398] : memref<4x128x64xi32, #tpu.memory_space<vmem>> -> memref<1x128x64xi32, #tpu.memory_space<vmem>>
        %dma_start3A_400 = tpu.memref_squeeze %dma_start3A_399 : memref<1x128x64xi32, #tpu.memory_space<vmem>> -> memref<128x64xi32, #tpu.memory_space<vmem>>
        %dma_start3A_401 = arith.constant 0 : i32
        %dma_start3A_402 = tpu.memref_slice %arg6[%add3A_396, %dma_start3A_401] : memref<116x128xi32, #tpu.memory_space<vmem>> -> memref<1x128xi32, #tpu.memory_space<vmem>>
        %dma_start3A_403 = tpu.memref_squeeze %dma_start3A_402 : memref<1x128xi32, #tpu.memory_space<vmem>> -> memref<128xi32, #tpu.memory_space<vmem>>
        %dma_start3A_404 = arith.constant 0 : i32
        %dma_start3A_405 = arith.constant 0 : i32
        %dma_start3A_406 = tpu.memref_slice %arg3[%dma_start3A_404, %dma_start3A_405] : memref<100000x64xi32, #tpu.memory_space<hbm>> -> memref<100000x64xi32, #tpu.memory_space<hbm>>
        tpu.enqueue_indirect_dma source(%dma_start3A_406 : memref<100000x64xi32, #tpu.memory_space<hbm>>) target(%dma_start3A_400 : memref<128x64xi32, #tpu.memory_space<vmem>>) offsets(%dma_start3A_403 : memref<128xi32, #tpu.memory_space<vmem>>) semaphore(%arg8 : memref<!tpu.dma_semaphore, #tpu.memory_space<semaphore_mem>>)
      } else {
      }
      %dma_wait3A_227 = arith.constant 0 : i32
      %dma_wait3A_228 = arith.constant 0 : i32
      %dma_wait3A_229 = arith.constant 0 : i32
      %dma_wait3A_230 = tpu.memref_slice %arg7[%while3A_32, %dma_wait3A_228, %dma_wait3A_229] : memref<4x128x64xi32, #tpu.memory_space<vmem>> -> memref<1x128x64xi32, #tpu.memory_space<vmem>>
      %dma_wait3A_231 = tpu.memref_squeeze %dma_wait3A_230 : memref<1x128x64xi32, #tpu.memory_space<vmem>> -> memref<128x64xi32, #tpu.memory_space<vmem>>
      %dma_wait3A_232 = arith.constant 0 : i32
      %dma_wait3A_233 = tpu.memref_slice %arg6[%dma_wait3A_227, %dma_wait3A_232] : memref<116x128xi32, #tpu.memory_space<vmem>> -> memref<1x128xi32, #tpu.memory_space<vmem>>
      %dma_wait3A_234 = tpu.memref_squeeze %dma_wait3A_233 : memref<1x128xi32, #tpu.memory_space<vmem>> -> memref<128xi32, #tpu.memory_space<vmem>>
      %dma_wait3A_235 = arith.constant 0 : i32
      %dma_wait3A_236 = arith.constant 0 : i32
      %dma_wait3A_237 = tpu.memref_slice %arg3[%dma_wait3A_235, %dma_wait3A_236] : memref<100000x64xi32, #tpu.memory_space<hbm>> -> memref<100000x64xi32, #tpu.memory_space<hbm>>
      tpu.wait_indirect_dma semaphore(%arg9 : memref<!tpu.dma_semaphore, #tpu.memory_space<semaphore_mem>>) src(%dma_wait3A_237 : memref<100000x64xi32, #tpu.memory_space<hbm>>) dst(%dma_wait3A_231 : memref<128x64xi32, #tpu.memory_space<vmem>>)
      %dma_wait3A_238 = arith.constant 0 : i32
      %dma_wait3A_239 = arith.constant 0 : i32
      %dma_wait3A_240 = arith.constant 0 : i32
      %dma_wait3A_241 = tpu.memref_slice %arg7[%while3A_33, %dma_wait3A_239, %dma_wait3A_240] : memref<4x128x64xi32, #tpu.memory_space<vmem>> -> memref<1x128x64xi32, #tpu.memory_space<vmem>>
      %dma_wait3A_242 = tpu.memref_squeeze %dma_wait3A_241 : memref<1x128x64xi32, #tpu.memory_space<vmem>> -> memref<128x64xi32, #tpu.memory_space<vmem>>
      %dma_wait3A_243 = arith.constant 0 : i32
      %dma_wait3A_244 = tpu.memref_slice %arg6[%dma_wait3A_238, %dma_wait3A_243] : memref<116x128xi32, #tpu.memory_space<vmem>> -> memref<1x128xi32, #tpu.memory_space<vmem>>
      %dma_wait3A_245 = tpu.memref_squeeze %dma_wait3A_244 : memref<1x128xi32, #tpu.memory_space<vmem>> -> memref<128xi32, #tpu.memory_space<vmem>>
      %dma_wait3A_246 = arith.constant 0 : i32
      %dma_wait3A_247 = arith.constant 0 : i32
      %dma_wait3A_248 = tpu.memref_slice %arg3[%dma_wait3A_246, %dma_wait3A_247] : memref<100000x64xi32, #tpu.memory_space<hbm>> -> memref<100000x64xi32, #tpu.memory_space<hbm>>
      tpu.wait_indirect_dma semaphore(%arg9 : memref<!tpu.dma_semaphore, #tpu.memory_space<semaphore_mem>>) src(%dma_wait3A_248 : memref<100000x64xi32, #tpu.memory_space<hbm>>) dst(%dma_wait3A_242 : memref<128x64xi32, #tpu.memory_space<vmem>>)
      %add3A_249 = arith.constant 0 : i32
      %add3A_250 = arith.addi %add3A_49, %add3A_249 : i32
      %add3A_251 = arith.addi %select_n3A, %add3A_250 : i32
      %lt3A_252 = arith.constant 2500 : i32
      %lt3A_253 = arith.cmpi slt, %add3A_251, %lt3A_252 : i32
      %convert_element_type3A_254 = arith.extui %lt3A_253 : i1 to i32
      %cond3A_255 = arith.constant 0 : i32
      %cond3A_256 = arith.cmpi ne, %convert_element_type3A_254, %cond3A_255 : i32
      scf.if %cond3A_256 {
        %mul3A_379 = arith.constant 64 : i32
        %mul3A_380 = arith.muli %add3A_251, %mul3A_379 : i32
        %dma_start3A_381 = arith.constant 0 : i32
        %dma_start3A_382 = arith.constant 0 : i32
        %dma_start3A_383 = tpu.memref_slice %arg7[%while3A_32, %dma_start3A_381, %dma_start3A_382] : memref<4x128x64xi32, #tpu.memory_space<vmem>> -> memref<1x128x64xi32, #tpu.memory_space<vmem>>
        %dma_start3A_384 = tpu.memref_squeeze %dma_start3A_383 : memref<1x128x64xi32, #tpu.memory_space<vmem>> -> memref<128x64xi32, #tpu.memory_space<vmem>>
        %dma_start3A_385 = arith.constant 0 : i32
        %dma_start3A_386 = arith.constant 0 : i32
        %dma_start3A_387 = tpu.memref_slice %dma_start3A_384[%dma_start3A_385, %dma_start3A_386] : memref<128x64xi32, #tpu.memory_space<vmem>> -> memref<64x64xi32, #tpu.memory_space<vmem>>
        %dma_start3A_388 = arith.constant 0 : i32
        %dma_start3A_389 = tpu.memref_slice %arg4[%mul3A_380, %dma_start3A_388] : memref<160000x128xi32, #tpu.memory_space<hbm>> -> memref<64x128xi32, #tpu.memory_space<hbm>>
        %dma_start3A_390 = arith.constant 0 : i32
        %dma_start3A_391 = arith.constant 0 : i32
        %dma_start3A_392 = tpu.memref_slice %dma_start3A_389[%dma_start3A_390, %dma_start3A_391] : memref<64x128xi32, #tpu.memory_space<hbm>> -> memref<64x64xi32, #tpu.memory_space<hbm>>
        %dma_start3A_393 = arith.constant 0 : i32
        %dma_start3A_394 = tpu.memref_slice %arg4[%mul3A_380, %dma_start3A_393] : memref<160000x128xi32, #tpu.memory_space<hbm>> -> memref<64x128xi32, #tpu.memory_space<hbm>>
        %dma_start3A_395 = arith.constant 0 : i32
        %dma_start3A_396 = arith.constant 0 : i32
        %dma_start3A_397 = tpu.memref_slice %dma_start3A_394[%dma_start3A_395, %dma_start3A_396] : memref<64x128xi32, #tpu.memory_space<hbm>> -> memref<64x64xi32, #tpu.memory_space<hbm>>
        %dma_start3A_398 = arith.constant 0 : i32
        %dma_start3A_399 = arith.constant 0 : i32
        %dma_start3A_400 = tpu.memref_slice %arg7[%while3A_32, %dma_start3A_398, %dma_start3A_399] : memref<4x128x64xi32, #tpu.memory_space<vmem>> -> memref<1x128x64xi32, #tpu.memory_space<vmem>>
        %dma_start3A_401 = tpu.memref_squeeze %dma_start3A_400 : memref<1x128x64xi32, #tpu.memory_space<vmem>> -> memref<128x64xi32, #tpu.memory_space<vmem>>
        %dma_start3A_402 = arith.constant 0 : i32
        %dma_start3A_403 = arith.constant 0 : i32
        %dma_start3A_404 = tpu.memref_slice %dma_start3A_401[%dma_start3A_402, %dma_start3A_403] : memref<128x64xi32, #tpu.memory_space<vmem>> -> memref<64x64xi32, #tpu.memory_space<vmem>>
        tpu.enqueue_dma source(%dma_start3A_404 : memref<64x64xi32, #tpu.memory_space<vmem>>) target(%dma_start3A_397 : memref<64x64xi32, #tpu.memory_space<hbm>>) target_semaphore(%arg11 : memref<!tpu.dma_semaphore, #tpu.memory_space<semaphore_mem>>)
        %dma_start3A_405 = arith.constant 0 : i32
        %dma_start3A_406 = arith.constant 0 : i32
        %dma_start3A_407 = tpu.memref_slice %arg7[%while3A_32, %dma_start3A_405, %dma_start3A_406] : memref<4x128x64xi32, #tpu.memory_space<vmem>> -> memref<1x128x64xi32, #tpu.memory_space<vmem>>
        %dma_start3A_408 = tpu.memref_squeeze %dma_start3A_407 : memref<1x128x64xi32, #tpu.memory_space<vmem>> -> memref<128x64xi32, #tpu.memory_space<vmem>>
        %dma_start3A_409 = arith.constant 64 : i32
        %dma_start3A_410 = arith.constant 0 : i32
        %dma_start3A_411 = tpu.memref_slice %dma_start3A_408[%dma_start3A_409, %dma_start3A_410] : memref<128x64xi32, #tpu.memory_space<vmem>> -> memref<64x64xi32, #tpu.memory_space<vmem>>
        %dma_start3A_412 = arith.constant 0 : i32
        %dma_start3A_413 = tpu.memref_slice %arg4[%mul3A_380, %dma_start3A_412] : memref<160000x128xi32, #tpu.memory_space<hbm>> -> memref<64x128xi32, #tpu.memory_space<hbm>>
        %dma_start3A_414 = arith.constant 0 : i32
        %dma_start3A_415 = arith.constant 64 : i32
        %dma_start3A_416 = tpu.memref_slice %dma_start3A_413[%dma_start3A_414, %dma_start3A_415] : memref<64x128xi32, #tpu.memory_space<hbm>> -> memref<64x64xi32, #tpu.memory_space<hbm>>
        %dma_start3A_417 = arith.constant 0 : i32
        %dma_start3A_418 = tpu.memref_slice %arg4[%mul3A_380, %dma_start3A_417] : memref<160000x128xi32, #tpu.memory_space<hbm>> -> memref<64x128xi32, #tpu.memory_space<hbm>>
        %dma_start3A_419 = arith.constant 0 : i32
        %dma_start3A_420 = arith.constant 64 : i32
        %dma_start3A_421 = tpu.memref_slice %dma_start3A_418[%dma_start3A_419, %dma_start3A_420] : memref<64x128xi32, #tpu.memory_space<hbm>> -> memref<64x64xi32, #tpu.memory_space<hbm>>
        %dma_start3A_422 = arith.constant 0 : i32
        %dma_start3A_423 = arith.constant 0 : i32
        %dma_start3A_424 = tpu.memref_slice %arg7[%while3A_32, %dma_start3A_422, %dma_start3A_423] : memref<4x128x64xi32, #tpu.memory_space<vmem>> -> memref<1x128x64xi32, #tpu.memory_space<vmem>>
        %dma_start3A_425 = tpu.memref_squeeze %dma_start3A_424 : memref<1x128x64xi32, #tpu.memory_space<vmem>> -> memref<128x64xi32, #tpu.memory_space<vmem>>
        %dma_start3A_426 = arith.constant 64 : i32
        %dma_start3A_427 = arith.constant 0 : i32
        %dma_start3A_428 = tpu.memref_slice %dma_start3A_425[%dma_start3A_426, %dma_start3A_427] : memref<128x64xi32, #tpu.memory_space<vmem>> -> memref<64x64xi32, #tpu.memory_space<vmem>>
        tpu.enqueue_dma source(%dma_start3A_428 : memref<64x64xi32, #tpu.memory_space<vmem>>) target(%dma_start3A_421 : memref<64x64xi32, #tpu.memory_space<hbm>>) target_semaphore(%arg11 : memref<!tpu.dma_semaphore, #tpu.memory_space<semaphore_mem>>)
      } else {
      }
      %ge3A_257 = arith.constant 2500 : i32
      %ge3A_258 = arith.cmpi sge, %add3A_251, %ge3A_257 : i32
      %convert_element_type3A_259 = arith.extui %ge3A_258 : i1 to i32
      %cond3A_260 = arith.constant 0 : i32
      %cond3A_261 = arith.cmpi ne, %convert_element_type3A_259, %cond3A_260 : i32
      scf.if %cond3A_261 {
        %sub3A = arith.constant 2500 : i32
        %sub3A_379 = arith.subi %add3A_251, %sub3A : i32
        %mul3A_380 = arith.constant 64 : i32
        %mul3A_381 = arith.muli %sub3A_379, %mul3A_380 : i32
        %dma_start3A_382 = arith.constant 0 : i32
        %dma_start3A_383 = arith.constant 0 : i32
        %dma_start3A_384 = tpu.memref_slice %arg7[%while3A_32, %dma_start3A_382, %dma_start3A_383] : memref<4x128x64xi32, #tpu.memory_space<vmem>> -> memref<1x128x64xi32, #tpu.memory_space<vmem>>
        %dma_start3A_385 = tpu.memref_squeeze %dma_start3A_384 : memref<1x128x64xi32, #tpu.memory_space<vmem>> -> memref<128x64xi32, #tpu.memory_space<vmem>>
        %dma_start3A_386 = arith.constant 0 : i32
        %dma_start3A_387 = arith.constant 0 : i32
        %dma_start3A_388 = tpu.memref_slice %dma_start3A_385[%dma_start3A_386, %dma_start3A_387] : memref<128x64xi32, #tpu.memory_space<vmem>> -> memref<64x64xi32, #tpu.memory_space<vmem>>
        %dma_start3A_389 = arith.constant 0 : i32
        %dma_start3A_390 = tpu.memref_slice %arg5[%mul3A_381, %dma_start3A_389] : memref<12032x128xi32, #tpu.memory_space<hbm>> -> memref<64x128xi32, #tpu.memory_space<hbm>>
        %dma_start3A_391 = arith.constant 0 : i32
        %dma_start3A_392 = arith.constant 0 : i32
        %dma_start3A_393 = tpu.memref_slice %dma_start3A_390[%dma_start3A_391, %dma_start3A_392] : memref<64x128xi32, #tpu.memory_space<hbm>> -> memref<64x64xi32, #tpu.memory_space<hbm>>
        %dma_start3A_394 = arith.constant 0 : i32
        %dma_start3A_395 = tpu.memref_slice %arg5[%mul3A_381, %dma_start3A_394] : memref<12032x128xi32, #tpu.memory_space<hbm>> -> memref<64x128xi32, #tpu.memory_space<hbm>>
        %dma_start3A_396 = arith.constant 0 : i32
        %dma_start3A_397 = arith.constant 0 : i32
        %dma_start3A_398 = tpu.memref_slice %dma_start3A_395[%dma_start3A_396, %dma_start3A_397] : memref<64x128xi32, #tpu.memory_space<hbm>> -> memref<64x64xi32, #tpu.memory_space<hbm>>
        %dma_start3A_399 = arith.constant 0 : i32
        %dma_start3A_400 = arith.constant 0 : i32
        %dma_start3A_401 = tpu.memref_slice %arg7[%while3A_32, %dma_start3A_399, %dma_start3A_400] : memref<4x128x64xi32, #tpu.memory_space<vmem>> -> memref<1x128x64xi32, #tpu.memory_space<vmem>>
        %dma_start3A_402 = tpu.memref_squeeze %dma_start3A_401 : memref<1x128x64xi32, #tpu.memory_space<vmem>> -> memref<128x64xi32, #tpu.memory_space<vmem>>
        %dma_start3A_403 = arith.constant 0 : i32
        %dma_start3A_404 = arith.constant 0 : i32
        %dma_start3A_405 = tpu.memref_slice %dma_start3A_402[%dma_start3A_403, %dma_start3A_404] : memref<128x64xi32, #tpu.memory_space<vmem>> -> memref<64x64xi32, #tpu.memory_space<vmem>>
        tpu.enqueue_dma source(%dma_start3A_405 : memref<64x64xi32, #tpu.memory_space<vmem>>) target(%dma_start3A_398 : memref<64x64xi32, #tpu.memory_space<hbm>>) target_semaphore(%arg11 : memref<!tpu.dma_semaphore, #tpu.memory_space<semaphore_mem>>)
        %dma_start3A_406 = arith.constant 0 : i32
        %dma_start3A_407 = arith.constant 0 : i32
        %dma_start3A_408 = tpu.memref_slice %arg7[%while3A_32, %dma_start3A_406, %dma_start3A_407] : memref<4x128x64xi32, #tpu.memory_space<vmem>> -> memref<1x128x64xi32, #tpu.memory_space<vmem>>
        %dma_start3A_409 = tpu.memref_squeeze %dma_start3A_408 : memref<1x128x64xi32, #tpu.memory_space<vmem>> -> memref<128x64xi32, #tpu.memory_space<vmem>>
        %dma_start3A_410 = arith.constant 64 : i32
        %dma_start3A_411 = arith.constant 0 : i32
        %dma_start3A_412 = tpu.memref_slice %dma_start3A_409[%dma_start3A_410, %dma_start3A_411] : memref<128x64xi32, #tpu.memory_space<vmem>> -> memref<64x64xi32, #tpu.memory_space<vmem>>
        %dma_start3A_413 = arith.constant 0 : i32
        %dma_start3A_414 = tpu.memref_slice %arg5[%mul3A_381, %dma_start3A_413] : memref<12032x128xi32, #tpu.memory_space<hbm>> -> memref<64x128xi32, #tpu.memory_space<hbm>>
        %dma_start3A_415 = arith.constant 0 : i32
        %dma_start3A_416 = arith.constant 64 : i32
        %dma_start3A_417 = tpu.memref_slice %dma_start3A_414[%dma_start3A_415, %dma_start3A_416] : memref<64x128xi32, #tpu.memory_space<hbm>> -> memref<64x64xi32, #tpu.memory_space<hbm>>
        %dma_start3A_418 = arith.constant 0 : i32
        %dma_start3A_419 = tpu.memref_slice %arg5[%mul3A_381, %dma_start3A_418] : memref<12032x128xi32, #tpu.memory_space<hbm>> -> memref<64x128xi32, #tpu.memory_space<hbm>>
        %dma_start3A_420 = arith.constant 0 : i32
        %dma_start3A_421 = arith.constant 64 : i32
        %dma_start3A_422 = tpu.memref_slice %dma_start3A_419[%dma_start3A_420, %dma_start3A_421] : memref<64x128xi32, #tpu.memory_space<hbm>> -> memref<64x64xi32, #tpu.memory_space<hbm>>
        %dma_start3A_423 = arith.constant 0 : i32
        %dma_start3A_424 = arith.constant 0 : i32
        %dma_start3A_425 = tpu.memref_slice %arg7[%while3A_32, %dma_start3A_423, %dma_start3A_424] : memref<4x128x64xi32, #tpu.memory_space<vmem>> -> memref<1x128x64xi32, #tpu.memory_space<vmem>>
        %dma_start3A_426 = tpu.memref_squeeze %dma_start3A_425 : memref<1x128x64xi32, #tpu.memory_space<vmem>> -> memref<128x64xi32, #tpu.memory_space<vmem>>
        %dma_start3A_427 = arith.constant 64 : i32
        %dma_start3A_428 = arith.constant 0 : i32
        %dma_start3A_429 = tpu.memref_slice %dma_start3A_426[%dma_start3A_427, %dma_start3A_428] : memref<128x64xi32, #tpu.memory_space<vmem>> -> memref<64x64xi32, #tpu.memory_space<vmem>>
        tpu.enqueue_dma source(%dma_start3A_429 : memref<64x64xi32, #tpu.memory_space<vmem>>) target(%dma_start3A_422 : memref<64x64xi32, #tpu.memory_space<hbm>>) target_semaphore(%arg11 : memref<!tpu.dma_semaphore, #tpu.memory_space<semaphore_mem>>)
      } else {
      }
      %add3A_262 = arith.constant 1 : i32
      %add3A_263 = arith.addi %add3A_49, %add3A_262 : i32
      %add3A_264 = arith.addi %select_n3A, %add3A_263 : i32
      %lt3A_265 = arith.constant 2500 : i32
      %lt3A_266 = arith.cmpi slt, %add3A_264, %lt3A_265 : i32
      %convert_element_type3A_267 = arith.extui %lt3A_266 : i1 to i32
      %cond3A_268 = arith.constant 0 : i32
      %cond3A_269 = arith.cmpi ne, %convert_element_type3A_267, %cond3A_268 : i32
      scf.if %cond3A_269 {
        %mul3A_379 = arith.constant 64 : i32
        %mul3A_380 = arith.muli %add3A_264, %mul3A_379 : i32
        %dma_start3A_381 = arith.constant 0 : i32
        %dma_start3A_382 = arith.constant 0 : i32
        %dma_start3A_383 = tpu.memref_slice %arg7[%while3A_33, %dma_start3A_381, %dma_start3A_382] : memref<4x128x64xi32, #tpu.memory_space<vmem>> -> memref<1x128x64xi32, #tpu.memory_space<vmem>>
        %dma_start3A_384 = tpu.memref_squeeze %dma_start3A_383 : memref<1x128x64xi32, #tpu.memory_space<vmem>> -> memref<128x64xi32, #tpu.memory_space<vmem>>
        %dma_start3A_385 = arith.constant 0 : i32
        %dma_start3A_386 = arith.constant 0 : i32
        %dma_start3A_387 = tpu.memref_slice %dma_start3A_384[%dma_start3A_385, %dma_start3A_386] : memref<128x64xi32, #tpu.memory_space<vmem>> -> memref<64x64xi32, #tpu.memory_space<vmem>>
        %dma_start3A_388 = arith.constant 0 : i32
        %dma_start3A_389 = tpu.memref_slice %arg4[%mul3A_380, %dma_start3A_388] : memref<160000x128xi32, #tpu.memory_space<hbm>> -> memref<64x128xi32, #tpu.memory_space<hbm>>
        %dma_start3A_390 = arith.constant 0 : i32
        %dma_start3A_391 = arith.constant 0 : i32
        %dma_start3A_392 = tpu.memref_slice %dma_start3A_389[%dma_start3A_390, %dma_start3A_391] : memref<64x128xi32, #tpu.memory_space<hbm>> -> memref<64x64xi32, #tpu.memory_space<hbm>>
        %dma_start3A_393 = arith.constant 0 : i32
        %dma_start3A_394 = tpu.memref_slice %arg4[%mul3A_380, %dma_start3A_393] : memref<160000x128xi32, #tpu.memory_space<hbm>> -> memref<64x128xi32, #tpu.memory_space<hbm>>
        %dma_start3A_395 = arith.constant 0 : i32
        %dma_start3A_396 = arith.constant 0 : i32
        %dma_start3A_397 = tpu.memref_slice %dma_start3A_394[%dma_start3A_395, %dma_start3A_396] : memref<64x128xi32, #tpu.memory_space<hbm>> -> memref<64x64xi32, #tpu.memory_space<hbm>>
        %dma_start3A_398 = arith.constant 0 : i32
        %dma_start3A_399 = arith.constant 0 : i32
        %dma_start3A_400 = tpu.memref_slice %arg7[%while3A_33, %dma_start3A_398, %dma_start3A_399] : memref<4x128x64xi32, #tpu.memory_space<vmem>> -> memref<1x128x64xi32, #tpu.memory_space<vmem>>
        %dma_start3A_401 = tpu.memref_squeeze %dma_start3A_400 : memref<1x128x64xi32, #tpu.memory_space<vmem>> -> memref<128x64xi32, #tpu.memory_space<vmem>>
        %dma_start3A_402 = arith.constant 0 : i32
        %dma_start3A_403 = arith.constant 0 : i32
        %dma_start3A_404 = tpu.memref_slice %dma_start3A_401[%dma_start3A_402, %dma_start3A_403] : memref<128x64xi32, #tpu.memory_space<vmem>> -> memref<64x64xi32, #tpu.memory_space<vmem>>
        tpu.enqueue_dma source(%dma_start3A_404 : memref<64x64xi32, #tpu.memory_space<vmem>>) target(%dma_start3A_397 : memref<64x64xi32, #tpu.memory_space<hbm>>) target_semaphore(%arg11 : memref<!tpu.dma_semaphore, #tpu.memory_space<semaphore_mem>>)
        %dma_start3A_405 = arith.constant 0 : i32
        %dma_start3A_406 = arith.constant 0 : i32
        %dma_start3A_407 = tpu.memref_slice %arg7[%while3A_33, %dma_start3A_405, %dma_start3A_406] : memref<4x128x64xi32, #tpu.memory_space<vmem>> -> memref<1x128x64xi32, #tpu.memory_space<vmem>>
        %dma_start3A_408 = tpu.memref_squeeze %dma_start3A_407 : memref<1x128x64xi32, #tpu.memory_space<vmem>> -> memref<128x64xi32, #tpu.memory_space<vmem>>
        %dma_start3A_409 = arith.constant 64 : i32
        %dma_start3A_410 = arith.constant 0 : i32
        %dma_start3A_411 = tpu.memref_slice %dma_start3A_408[%dma_start3A_409, %dma_start3A_410] : memref<128x64xi32, #tpu.memory_space<vmem>> -> memref<64x64xi32, #tpu.memory_space<vmem>>
        %dma_start3A_412 = arith.constant 0 : i32
        %dma_start3A_413 = tpu.memref_slice %arg4[%mul3A_380, %dma_start3A_412] : memref<160000x128xi32, #tpu.memory_space<hbm>> -> memref<64x128xi32, #tpu.memory_space<hbm>>
        %dma_start3A_414 = arith.constant 0 : i32
        %dma_start3A_415 = arith.constant 64 : i32
        %dma_start3A_416 = tpu.memref_slice %dma_start3A_413[%dma_start3A_414, %dma_start3A_415] : memref<64x128xi32, #tpu.memory_space<hbm>> -> memref<64x64xi32, #tpu.memory_space<hbm>>
        %dma_start3A_417 = arith.constant 0 : i32
        %dma_start3A_418 = tpu.memref_slice %arg4[%mul3A_380, %dma_start3A_417] : memref<160000x128xi32, #tpu.memory_space<hbm>> -> memref<64x128xi32, #tpu.memory_space<hbm>>
        %dma_start3A_419 = arith.constant 0 : i32
        %dma_start3A_420 = arith.constant 64 : i32
        %dma_start3A_421 = tpu.memref_slice %dma_start3A_418[%dma_start3A_419, %dma_start3A_420] : memref<64x128xi32, #tpu.memory_space<hbm>> -> memref<64x64xi32, #tpu.memory_space<hbm>>
        %dma_start3A_422 = arith.constant 0 : i32
        %dma_start3A_423 = arith.constant 0 : i32
        %dma_start3A_424 = tpu.memref_slice %arg7[%while3A_33, %dma_start3A_422, %dma_start3A_423] : memref<4x128x64xi32, #tpu.memory_space<vmem>> -> memref<1x128x64xi32, #tpu.memory_space<vmem>>
        %dma_start3A_425 = tpu.memref_squeeze %dma_start3A_424 : memref<1x128x64xi32, #tpu.memory_space<vmem>> -> memref<128x64xi32, #tpu.memory_space<vmem>>
        %dma_start3A_426 = arith.constant 64 : i32
        %dma_start3A_427 = arith.constant 0 : i32
        %dma_start3A_428 = tpu.memref_slice %dma_start3A_425[%dma_start3A_426, %dma_start3A_427] : memref<128x64xi32, #tpu.memory_space<vmem>> -> memref<64x64xi32, #tpu.memory_space<vmem>>
        tpu.enqueue_dma source(%dma_start3A_428 : memref<64x64xi32, #tpu.memory_space<vmem>>) target(%dma_start3A_421 : memref<64x64xi32, #tpu.memory_space<hbm>>) target_semaphore(%arg11 : memref<!tpu.dma_semaphore, #tpu.memory_space<semaphore_mem>>)
      } else {
      }
      %ge3A_270 = arith.constant 2500 : i32
      %ge3A_271 = arith.cmpi sge, %add3A_264, %ge3A_270 : i32
      %convert_element_type3A_272 = arith.extui %ge3A_271 : i1 to i32
      %cond3A_273 = arith.constant 0 : i32
      %cond3A_274 = arith.cmpi ne, %convert_element_type3A_272, %cond3A_273 : i32
      scf.if %cond3A_274 {
        %sub3A = arith.constant 2500 : i32
        %sub3A_379 = arith.subi %add3A_264, %sub3A : i32
        %mul3A_380 = arith.constant 64 : i32
        %mul3A_381 = arith.muli %sub3A_379, %mul3A_380 : i32
        %dma_start3A_382 = arith.constant 0 : i32
        %dma_start3A_383 = arith.constant 0 : i32
        %dma_start3A_384 = tpu.memref_slice %arg7[%while3A_33, %dma_start3A_382, %dma_start3A_383] : memref<4x128x64xi32, #tpu.memory_space<vmem>> -> memref<1x128x64xi32, #tpu.memory_space<vmem>>
        %dma_start3A_385 = tpu.memref_squeeze %dma_start3A_384 : memref<1x128x64xi32, #tpu.memory_space<vmem>> -> memref<128x64xi32, #tpu.memory_space<vmem>>
        %dma_start3A_386 = arith.constant 0 : i32
        %dma_start3A_387 = arith.constant 0 : i32
        %dma_start3A_388 = tpu.memref_slice %dma_start3A_385[%dma_start3A_386, %dma_start3A_387] : memref<128x64xi32, #tpu.memory_space<vmem>> -> memref<64x64xi32, #tpu.memory_space<vmem>>
        %dma_start3A_389 = arith.constant 0 : i32
        %dma_start3A_390 = tpu.memref_slice %arg5[%mul3A_381, %dma_start3A_389] : memref<12032x128xi32, #tpu.memory_space<hbm>> -> memref<64x128xi32, #tpu.memory_space<hbm>>
        %dma_start3A_391 = arith.constant 0 : i32
        %dma_start3A_392 = arith.constant 0 : i32
        %dma_start3A_393 = tpu.memref_slice %dma_start3A_390[%dma_start3A_391, %dma_start3A_392] : memref<64x128xi32, #tpu.memory_space<hbm>> -> memref<64x64xi32, #tpu.memory_space<hbm>>
        %dma_start3A_394 = arith.constant 0 : i32
        %dma_start3A_395 = tpu.memref_slice %arg5[%mul3A_381, %dma_start3A_394] : memref<12032x128xi32, #tpu.memory_space<hbm>> -> memref<64x128xi32, #tpu.memory_space<hbm>>
        %dma_start3A_396 = arith.constant 0 : i32
        %dma_start3A_397 = arith.constant 0 : i32
        %dma_start3A_398 = tpu.memref_slice %dma_start3A_395[%dma_start3A_396, %dma_start3A_397] : memref<64x128xi32, #tpu.memory_space<hbm>> -> memref<64x64xi32, #tpu.memory_space<hbm>>
        %dma_start3A_399 = arith.constant 0 : i32
        %dma_start3A_400 = arith.constant 0 : i32
        %dma_start3A_401 = tpu.memref_slice %arg7[%while3A_33, %dma_start3A_399, %dma_start3A_400] : memref<4x128x64xi32, #tpu.memory_space<vmem>> -> memref<1x128x64xi32, #tpu.memory_space<vmem>>
        %dma_start3A_402 = tpu.memref_squeeze %dma_start3A_401 : memref<1x128x64xi32, #tpu.memory_space<vmem>> -> memref<128x64xi32, #tpu.memory_space<vmem>>
        %dma_start3A_403 = arith.constant 0 : i32
        %dma_start3A_404 = arith.constant 0 : i32
        %dma_start3A_405 = tpu.memref_slice %dma_start3A_402[%dma_start3A_403, %dma_start3A_404] : memref<128x64xi32, #tpu.memory_space<vmem>> -> memref<64x64xi32, #tpu.memory_space<vmem>>
        tpu.enqueue_dma source(%dma_start3A_405 : memref<64x64xi32, #tpu.memory_space<vmem>>) target(%dma_start3A_398 : memref<64x64xi32, #tpu.memory_space<hbm>>) target_semaphore(%arg11 : memref<!tpu.dma_semaphore, #tpu.memory_space<semaphore_mem>>)
        %dma_start3A_406 = arith.constant 0 : i32
        %dma_start3A_407 = arith.constant 0 : i32
        %dma_start3A_408 = tpu.memref_slice %arg7[%while3A_33, %dma_start3A_406, %dma_start3A_407] : memref<4x128x64xi32, #tpu.memory_space<vmem>> -> memref<1x128x64xi32, #tpu.memory_space<vmem>>
        %dma_start3A_409 = tpu.memref_squeeze %dma_start3A_408 : memref<1x128x64xi32, #tpu.memory_space<vmem>> -> memref<128x64xi32, #tpu.memory_space<vmem>>
        %dma_start3A_410 = arith.constant 64 : i32
        %dma_start3A_411 = arith.constant 0 : i32
        %dma_start3A_412 = tpu.memref_slice %dma_start3A_409[%dma_start3A_410, %dma_start3A_411] : memref<128x64xi32, #tpu.memory_space<vmem>> -> memref<64x64xi32, #tpu.memory_space<vmem>>
        %dma_start3A_413 = arith.constant 0 : i32
        %dma_start3A_414 = tpu.memref_slice %arg5[%mul3A_381, %dma_start3A_413] : memref<12032x128xi32, #tpu.memory_space<hbm>> -> memref<64x128xi32, #tpu.memory_space<hbm>>
        %dma_start3A_415 = arith.constant 0 : i32
        %dma_start3A_416 = arith.constant 64 : i32
        %dma_start3A_417 = tpu.memref_slice %dma_start3A_414[%dma_start3A_415, %dma_start3A_416] : memref<64x128xi32, #tpu.memory_space<hbm>> -> memref<64x64xi32, #tpu.memory_space<hbm>>
        %dma_start3A_418 = arith.constant 0 : i32
        %dma_start3A_419 = tpu.memref_slice %arg5[%mul3A_381, %dma_start3A_418] : memref<12032x128xi32, #tpu.memory_space<hbm>> -> memref<64x128xi32, #tpu.memory_space<hbm>>
        %dma_start3A_420 = arith.constant 0 : i32
        %dma_start3A_421 = arith.constant 64 : i32
        %dma_start3A_422 = tpu.memref_slice %dma_start3A_419[%dma_start3A_420, %dma_start3A_421] : memref<64x128xi32, #tpu.memory_space<hbm>> -> memref<64x64xi32, #tpu.memory_space<hbm>>
        %dma_start3A_423 = arith.constant 0 : i32
        %dma_start3A_424 = arith.constant 0 : i32
        %dma_start3A_425 = tpu.memref_slice %arg7[%while3A_33, %dma_start3A_423, %dma_start3A_424] : memref<4x128x64xi32, #tpu.memory_space<vmem>> -> memref<1x128x64xi32, #tpu.memory_space<vmem>>
        %dma_start3A_426 = tpu.memref_squeeze %dma_start3A_425 : memref<1x128x64xi32, #tpu.memory_space<vmem>> -> memref<128x64xi32, #tpu.memory_space<vmem>>
        %dma_start3A_427 = arith.constant 64 : i32
        %dma_start3A_428 = arith.constant 0 : i32
        %dma_start3A_429 = tpu.memref_slice %dma_start3A_426[%dma_start3A_427, %dma_start3A_428] : memref<128x64xi32, #tpu.memory_space<vmem>> -> memref<64x64xi32, #tpu.memory_space<vmem>>
        tpu.enqueue_dma source(%dma_start3A_429 : memref<64x64xi32, #tpu.memory_space<vmem>>) target(%dma_start3A_422 : memref<64x64xi32, #tpu.memory_space<hbm>>) target_semaphore(%arg11 : memref<!tpu.dma_semaphore, #tpu.memory_space<semaphore_mem>>)
      } else {
      }
      %dma_wait3A_275 = arith.constant 0 : i32
      %dma_wait3A_276 = arith.constant 0 : i32
      %dma_wait3A_277 = tpu.memref_slice %arg7[%while3A_32, %dma_wait3A_275, %dma_wait3A_276] : memref<4x128x64xi32, #tpu.memory_space<vmem>> -> memref<1x128x64xi32, #tpu.memory_space<vmem>>
      %dma_wait3A_278 = tpu.memref_squeeze %dma_wait3A_277 : memref<1x128x64xi32, #tpu.memory_space<vmem>> -> memref<128x64xi32, #tpu.memory_space<vmem>>
      %dma_wait3A_279 = arith.constant 0 : i32
      %dma_wait3A_280 = arith.constant 0 : i32
      %dma_wait3A_281 = tpu.memref_slice %dma_wait3A_278[%dma_wait3A_279, %dma_wait3A_280] : memref<128x64xi32, #tpu.memory_space<vmem>> -> memref<64x64xi32, #tpu.memory_space<vmem>>
      %dma_wait3A_282 = arith.constant 0 : i32
      %dma_wait3A_283 = arith.constant 0 : i32
      %dma_wait3A_284 = tpu.memref_slice %arg4[%dma_wait3A_282, %dma_wait3A_283] : memref<160000x128xi32, #tpu.memory_space<hbm>> -> memref<64x128xi32, #tpu.memory_space<hbm>>
      %dma_wait3A_285 = arith.constant 0 : i32
      %dma_wait3A_286 = arith.constant 0 : i32
      %dma_wait3A_287 = tpu.memref_slice %dma_wait3A_284[%dma_wait3A_285, %dma_wait3A_286] : memref<64x128xi32, #tpu.memory_space<hbm>> -> memref<64x64xi32, #tpu.memory_space<hbm>>
      %dma_wait3A_288 = arith.constant 0 : i32
      %dma_wait3A_289 = arith.constant 0 : i32
      %dma_wait3A_290 = tpu.memref_slice %arg4[%dma_wait3A_288, %dma_wait3A_289] : memref<160000x128xi32, #tpu.memory_space<hbm>> -> memref<64x128xi32, #tpu.memory_space<hbm>>
      %dma_wait3A_291 = arith.constant 0 : i32
      %dma_wait3A_292 = arith.constant 0 : i32
      %dma_wait3A_293 = tpu.memref_slice %dma_wait3A_290[%dma_wait3A_291, %dma_wait3A_292] : memref<64x128xi32, #tpu.memory_space<hbm>> -> memref<64x64xi32, #tpu.memory_space<hbm>>
      %dma_wait3A_294 = arith.constant 0 : i32
      %dma_wait3A_295 = arith.constant 0 : i32
      %dma_wait3A_296 = tpu.memref_slice %arg7[%while3A_32, %dma_wait3A_294, %dma_wait3A_295] : memref<4x128x64xi32, #tpu.memory_space<vmem>> -> memref<1x128x64xi32, #tpu.memory_space<vmem>>
      %dma_wait3A_297 = tpu.memref_squeeze %dma_wait3A_296 : memref<1x128x64xi32, #tpu.memory_space<vmem>> -> memref<128x64xi32, #tpu.memory_space<vmem>>
      %dma_wait3A_298 = arith.constant 0 : i32
      %dma_wait3A_299 = arith.constant 0 : i32
      %dma_wait3A_300 = tpu.memref_slice %dma_wait3A_297[%dma_wait3A_298, %dma_wait3A_299] : memref<128x64xi32, #tpu.memory_space<vmem>> -> memref<64x64xi32, #tpu.memory_space<vmem>>
      tpu.wait_dma2 semaphore(%arg11 : memref<!tpu.dma_semaphore, #tpu.memory_space<semaphore_mem>>) src(%dma_wait3A_300 : memref<64x64xi32, #tpu.memory_space<vmem>>) dst(%dma_wait3A_293 : memref<64x64xi32, #tpu.memory_space<hbm>>)
      %dma_wait3A_301 = arith.constant 0 : i32
      %dma_wait3A_302 = arith.constant 0 : i32
      %dma_wait3A_303 = tpu.memref_slice %arg7[%while3A_32, %dma_wait3A_301, %dma_wait3A_302] : memref<4x128x64xi32, #tpu.memory_space<vmem>> -> memref<1x128x64xi32, #tpu.memory_space<vmem>>
      %dma_wait3A_304 = tpu.memref_squeeze %dma_wait3A_303 : memref<1x128x64xi32, #tpu.memory_space<vmem>> -> memref<128x64xi32, #tpu.memory_space<vmem>>
      %dma_wait3A_305 = arith.constant 64 : i32
      %dma_wait3A_306 = arith.constant 0 : i32
      %dma_wait3A_307 = tpu.memref_slice %dma_wait3A_304[%dma_wait3A_305, %dma_wait3A_306] : memref<128x64xi32, #tpu.memory_space<vmem>> -> memref<64x64xi32, #tpu.memory_space<vmem>>
      %dma_wait3A_308 = arith.constant 0 : i32
      %dma_wait3A_309 = arith.constant 0 : i32
      %dma_wait3A_310 = tpu.memref_slice %arg4[%dma_wait3A_308, %dma_wait3A_309] : memref<160000x128xi32, #tpu.memory_space<hbm>> -> memref<64x128xi32, #tpu.memory_space<hbm>>
      %dma_wait3A_311 = arith.constant 0 : i32
      %dma_wait3A_312 = arith.constant 64 : i32
      %dma_wait3A_313 = tpu.memref_slice %dma_wait3A_310[%dma_wait3A_311, %dma_wait3A_312] : memref<64x128xi32, #tpu.memory_space<hbm>> -> memref<64x64xi32, #tpu.memory_space<hbm>>
      %dma_wait3A_314 = arith.constant 0 : i32
      %dma_wait3A_315 = arith.constant 0 : i32
      %dma_wait3A_316 = tpu.memref_slice %arg4[%dma_wait3A_314, %dma_wait3A_315] : memref<160000x128xi32, #tpu.memory_space<hbm>> -> memref<64x128xi32, #tpu.memory_space<hbm>>
      %dma_wait3A_317 = arith.constant 0 : i32
      %dma_wait3A_318 = arith.constant 64 : i32
      %dma_wait3A_319 = tpu.memref_slice %dma_wait3A_316[%dma_wait3A_317, %dma_wait3A_318] : memref<64x128xi32, #tpu.memory_space<hbm>> -> memref<64x64xi32, #tpu.memory_space<hbm>>
      %dma_wait3A_320 = arith.constant 0 : i32
      %dma_wait3A_321 = arith.constant 0 : i32
      %dma_wait3A_322 = tpu.memref_slice %arg7[%while3A_32, %dma_wait3A_320, %dma_wait3A_321] : memref<4x128x64xi32, #tpu.memory_space<vmem>> -> memref<1x128x64xi32, #tpu.memory_space<vmem>>
      %dma_wait3A_323 = tpu.memref_squeeze %dma_wait3A_322 : memref<1x128x64xi32, #tpu.memory_space<vmem>> -> memref<128x64xi32, #tpu.memory_space<vmem>>
      %dma_wait3A_324 = arith.constant 64 : i32
      %dma_wait3A_325 = arith.constant 0 : i32
      %dma_wait3A_326 = tpu.memref_slice %dma_wait3A_323[%dma_wait3A_324, %dma_wait3A_325] : memref<128x64xi32, #tpu.memory_space<vmem>> -> memref<64x64xi32, #tpu.memory_space<vmem>>
      tpu.wait_dma2 semaphore(%arg11 : memref<!tpu.dma_semaphore, #tpu.memory_space<semaphore_mem>>) src(%dma_wait3A_326 : memref<64x64xi32, #tpu.memory_space<vmem>>) dst(%dma_wait3A_319 : memref<64x64xi32, #tpu.memory_space<hbm>>)
      %dma_wait3A_327 = arith.constant 0 : i32
      %dma_wait3A_328 = arith.constant 0 : i32
      %dma_wait3A_329 = tpu.memref_slice %arg7[%while3A_33, %dma_wait3A_327, %dma_wait3A_328] : memref<4x128x64xi32, #tpu.memory_space<vmem>> -> memref<1x128x64xi32, #tpu.memory_space<vmem>>
      %dma_wait3A_330 = tpu.memref_squeeze %dma_wait3A_329 : memref<1x128x64xi32, #tpu.memory_space<vmem>> -> memref<128x64xi32, #tpu.memory_space<vmem>>
      %dma_wait3A_331 = arith.constant 0 : i32
      %dma_wait3A_332 = arith.constant 0 : i32
      %dma_wait3A_333 = tpu.memref_slice %dma_wait3A_330[%dma_wait3A_331, %dma_wait3A_332] : memref<128x64xi32, #tpu.memory_space<vmem>> -> memref<64x64xi32, #tpu.memory_space<vmem>>
      %dma_wait3A_334 = arith.constant 0 : i32
      %dma_wait3A_335 = arith.constant 0 : i32
      %dma_wait3A_336 = tpu.memref_slice %arg4[%dma_wait3A_334, %dma_wait3A_335] : memref<160000x128xi32, #tpu.memory_space<hbm>> -> memref<64x128xi32, #tpu.memory_space<hbm>>
      %dma_wait3A_337 = arith.constant 0 : i32
      %dma_wait3A_338 = arith.constant 0 : i32
      %dma_wait3A_339 = tpu.memref_slice %dma_wait3A_336[%dma_wait3A_337, %dma_wait3A_338] : memref<64x128xi32, #tpu.memory_space<hbm>> -> memref<64x64xi32, #tpu.memory_space<hbm>>
      %dma_wait3A_340 = arith.constant 0 : i32
      %dma_wait3A_341 = arith.constant 0 : i32
      %dma_wait3A_342 = tpu.memref_slice %arg4[%dma_wait3A_340, %dma_wait3A_341] : memref<160000x128xi32, #tpu.memory_space<hbm>> -> memref<64x128xi32, #tpu.memory_space<hbm>>
      %dma_wait3A_343 = arith.constant 0 : i32
      %dma_wait3A_344 = arith.constant 0 : i32
      %dma_wait3A_345 = tpu.memref_slice %dma_wait3A_342[%dma_wait3A_343, %dma_wait3A_344] : memref<64x128xi32, #tpu.memory_space<hbm>> -> memref<64x64xi32, #tpu.memory_space<hbm>>
      %dma_wait3A_346 = arith.constant 0 : i32
      %dma_wait3A_347 = arith.constant 0 : i32
      %dma_wait3A_348 = tpu.memref_slice %arg7[%while3A_33, %dma_wait3A_346, %dma_wait3A_347] : memref<4x128x64xi32, #tpu.memory_space<vmem>> -> memref<1x128x64xi32, #tpu.memory_space<vmem>>
      %dma_wait3A_349 = tpu.memref_squeeze %dma_wait3A_348 : memref<1x128x64xi32, #tpu.memory_space<vmem>> -> memref<128x64xi32, #tpu.memory_space<vmem>>
      %dma_wait3A_350 = arith.constant 0 : i32
      %dma_wait3A_351 = arith.constant 0 : i32
      %dma_wait3A_352 = tpu.memref_slice %dma_wait3A_349[%dma_wait3A_350, %dma_wait3A_351] : memref<128x64xi32, #tpu.memory_space<vmem>> -> memref<64x64xi32, #tpu.memory_space<vmem>>
      tpu.wait_dma2 semaphore(%arg11 : memref<!tpu.dma_semaphore, #tpu.memory_space<semaphore_mem>>) src(%dma_wait3A_352 : memref<64x64xi32, #tpu.memory_space<vmem>>) dst(%dma_wait3A_345 : memref<64x64xi32, #tpu.memory_space<hbm>>)
      %dma_wait3A_353 = arith.constant 0 : i32
      %dma_wait3A_354 = arith.constant 0 : i32
      %dma_wait3A_355 = tpu.memref_slice %arg7[%while3A_33, %dma_wait3A_353, %dma_wait3A_354] : memref<4x128x64xi32, #tpu.memory_space<vmem>> -> memref<1x128x64xi32, #tpu.memory_space<vmem>>
      %dma_wait3A_356 = tpu.memref_squeeze %dma_wait3A_355 : memref<1x128x64xi32, #tpu.memory_space<vmem>> -> memref<128x64xi32, #tpu.memory_space<vmem>>
      %dma_wait3A_357 = arith.constant 64 : i32
      %dma_wait3A_358 = arith.constant 0 : i32
      %dma_wait3A_359 = tpu.memref_slice %dma_wait3A_356[%dma_wait3A_357, %dma_wait3A_358] : memref<128x64xi32, #tpu.memory_space<vmem>> -> memref<64x64xi32, #tpu.memory_space<vmem>>
      %dma_wait3A_360 = arith.constant 0 : i32
      %dma_wait3A_361 = arith.constant 0 : i32
      %dma_wait3A_362 = tpu.memref_slice %arg4[%dma_wait3A_360, %dma_wait3A_361] : memref<160000x128xi32, #tpu.memory_space<hbm>> -> memref<64x128xi32, #tpu.memory_space<hbm>>
      %dma_wait3A_363 = arith.constant 0 : i32
      %dma_wait3A_364 = arith.constant 64 : i32
      %dma_wait3A_365 = tpu.memref_slice %dma_wait3A_362[%dma_wait3A_363, %dma_wait3A_364] : memref<64x128xi32, #tpu.memory_space<hbm>> -> memref<64x64xi32, #tpu.memory_space<hbm>>
      %dma_wait3A_366 = arith.constant 0 : i32
      %dma_wait3A_367 = arith.constant 0 : i32
      %dma_wait3A_368 = tpu.memref_slice %arg4[%dma_wait3A_366, %dma_wait3A_367] : memref<160000x128xi32, #tpu.memory_space<hbm>> -> memref<64x128xi32, #tpu.memory_space<hbm>>
      %dma_wait3A_369 = arith.constant 0 : i32
      %dma_wait3A_370 = arith.constant 64 : i32
      %dma_wait3A_371 = tpu.memref_slice %dma_wait3A_368[%dma_wait3A_369, %dma_wait3A_370] : memref<64x128xi32, #tpu.memory_space<hbm>> -> memref<64x64xi32, #tpu.memory_space<hbm>>
      %dma_wait3A_372 = arith.constant 0 : i32
      %dma_wait3A_373 = arith.constant 0 : i32
      %dma_wait3A_374 = tpu.memref_slice %arg7[%while3A_33, %dma_wait3A_372, %dma_wait3A_373] : memref<4x128x64xi32, #tpu.memory_space<vmem>> -> memref<1x128x64xi32, #tpu.memory_space<vmem>>
      %dma_wait3A_375 = tpu.memref_squeeze %dma_wait3A_374 : memref<1x128x64xi32, #tpu.memory_space<vmem>> -> memref<128x64xi32, #tpu.memory_space<vmem>>
      %dma_wait3A_376 = arith.constant 64 : i32
      %dma_wait3A_377 = arith.constant 0 : i32
      %dma_wait3A_378 = tpu.memref_slice %dma_wait3A_375[%dma_wait3A_376, %dma_wait3A_377] : memref<128x64xi32, #tpu.memory_space<vmem>> -> memref<64x64xi32, #tpu.memory_space<vmem>>
      tpu.wait_dma2 semaphore(%arg11 : memref<!tpu.dma_semaphore, #tpu.memory_space<semaphore_mem>>) src(%dma_wait3A_378 : memref<64x64xi32, #tpu.memory_space<vmem>>) dst(%dma_wait3A_371 : memref<64x64xi32, #tpu.memory_space<hbm>>)
    }
    return
  }
}

module attributes {stable_mosaic.version = 14 : i64} {
  func.func @_pack_body(%arg0: i32, %arg1: memref<4000x128xf32, #tpu.memory_space<vmem>>, %arg2: memref<4000x64xi32, #tpu.memory_space<vmem>>) attributes {dimension_semantics = [#tpu.dimension_semantics<arbitrary>], iteration_bounds = array<i64: 25>, scalar_prefetch = 0 : i64, scratch_operands = 0 : i64, tpu.core_type = #tpu.core_type<tc>, window_params = [{transform_indices = @transform_0, window_bounds = array<i64: 4000, 128>}, {transform_indices = @transform_1, window_bounds = array<i64: 4000, 64>}]} {
    %get3A = arith.constant 0 : index
    %get3A_0 = arith.constant 0 : index
    %get3A_1 = vector.load %arg1[%get3A, %get3A_0] : memref<4000x128xf32, #tpu.memory_space<vmem>>, vector<4000x128xf32>
    %bitcast_convert_type3A = tpu.bitcast %get3A_1 : vector<4000x128xf32> -> vector<4000x128xi32>
    %add3A = arith.constant 32767 : i32
    %add3A_2 = vector.broadcast %add3A : i32 to vector<4000x128xi32>
    %add3A_3 = arith.addi %bitcast_convert_type3A, %add3A_2 : vector<4000x128xi32>
    %shift_right_arithmetic3A = arith.constant 16 : i32
    %shift_right_arithmetic3A_4 = vector.broadcast %shift_right_arithmetic3A : i32 to vector<4000x128xi32>
    %shift_right_arithmetic3A_5 = arith.shrsi %bitcast_convert_type3A, %shift_right_arithmetic3A_4 : vector<4000x128xi32>
    %and3A = arith.constant 1 : i32
    %and3A_6 = vector.broadcast %and3A : i32 to vector<4000x128xi32>
    %and3A_7 = arith.andi %shift_right_arithmetic3A_5, %and3A_6 : vector<4000x128xi32>
    %add3A_8 = arith.addi %add3A_3, %and3A_7 : vector<4000x128xi32>
    %slice3A = vector.extract_strided_slice %add3A_8 {offsets = [0, 0], sizes = [4000, 64], strides = [1, 1]} : vector<4000x128xi32> to vector<4000x64xi32>
    %shift_right_arithmetic3A_9 = arith.constant 16 : i32
    %shift_right_arithmetic3A_10 = vector.broadcast %shift_right_arithmetic3A_9 : i32 to vector<4000x64xi32>
    %shift_right_arithmetic3A_11 = arith.shrsi %slice3A, %shift_right_arithmetic3A_10 : vector<4000x64xi32>
    %and3A_12 = arith.constant 65535 : i32
    %and3A_13 = vector.broadcast %and3A_12 : i32 to vector<4000x64xi32>
    %and3A_14 = arith.andi %shift_right_arithmetic3A_11, %and3A_13 : vector<4000x64xi32>
    %slice3A_15 = vector.extract_strided_slice %add3A_8 {offsets = [0, 64], sizes = [4000, 64], strides = [1, 1]} : vector<4000x128xi32> to vector<4000x64xi32>
    %and3A_16 = arith.constant -65536 : i32
    %and3A_17 = vector.broadcast %and3A_16 : i32 to vector<4000x64xi32>
    %and3A_18 = arith.andi %slice3A_15, %and3A_17 : vector<4000x64xi32>
    %or3A = arith.ori %and3A_14, %and3A_18 : vector<4000x64xi32>
    %swap3A = arith.constant 0 : index
    %swap3A_19 = arith.constant 0 : index
    %swap3A_20 = vector.load %arg2[%swap3A, %swap3A_19] : memref<4000x64xi32, #tpu.memory_space<vmem>>, vector<4000x64xi32>
    tpu.vector_store %arg2[%swap3A, %swap3A_19], %or3A {strides = array<i32>} : memref<4000x64xi32, #tpu.memory_space<vmem>>, vector<4000x64xi32>,
    return
  }
  func.func @transform_0(%arg0: i32) -> (i32, i32) {
    %c0_i32 = arith.constant 0 : i32
    %c0_i32_0 = arith.constant 0 : i32
    return %arg0, %c0_i32 : i32, i32
  }
  func.func @transform_1(%arg0: i32) -> (i32, i32) {
    %c0_i32 = arith.constant 0 : i32
    %c0_i32_0 = arith.constant 0 : i32
    return %arg0, %c0_i32 : i32, i32
  }
}

module attributes {stable_mosaic.version = 14 : i64} {
  func.func @_tc_body(%arg0: i32, %arg1: memref<6400x128xi32, #tpu.memory_space<vmem>>, %arg2: memref<200x128xi32, #tpu.memory_space<vmem>>, %arg3: memref<128x128xf32, #tpu.memory_space<vmem>>, %arg4: memref<128x128xf32, #tpu.memory_space<vmem>>, %arg5: memref<1x128xf32, #tpu.memory_space<vmem>>, %arg6: memref<128x128xf32, #tpu.memory_space<vmem>>, %arg7: memref<1x128xf32, #tpu.memory_space<vmem>>, %arg8: memref<1x128xf32, #tpu.memory_space<vmem>>, %arg9: memref<400x128xf32, #tpu.memory_space<vmem>>) attributes {dimension_semantics = [#tpu.dimension_semantics<arbitrary>], iteration_bounds = array<i64: 25>, scalar_prefetch = 0 : i64, scratch_operands = 0 : i64, tpu.core_type = #tpu.core_type<tc>, window_params = [{transform_indices = @transform_0, window_bounds = array<i64: 6400, 128>}, {transform_indices = @transform_1, window_bounds = array<i64: 200, 128>}, {pipeline_mode = #tpu.pipeline_mode<synchronous>, transform_indices = @transform_2, window_bounds = array<i64: 128, 128>}, {pipeline_mode = #tpu.pipeline_mode<synchronous>, transform_indices = @transform_3, window_bounds = array<i64: 128, 128>}, {pipeline_mode = #tpu.pipeline_mode<synchronous>, transform_indices = @transform_4, window_bounds = array<i64: 1, 128>}, {pipeline_mode = #tpu.pipeline_mode<synchronous>, transform_indices = @transform_5, window_bounds = array<i64: 128, 128>}, {pipeline_mode = #tpu.pipeline_mode<synchronous>, transform_indices = @transform_6, window_bounds = array<i64: 1, 128>}, {pipeline_mode = #tpu.pipeline_mode<synchronous>, transform_indices = @transform_7, window_bounds = array<i64: 1, 128>}, {transform_indices = @transform_8, window_bounds = array<i64: 400, 128>}]} {
    %get3A = arith.constant 0 : index
    %get3A_0 = arith.constant 0 : index
    %get3A_1 = vector.load %arg1[%get3A, %get3A_0] : memref<6400x128xi32, #tpu.memory_space<vmem>>, vector<6400x128xi32>
    %shift_left3A = arith.constant 16 : i32
    %shift_left3A_2 = vector.broadcast %shift_left3A : i32 to vector<6400x128xi32>
    %shift_left3A_3 = arith.shli %get3A_1, %shift_left3A_2 : vector<6400x128xi32>
    %bitcast_convert_type3A = tpu.bitcast %shift_left3A_3 : vector<6400x128xi32> -> vector<6400x128xf32>
    %shift_right_arithmetic3A = arith.constant 16 : i32
    %shift_right_arithmetic3A_4 = vector.broadcast %shift_right_arithmetic3A : i32 to vector<6400x128xi32>
    %shift_right_arithmetic3A_5 = arith.shrsi %get3A_1, %shift_right_arithmetic3A_4 : vector<6400x128xi32>
    %shift_left3A_6 = arith.constant 16 : i32
    %shift_left3A_7 = vector.broadcast %shift_left3A_6 : i32 to vector<6400x128xi32>
    %shift_left3A_8 = arith.shli %shift_right_arithmetic3A_5, %shift_left3A_7 : vector<6400x128xi32>
    %bitcast_convert_type3A_9 = tpu.bitcast %shift_left3A_8 : vector<6400x128xi32> -> vector<6400x128xf32>
    %slice3A = vector.extract_strided_slice %bitcast_convert_type3A {offsets = [0, 0], sizes = [6400, 64], strides = [1, 1]} : vector<6400x128xf32> to vector<6400x64xf32>
    %slice3A_10 = vector.extract_strided_slice %bitcast_convert_type3A_9 {offsets = [0, 0], sizes = [6400, 64], strides = [1, 1]} : vector<6400x128xf32> to vector<6400x64xf32>
    %concatenate3A = tpu.concatenate %slice3A, %slice3A_10 in 1 : vector<6400x64xf32>, vector<6400x64xf32> -> vector<6400x128xf32>
    %slice3A_11 = vector.extract_strided_slice %bitcast_convert_type3A {offsets = [0, 64], sizes = [6400, 64], strides = [1, 1]} : vector<6400x128xf32> to vector<6400x64xf32>
    %slice3A_12 = vector.extract_strided_slice %bitcast_convert_type3A_9 {offsets = [0, 64], sizes = [6400, 64], strides = [1, 1]} : vector<6400x128xf32> to vector<6400x64xf32>
    %concatenate3A_13 = tpu.concatenate %slice3A_11, %slice3A_12 in 1 : vector<6400x64xf32>, vector<6400x64xf32> -> vector<6400x128xf32>
    %get3A_14 = arith.constant 0 : index
    %get3A_15 = arith.constant 0 : index
    %get3A_16 = vector.load %arg2[%get3A_14, %get3A_15] : memref<200x128xi32, #tpu.memory_space<vmem>>, vector<200x128xi32>
    %shift_left3A_17 = arith.constant 16 : i32
    %shift_left3A_18 = vector.broadcast %shift_left3A_17 : i32 to vector<200x128xi32>
    %shift_left3A_19 = arith.shli %get3A_16, %shift_left3A_18 : vector<200x128xi32>
    %bitcast_convert_type3A_20 = tpu.bitcast %shift_left3A_19 : vector<200x128xi32> -> vector<200x128xf32>
    %shift_right_arithmetic3A_21 = arith.constant 16 : i32
    %shift_right_arithmetic3A_22 = vector.broadcast %shift_right_arithmetic3A_21 : i32 to vector<200x128xi32>
    %shift_right_arithmetic3A_23 = arith.shrsi %get3A_16, %shift_right_arithmetic3A_22 : vector<200x128xi32>
    %shift_left3A_24 = arith.constant 16 : i32
    %shift_left3A_25 = vector.broadcast %shift_left3A_24 : i32 to vector<200x128xi32>
    %shift_left3A_26 = arith.shli %shift_right_arithmetic3A_23, %shift_left3A_25 : vector<200x128xi32>
    %bitcast_convert_type3A_27 = tpu.bitcast %shift_left3A_26 : vector<200x128xi32> -> vector<200x128xf32>
    %slice3A_28 = vector.extract_strided_slice %bitcast_convert_type3A_20 {offsets = [0, 0], sizes = [200, 64], strides = [1, 1]} : vector<200x128xf32> to vector<200x64xf32>
    %slice3A_29 = vector.extract_strided_slice %bitcast_convert_type3A_27 {offsets = [0, 0], sizes = [200, 64], strides = [1, 1]} : vector<200x128xf32> to vector<200x64xf32>
    %concatenate3A_30 = tpu.concatenate %slice3A_28, %slice3A_29 in 1 : vector<200x64xf32>, vector<200x64xf32> -> vector<200x128xf32>
    %slice3A_31 = vector.extract_strided_slice %bitcast_convert_type3A_20 {offsets = [0, 64], sizes = [200, 64], strides = [1, 1]} : vector<200x128xf32> to vector<200x64xf32>
    %slice3A_32 = vector.extract_strided_slice %bitcast_convert_type3A_27 {offsets = [0, 64], sizes = [200, 64], strides = [1, 1]} : vector<200x128xf32> to vector<200x64xf32>
    %concatenate3A_33 = tpu.concatenate %slice3A_31, %slice3A_32 in 1 : vector<200x64xf32>, vector<200x64xf32> -> vector<200x128xf32>
    %get3A_34 = arith.constant 0 : index
    %get3A_35 = arith.constant 0 : index
    %get3A_36 = vector.load %arg5[%get3A_34, %get3A_35] : memref<1x128xf32, #tpu.memory_space<vmem>>, vector<1x128xf32>
    %get3A_37 = arith.constant 0 : index
    %get3A_38 = arith.constant 0 : index
    %get3A_39 = vector.load %arg6[%get3A_37, %get3A_38] : memref<128x128xf32, #tpu.memory_space<vmem>>, vector<128x128xf32>
    %get3A_40 = arith.constant 0 : index
    %get3A_41 = arith.constant 0 : index
    %get3A_42 = vector.load %arg7[%get3A_40, %get3A_41] : memref<1x128xf32, #tpu.memory_space<vmem>>, vector<1x128xf32>
    %get3A_43 = arith.constant 0 : index
    %get3A_44 = arith.constant 0 : index
    %get3A_45 = vector.load %arg8[%get3A_43, %get3A_44] : memref<1x128xf32, #tpu.memory_space<vmem>>, vector<1x128xf32>
    %reshape3A = vector.shape_cast %get3A_45 : vector<1x128xf32> to vector<1x1x128xf32>
    %get3A_46 = arith.constant 0 : index
    %get3A_47 = arith.constant 0 : index
    %get3A_48 = vector.load %arg3[%get3A_46, %get3A_47] : memref<128x128xf32, #tpu.memory_space<vmem>>, vector<128x128xf32>
    %convert_element_type3A = arith.truncf %get3A_48 : vector<128x128xf32> to vector<128x128xbf16>
    %get3A_49 = arith.constant 0 : index
    %get3A_50 = arith.constant 0 : index
    %get3A_51 = vector.load %arg4[%get3A_49, %get3A_50] : memref<128x128xf32, #tpu.memory_space<vmem>>, vector<128x128xf32>
    %convert_element_type3A_52 = arith.truncf %get3A_51 : vector<128x128xf32> to vector<128x128xbf16>
    %convert_element_type3A_53 = arith.truncf %get3A_39 : vector<128x128xf32> to vector<128x128xbf16>
    %convert_element_type3A_54 = arith.truncf %concatenate3A_30 : vector<200x128xf32> to vector<200x128xbf16>
    %dot_general3A = arith.constant dense<0.000000e+00> : vector<200x128xf32>
    %dot_general3A_55 = tpu.matmul %convert_element_type3A_54, %convert_element_type3A_52, %dot_general3A {dimension_numbers = #tpu.dot_dimension_numbers<[1], [0], [0], [1], [0, 0, 1, 1], [], []>, transpose_lhs_hint = false} : vector<200x128xbf16>, vector<128x128xbf16>, vector<200x128xf32> -> vector<200x128xf32>
    %broadcast_in_dim3A = vector.shape_cast %dot_general3A_55 : vector<200x128xf32> to vector<200x1x128xf32>
    %broadcast_in_dim3A_56 = vector.shape_cast %broadcast_in_dim3A : vector<200x1x128xf32> to vector<200x1x128xf32>
    %broadcast_in_dim3A_57 = vector.broadcast %broadcast_in_dim3A_56 : vector<200x1x128xf32> to vector<200x32x128xf32>
    %reshape3A_58 = vector.shape_cast %broadcast_in_dim3A_57 : vector<200x32x128xf32> to vector<6400x128xf32>
    %convert_element_type3A_59 = arith.truncf %concatenate3A : vector<6400x128xf32> to vector<6400x128xbf16>
    %dot_general3A_60 = arith.constant dense<0.000000e+00> : vector<6400x128xf32>
    %dot_general3A_61 = tpu.matmul %convert_element_type3A_59, %convert_element_type3A, %dot_general3A_60 {dimension_numbers = #tpu.dot_dimension_numbers<[1], [0], [0], [1], [0, 0, 1, 1], [], []>, transpose_lhs_hint = false} : vector<6400x128xbf16>, vector<128x128xbf16>, vector<6400x128xf32> -> vector<6400x128xf32>
    %add3A = arith.addf %dot_general3A_61, %reshape3A_58 : vector<6400x128xf32>
    %add3A_62 = vector.broadcast %get3A_36 : vector<1x128xf32> to vector<6400x128xf32>
    %add3A_63 = arith.addf %add3A, %add3A_62 : vector<6400x128xf32>
    %max3A = arith.constant 0.000000e+00 : f32
    %max3A_64 = vector.broadcast %max3A : f32 to vector<6400x128xf32>
    %max3A_65 = arith.maximumf %add3A_63, %max3A_64 : vector<6400x128xf32>
    %convert_element_type3A_66 = arith.truncf %max3A_65 : vector<6400x128xf32> to vector<6400x128xbf16>
    %dot_general3A_67 = arith.constant dense<0.000000e+00> : vector<6400x128xf32>
    %dot_general3A_68 = tpu.matmul %convert_element_type3A_66, %convert_element_type3A_53, %dot_general3A_67 {dimension_numbers = #tpu.dot_dimension_numbers<[1], [0], [0], [1], [0, 0, 1, 1], [], []>, transpose_lhs_hint = false} : vector<6400x128xbf16>, vector<128x128xbf16>, vector<6400x128xf32> -> vector<6400x128xf32>
    %add3A_69 = vector.broadcast %get3A_42 : vector<1x128xf32> to vector<6400x128xf32>
    %add3A_70 = arith.addf %dot_general3A_68, %add3A_69 : vector<6400x128xf32>
    %max3A_71 = arith.constant 0.000000e+00 : f32
    %max3A_72 = vector.broadcast %max3A_71 : f32 to vector<6400x128xf32>
    %max3A_73 = arith.maximumf %add3A_70, %max3A_72 : vector<6400x128xf32>
    %reshape3A_74 = vector.shape_cast %max3A_73 : vector<6400x128xf32> to vector<200x32x128xf32>
    %mul3A = vector.broadcast %reshape3A : vector<1x1x128xf32> to vector<200x32x128xf32>
    %mul3A_75 = arith.mulf %reshape3A_74, %mul3A : vector<200x32x128xf32>
    %reduce_sum3A = arith.constant dense<0.000000e+00> : vector<200x32xf32>
    %reduce_sum3A_76 = vector.multi_reduction <add>, %mul3A_75, %reduce_sum3A [2] : vector<200x32x128xf32> to vector<200x32xf32>
    %reduce_max3A = arith.constant dense<0xFF800000> : vector<200xf32>
    %reduce_max3A_77 = vector.multi_reduction <maximumf>, %reduce_sum3A_76, %reduce_max3A [1] : vector<200x32xf32> to vector<200xf32>
    %broadcast_in_dim3A_78 = vector.shape_cast %reduce_max3A_77 : vector<200xf32> to vector<200x1xf32>
    %sub3A = vector.broadcast %broadcast_in_dim3A_78 : vector<200x1xf32> to vector<200x32xf32>
    %sub3A_79 = arith.subf %reduce_sum3A_76, %sub3A : vector<200x32xf32>
    %exp3A = math.exp %sub3A_79 : vector<200x32xf32>
    %reduce_sum3A_80 = arith.constant dense<0.000000e+00> : vector<200xf32>
    %reduce_sum3A_81 = vector.multi_reduction <add>, %exp3A, %reduce_sum3A_80 [1] : vector<200x32xf32> to vector<200xf32>
    %broadcast_in_dim3A_82 = vector.shape_cast %reduce_sum3A_81 : vector<200xf32> to vector<200x1xf32>
    %div3A = vector.broadcast %broadcast_in_dim3A_82 : vector<200x1xf32> to vector<200x32xf32>
    %div3A_83 = arith.divf %exp3A, %div3A : vector<200x32xf32>
    %reshape3A_84 = vector.shape_cast %concatenate3A : vector<6400x128xf32> to vector<200x32x128xf32>
    %broadcast_in_dim3A_85 = vector.shape_cast %div3A_83 : vector<200x32xf32> to vector<200x32x1xf32>
    %mul3A_86 = vector.broadcast %broadcast_in_dim3A_85 : vector<200x32x1xf32> to vector<200x32x128xf32>
    %mul3A_87 = arith.mulf %reshape3A_84, %mul3A_86 : vector<200x32x128xf32>
    %reduce_sum3A_88 = arith.constant dense<0.000000e+00> : vector<200x128xf32>
    %reduce_sum3A_89 = vector.multi_reduction <add>, %mul3A_87, %reduce_sum3A_88 [1] : vector<200x32x128xf32> to vector<200x128xf32>
    %convert_element_type3A_90 = arith.truncf %concatenate3A_33 : vector<200x128xf32> to vector<200x128xbf16>
    %dot_general3A_91 = arith.constant dense<0.000000e+00> : vector<200x128xf32>
    %dot_general3A_92 = tpu.matmul %convert_element_type3A_90, %convert_element_type3A_52, %dot_general3A_91 {dimension_numbers = #tpu.dot_dimension_numbers<[1], [0], [0], [1], [0, 0, 1, 1], [], []>, transpose_lhs_hint = false} : vector<200x128xbf16>, vector<128x128xbf16>, vector<200x128xf32> -> vector<200x128xf32>
    %broadcast_in_dim3A_93 = vector.shape_cast %dot_general3A_92 : vector<200x128xf32> to vector<200x1x128xf32>
    %broadcast_in_dim3A_94 = vector.shape_cast %broadcast_in_dim3A_93 : vector<200x1x128xf32> to vector<200x1x128xf32>
    %broadcast_in_dim3A_95 = vector.broadcast %broadcast_in_dim3A_94 : vector<200x1x128xf32> to vector<200x32x128xf32>
    %reshape3A_96 = vector.shape_cast %broadcast_in_dim3A_95 : vector<200x32x128xf32> to vector<6400x128xf32>
    %convert_element_type3A_97 = arith.truncf %concatenate3A_13 : vector<6400x128xf32> to vector<6400x128xbf16>
    %dot_general3A_98 = arith.constant dense<0.000000e+00> : vector<6400x128xf32>
    %dot_general3A_99 = tpu.matmul %convert_element_type3A_97, %convert_element_type3A, %dot_general3A_98 {dimension_numbers = #tpu.dot_dimension_numbers<[1], [0], [0], [1], [0, 0, 1, 1], [], []>, transpose_lhs_hint = false} : vector<6400x128xbf16>, vector<128x128xbf16>, vector<6400x128xf32> -> vector<6400x128xf32>
    %add3A_100 = arith.addf %dot_general3A_99, %reshape3A_96 : vector<6400x128xf32>
    %add3A_101 = vector.broadcast %get3A_36 : vector<1x128xf32> to vector<6400x128xf32>
    %add3A_102 = arith.addf %add3A_100, %add3A_101 : vector<6400x128xf32>
    %max3A_103 = arith.constant 0.000000e+00 : f32
    %max3A_104 = vector.broadcast %max3A_103 : f32 to vector<6400x128xf32>
    %max3A_105 = arith.maximumf %add3A_102, %max3A_104 : vector<6400x128xf32>
    %convert_element_type3A_106 = arith.truncf %max3A_105 : vector<6400x128xf32> to vector<6400x128xbf16>
    %dot_general3A_107 = arith.constant dense<0.000000e+00> : vector<6400x128xf32>
    %dot_general3A_108 = tpu.matmul %convert_element_type3A_106, %convert_element_type3A_53, %dot_general3A_107 {dimension_numbers = #tpu.dot_dimension_numbers<[1], [0], [0], [1], [0, 0, 1, 1], [], []>, transpose_lhs_hint = false} : vector<6400x128xbf16>, vector<128x128xbf16>, vector<6400x128xf32> -> vector<6400x128xf32>
    %add3A_109 = vector.broadcast %get3A_42 : vector<1x128xf32> to vector<6400x128xf32>
    %add3A_110 = arith.addf %dot_general3A_108, %add3A_109 : vector<6400x128xf32>
    %max3A_111 = arith.constant 0.000000e+00 : f32
    %max3A_112 = vector.broadcast %max3A_111 : f32 to vector<6400x128xf32>
    %max3A_113 = arith.maximumf %add3A_110, %max3A_112 : vector<6400x128xf32>
    %reshape3A_114 = vector.shape_cast %max3A_113 : vector<6400x128xf32> to vector<200x32x128xf32>
    %mul3A_115 = vector.broadcast %reshape3A : vector<1x1x128xf32> to vector<200x32x128xf32>
    %mul3A_116 = arith.mulf %reshape3A_114, %mul3A_115 : vector<200x32x128xf32>
    %reduce_sum3A_117 = arith.constant dense<0.000000e+00> : vector<200x32xf32>
    %reduce_sum3A_118 = vector.multi_reduction <add>, %mul3A_116, %reduce_sum3A_117 [2] : vector<200x32x128xf32> to vector<200x32xf32>
    %reduce_max3A_119 = arith.constant dense<0xFF800000> : vector<200xf32>
    %reduce_max3A_120 = vector.multi_reduction <maximumf>, %reduce_sum3A_118, %reduce_max3A_119 [1] : vector<200x32xf32> to vector<200xf32>
    %broadcast_in_dim3A_121 = vector.shape_cast %reduce_max3A_120 : vector<200xf32> to vector<200x1xf32>
    %sub3A_122 = vector.broadcast %broadcast_in_dim3A_121 : vector<200x1xf32> to vector<200x32xf32>
    %sub3A_123 = arith.subf %reduce_sum3A_118, %sub3A_122 : vector<200x32xf32>
    %exp3A_124 = math.exp %sub3A_123 : vector<200x32xf32>
    %reduce_sum3A_125 = arith.constant dense<0.000000e+00> : vector<200xf32>
    %reduce_sum3A_126 = vector.multi_reduction <add>, %exp3A_124, %reduce_sum3A_125 [1] : vector<200x32xf32> to vector<200xf32>
    %broadcast_in_dim3A_127 = vector.shape_cast %reduce_sum3A_126 : vector<200xf32> to vector<200x1xf32>
    %div3A_128 = vector.broadcast %broadcast_in_dim3A_127 : vector<200x1xf32> to vector<200x32xf32>
    %div3A_129 = arith.divf %exp3A_124, %div3A_128 : vector<200x32xf32>
    %reshape3A_130 = vector.shape_cast %concatenate3A_13 : vector<6400x128xf32> to vector<200x32x128xf32>
    %broadcast_in_dim3A_131 = vector.shape_cast %div3A_129 : vector<200x32xf32> to vector<200x32x1xf32>
    %mul3A_132 = vector.broadcast %broadcast_in_dim3A_131 : vector<200x32x1xf32> to vector<200x32x128xf32>
    %mul3A_133 = arith.mulf %reshape3A_130, %mul3A_132 : vector<200x32x128xf32>
    %reduce_sum3A_134 = arith.constant dense<0.000000e+00> : vector<200x128xf32>
    %reduce_sum3A_135 = vector.multi_reduction <add>, %mul3A_133, %reduce_sum3A_134 [1] : vector<200x32x128xf32> to vector<200x128xf32>
    %reshape3A_136 = vector.shape_cast %reduce_sum3A_89 : vector<200x128xf32> to vector<100x2x128xf32>
    %reshape3A_137 = vector.shape_cast %reduce_sum3A_135 : vector<200x128xf32> to vector<100x2x128xf32>
    %concatenate3A_138 = tpu.concatenate %reshape3A_136, %reshape3A_137 in 1 : vector<100x2x128xf32>, vector<100x2x128xf32> -> vector<100x4x128xf32>
    %reshape3A_139 = vector.shape_cast %concatenate3A_138 : vector<100x4x128xf32> to vector<400x128xf32>
    %swap3A = arith.constant 0 : index
    %swap3A_140 = arith.constant 0 : index
    %swap3A_141 = vector.load %arg9[%swap3A, %swap3A_140] : memref<400x128xf32, #tpu.memory_space<vmem>>, vector<400x128xf32>
    tpu.vector_store %arg9[%swap3A, %swap3A_140], %reshape3A_139 {strides = array<i32>} : memref<400x128xf32, #tpu.memory_space<vmem>>, vector<400x128xf32>,
    return
  }
  func.func @transform_0(%arg0: i32) -> (i32, i32) {
    %c0_i32 = arith.constant 0 : i32
    %c0_i32_0 = arith.constant 0 : i32
    return %arg0, %c0_i32 : i32, i32
  }
  func.func @transform_1(%arg0: i32) -> (i32, i32) {
    %c0_i32 = arith.constant 0 : i32
    %c0_i32_0 = arith.constant 0 : i32
    return %arg0, %c0_i32 : i32, i32
  }
  func.func @transform_2(%arg0: i32) -> (i32, i32) {
    %c0_i32 = arith.constant 0 : i32
    %c0_i32_0 = arith.constant 0 : i32
    %c0_i32_1 = arith.constant 0 : i32
    return %c0_i32, %c0_i32_0 : i32, i32
  }
  func.func @transform_3(%arg0: i32) -> (i32, i32) {
    %c0_i32 = arith.constant 0 : i32
    %c0_i32_0 = arith.constant 0 : i32
    %c0_i32_1 = arith.constant 0 : i32
    return %c0_i32, %c0_i32_0 : i32, i32
  }
  func.func @transform_4(%arg0: i32) -> (i32, i32) {
    %c0_i32 = arith.constant 0 : i32
    %c0_i32_0 = arith.constant 0 : i32
    %c0_i32_1 = arith.constant 0 : i32
    return %c0_i32, %c0_i32_0 : i32, i32
  }
  func.func @transform_5(%arg0: i32) -> (i32, i32) {
    %c0_i32 = arith.constant 0 : i32
    %c0_i32_0 = arith.constant 0 : i32
    %c0_i32_1 = arith.constant 0 : i32
    return %c0_i32, %c0_i32_0 : i32, i32
  }
  func.func @transform_6(%arg0: i32) -> (i32, i32) {
    %c0_i32 = arith.constant 0 : i32
    %c0_i32_0 = arith.constant 0 : i32
    %c0_i32_1 = arith.constant 0 : i32
    return %c0_i32, %c0_i32_0 : i32, i32
  }
  func.func @transform_7(%arg0: i32) -> (i32, i32) {
    %c0_i32 = arith.constant 0 : i32
    %c0_i32_0 = arith.constant 0 : i32
    %c0_i32_1 = arith.constant 0 : i32
    return %c0_i32, %c0_i32_0 : i32, i32
  }
  func.func @transform_8(%arg0: i32) -> (i32, i32) {
    %c0_i32 = arith.constant 0 : i32
    %c0_i32_0 = arith.constant 0 : i32
    return %arg0, %c0_i32 : i32, i32
  }
}

</mosaic_0001>

<sc_bundles>
// kernel: kernel.5.cloned.1.call-start
scs
__scs_entry_jumppad:
0x0: {  	(pc) =	sbr.rel $0x88, $3  }
0x1: {  	(tag) =	ssettag $0x0;
	lr =	simm.s32 $0x1  }
0x2: {  	[smem:$0x3F99] =	sst lr;
	_ =	strace $0xD0000000  }
0x3: {  	_ = 	snop  }
0x4: {  	_ = 	snop  }
0x5: {  	_ = 	snop  }
0x6: {  	_ = 	snop  }
0x7: {  	_ = 	snop  }
__scs_overlays_trampoline_lowered:
0x8: {  	[smem:$0x3FA8] =	sst s0  }
0x9: {  	[smem:$0x3FA9] =	sst s1  }
0xa: {  	[smem:$0x3FAA] =	sst s2  }
0xb: {  	[smem:$0x3FAB] =	sst s3  }
0xc: {  	[smem:$0x3FAC] =	sst s4  }
0xd: {  	[smem:$0x3FAD] =	sst s5  }
0xe: {  	[smem:$0x3FAE] =	sst s6  }
0xf: {  	[smem:$0x3FAF] =	sst s7  }
0x10: {  	[smem:$0x3FB0] =	sst s8  }
0x11: {  	[smem:$0x3FB1] =	sst s9;
	s0 =	simm.s32 @!p0 $0x0  }
0x12: {  	s1 =	sld [smem:$0x3F97];
	s0 =	simm.s32 @p0 $0x1  }
0x13: {  	[smem:$0x3FB2] =	sst s0;
	s0 =	simm.s32 @!p1 $0x0  }
0x14: {  	s2 =	sld [smem:$0x3F96];
	s0 =	simm.s32 @p1 $0x1  }
0x15: {  	[smem:$0x3FB3] =	sst s0;
	s0 =	simm.s32 @!p2 $0x0  }
0x16: {  	s3 =	sld [smem:$0x3FDB];
	s0 =	simm.s32 @p2 $0x1  }
0x17: {  	s4 =	simm.s32 $0x1BF5;
	[smem:$0x3FB5] =	sst s0  }
0x18: {  	s0 =	sld [smem:$0x3F98];
	_ =	swait.ge [sflag:s4], $0x0  }
0x19: {  	s7 =	sld [smem:$0x3F99]  }
0x1a: {  	s8 =	sadd.s32 $0xFFFFE003, lr  }
0x1b: {  	s9 =	sadd.s32 $0xFFFFFEF7, lr;
	s5 =	simm.s32 $0xFFFFFFFF;
	p2 =	slt.u32 s8, $0xFFFFF086  }
0x1c: {  	p1 =	slt.u32 s9, $0xF7A;
	s5 =	simm.s32 @!p2 $0x0  }
0x1d: {  	s5 =	simm.s32 @p1 $0x1;
	p0 =	seq.s32 s7, s2  }
0x1e: {  	s7 =	smul.u32 @!p0 $0xF7A, s2;
	p2 =	seq.s32 @!p0 s5, $0x0  }
0x1f: {  	s9 =	smul.u32 $0xF7A, s1;
	s8 =	simm.s32 @!p0 $0x1BF5;
	p2 =	por !p2, p0  }
0x20: {  	[sflag:s8] =	ssyncset.s32 @!p0 $0xFFFFF086;
	s6 =	sadd.s32 @!p0 s3, s7;
	s7 =	simm.s32 @!p0 $0x108  }
0x21: {  	s3 =	sadd.s32 s3, s9;
	s6 =	sadd.s32 @!p0 $0x88, s6;
	s7 =	simm.s32 @p2 $0x1082  }
0x22: {  	[simem:s7], [sflag:s8] =	dma.local @!p0 [hbm:s6], $0xF7A  }
0x23: {  	s9 =	sor.u32 $0xD0000000, s2;
	s6 =	simm.s32 $0x108;
	_ =	swait.ge @!p0 [sflag:s8], $0x0  }
0x24: {  	s3 =	sadd.s32 $0x88, s3;
	s6 =	simm.s32 @!p1 $0x1082;
	[sflag:s4] =	ssyncset.s32 $0xFFFFF086  }
0x25: {  	[simem:s6], [sflag:s4] =	dma.local [hbm:s3], $0xF7A  }
0x26: {  	[smem:$0x3F99] =	sst s1;
	(tag) =	ssettag s2;
	_ =	strace s9  }
0x27: {  	s1 =	sld [smem:$0x3FA9]  }
0x28: {  	s2 =	sld [smem:$0x3FAA]  }
0x29: {  	s4 =	sld [smem:$0x3FAC]  }
0x2a: {  	p0 =	seq.s32 s5, $0x0;
	s5 =	sld [smem:$0x3FAD]  }
0x2b: {  	s6 =	sld [smem:$0x3FAE]  }
0x2c: {  	s7 =	sld [smem:$0x3FAF]  }
0x2d: {  	s3 =	simm.s32 $0x108;
	s8 =	sld [smem:$0x3FB0]  }
0x2e: {  	s3 =	simm.s32 @!p0 $0x1082;
	s9 =	sld [smem:$0x3FB1]  }
0x2f: {  	lr =	sadd.s32 s0, s3;
	s0 =	sld [smem:$0x3FA8]  }
0x30: {  	s3 =	sld [smem:$0x3FAB]  }
0x31: {  	[smem:$0x3FB4] =	sst s10  }
0x32: {  	s10 =	sld [smem:$0x3FB2];
	_ =	sdelay $0x3  }
0x33: {  	p0 =	seq.s32 s10, $0x1;
	s10 =	sld [smem:$0x3FB4];
	_ =	sdelay $0x3  }
0x34: {  	[smem:$0x3FB4] =	sst s10  }
0x35: {  	s10 =	sld [smem:$0x3FB3];
	_ =	sdelay $0x3  }
0x36: {  	p1 =	seq.s32 s10, $0x1;
	s10 =	sld [smem:$0x3FB4];
	_ =	sdelay $0x3  }
0x37: {  	[smem:$0x3FB4] =	sst s10  }
0x38: {  	s10 =	sld [smem:$0x3FB5]  }
0x39: {  	_ = 	snop;
	(pc) =	sbr.ind lr, $3  }
0x3a: {  	_ = 	snop  }
0x3b: {  	_ = 	snop  }
0x3c: {  	p2 =	seq.s32 s10, $0x1;
	s10 =	sld [smem:$0x3FB4]  }
0x3d: {  	_ =	shalt  }
0x3e: {  	_ =	shalt  }
0x3f: {  	_ =	shalt  }
0x40: {  	_ =	shalt  }
0x41: {  	_ =	shalt  }
0x42: {  	_ =	shalt  }
0x43: {  	_ =	shalt  }
0x44: {  	_ =	shalt  }
0x45: {  	_ =	shalt  }
0x46: {  	_ =	shalt  }
0x47: {  	_ =	shalt  }
0x48: {  	_ =	shalt  }
0x49: {  	_ =	shalt  }
0x4a: {  	_ =	shalt  }
0x4b: {  	_ =	shalt  }
0x4c: {  	_ =	shalt  }
0x4d: {  	_ =	shalt  }
0x4e: {  	_ =	shalt  }
0x4f: {  	_ =	shalt  }
0x50: {  	_ =	shalt  }
0x51: {  	_ =	shalt  }
0x52: {  	_ =	shalt  }
0x53: {  	_ =	shalt  }
0x54: {  	_ =	shalt  }
0x55: {  	_ =	shalt  }
0x56: {  	_ =	shalt  }
0x57: {  	_ =	shalt  }
0x58: {  	_ =	shalt  }
0x59: {  	_ =	shalt  }
0x5a: {  	_ =	shalt  }
0x5b: {  	_ =	shalt  }
0x5c: {  	_ =	shalt  }
0x5d: {  	_ =	shalt  }
0x5e: {  	_ =	shalt  }
0x5f: {  	_ =	shalt  }
0x60: {  	_ =	shalt  }
0x61: {  	_ =	shalt  }
0x62: {  	_ =	shalt  }
0x63: {  	_ =	shalt  }
0x64: {  	_ =	shalt  }
0x65: {  	_ =	shalt  }
0x66: {  	_ =	shalt  }
0x67: {  	_ =	shalt  }
0x68: {  	_ =	shalt  }
0x69: {  	_ =	shalt  }
0x6a: {  	_ =	shalt  }
0x6b: {  	_ =	shalt  }
0x6c: {  	_ =	shalt  }
0x6d: {  	_ =	shalt  }
0x6e: {  	_ =	shalt  }
0x6f: {  	_ =	shalt  }
0x70: {  	_ =	shalt  }
0x71: {  	_ =	shalt  }
0x72: {  	_ =	shalt  }
0x73: {  	_ =	shalt  }
0x74: {  	_ =	shalt  }
0x75: {  	_ =	shalt  }
0x76: {  	_ =	shalt  }
0x77: {  	_ =	shalt  }
0x78: {  	_ =	shalt  }
0x79: {  	_ =	shalt  }
0x7a: {  	_ =	shalt  }
0x7b: {  	_ =	shalt  }
0x7c: {  	_ =	shalt  }
0x7d: {  	_ =	shalt  }
0x7e: {  	_ =	shalt  }
0x7f: {  	_ =	shalt  }
0x80: {  	_ =	shalt  }
0x81: {  	_ =	shalt  }
0x82: {  	_ =	shalt  }
0x83: {  	_ =	shalt  }
0x84: {  	_ =	shalt  }
0x85: {  	_ =	shalt  }
0x86: {  	_ =	shalt  }
0x87: {  	_ =	shalt  }
.Lfunc_end0:
.L_simem_size_0:
called_computation_lowered:
.L_overlay_start_0:
0x88: {  	s2 =	sld [smem:$0x3FD9]  }
0x89: {  	s3 =	sld [smem:$0x3FFE];
	_ =	sdelay $0x1  }
0x8a: {  	s1 =	srdreg.scid  }
0x8b: {  	s0 =	sand.u32 $0x1, s1  }
0x8c: {  	s17 =	sshll.u32 s0, $0xA;
	s2 =	sadd.s32 s3, s2  }
0x8d: {  	s2 =	sadd.s32 s2, s17  }
0x8e: {  	[smem:$0x3FC0] =	sst s2  }
0x8f: {  	_ = 	snop  }
0x90: {  	s2 =	sld [smem:$0x3FD0];
	(tm) =	ssettm $0x1  }
0x91: {  	s18 =	sld [smem:$0x3FFB];
	_ =	sdelay $0x3  }
0x92: {  	_ =	strace s18  }
0x93: {  	s3 =	sld [smem:$0x3FFC];
	_ =	sdelay $0x3  }
0x94: {  	_ =	strace s3  }
0x95: {  	s3 =	sld [smem:$0x3FFD];
	_ =	sdelay $0x3  }
0x96: {  	_ =	strace s3  }
0x97: {  	_ =	strace $0x8FFFFFFF  }
0x98: {  	s19 =	sld [smem:$0x3FDB];
	_ =	sdelay $0x1  }
0x99: {  	s4 =	simm.s32 $_scs_section_size  }
0x9a: {  	s5 =	simm.s32 $_size__tile_overlayer_lowered;
	s6 =	simm.s32 $_tile_overlayer_lowered  }
0x9b: {  	s22 =	simm.s32 $0x1BFF;
	s21 =	sshll.u32 s6, $0x1;
	s3 =	sadd.s32 s4, s19  }
0x9c: {  	s7 =	simm.s32 $0x0;
	s20 =	sshll.u32 s5, $0x1;
	s5 =	sadd.s32 s21, s3  }
0x9d: {  	[timem:s7], [sflag:s22] =	dma.local [hbm:s5], s20  }
0x9e: {  	_ =	swait.ge [sflag:s22], s20  }
0x9f: {  	s4 =	ssub.s32 $0x0, s20;
	[sflag:s22] =	ssyncset.done $0x0  }
0xa0: {  	[sflag:s22] =	ssyncadd.s32 s4;
	_ =	sdelay $0x1  }
0xa1: {  	s23 =	simm.s32 $0x1B8B  }
0xa2: {  	_ =	swait.ge [sflag:s23], $0x1  }
0xa3: {  	[sflag:s23] =	ssyncset.done $0x0  }
0xa4: {  	s25 =	simm.s32 $0x1B8E;
	s24 =	sld [smem:$0x3FFE];
	[sflag:s23] =	ssyncadd.s32 $0xFFFFFFFF  }
0xa5: {  	s26 =	simm.s32 $execute0_lowered;
	[smem:$0x3FD2] =	sst s25  }
0xa6: {  	s5 =	sshll.u32 s26, $0x1;
	_ =	strace $0x80000046;
	[dreg:$0x1] =	wrdreg $0xFFFFFFFF  }
0xa7: {  	s28 =	simm.s32 $_size_execute0_lowered;
	s3 =	sadd.s32 s3, s5;
	[dreg:$0x0] =	wrdreg $0x0  }
0xa8: {  	s5 =	sshll.u32 s28, $0x1;
	[dreg:$0x2] =	wrdreg s3  }
0xa9: {  	[dreg:$0x3] =	wrdreg s5  }
0xaa: {  	[dreg:$0x4] =	wrdreg $0xC0  }
0xab: {  	_ =	task [dreg:s7], $0x5FFFF  }
0xac: {  	[dreg:$0x1] =	wrdreg $0xFFFFFFFF  }
0xad: {  	[dreg:$0x0] =	wrdreg $0x60  }
0xae: {  	[dreg:$0x2] =	wrdreg s2  }
0xaf: {  	[dreg:$0x3] =	wrdreg s24  }
0xb0: {  	[dreg:$0x4] =	wrdreg $0x9  }
0xb1: {  	_ =	task.clear_ibuf [dreg:s7], $0x5FFFF;
	_ =	strace $0x90000046  }
0xb2: {  	s29 =	simm.s32 $0x9;
	_ =	strace $0x80000048  }
0xb3: {  	_ =	swait.ge [sflag:s29], $0x1  }
0xb4: {  	[sflag:s29] =	ssyncadd.s32 $0xFFFFFFFF  }
0xb5: {  	_ =	strace $0x90000048  }
0xb6: {  	_ =	sfence  }
0xb7: {  	s30 =	sld [smem:$0x0];
	_ =	sdelay $0x2  }
0xb8: {  	s31 =	sshll.u32 s1, $0xD;
	s1 =	sshrl.u32 s1, $0x2  }
0xb9: {  	s3 =	sand.u32 $0x4000, s31;
	s1 =	sadd.s32 s1, s30  }
0xba: {  	s0 =	sor.u32 s3, s0;
	s1 =	sshll.u32 s1, $0x11  }
0xbb: {  	s0 =	sor.u32 s1, s0  }
0xbc: {  	s0 =	sadd.s32 $0x8F2B, s0  }
0xbd: {  	[sflag:s0] =	ssyncadd.remote.s32 $0x1  }
0xbe: {  	_ =	sfence.sel $0xFFFF  }
0xbf: {  	[dreg:$0x0] =	wrdreg $0xFFFFFFFF;
	(pc) =	sbr.abs _section_cstart, $3  }
0xc0: {  	[dreg:$0x1] =	wrdreg $0xFFFFFFFF  }
0xc1: {  	_ =	task.clear_ibuf [dreg:s7], $0x2FFFF;
	_ =	strace $0x9FFFFFFF  }
0xc2: {  	(tm) =	ssettm $0x7FFFFFFF  }
0xc3: {  	_ =	shalt  }
tec
execute0_lowered:
.L_overlay_start_1:
0x0: {  	(tag) =	ssettag $0x1  }
0x1: {  	s6 =	rddreg [dreg:$0x0]  }
0x2: {  	s4 =	rddreg [dreg:$0x1];
	s1 =	stileid.u32  }
0x3: {  	s3 =	srdreg.scid;
	s2 =	simm.s32 $0x0;
	s12 =	simm.s32 $0x80  }
0x4: {  	s13 =	simm.s32 $0x3A00;
	s14 =	simm.s32 $0x5A00;
	s15 =	simm.s32 $0x7A00  }
0x5: {  	s16 =	simm.s32 $0x9A00;
	s17 =	simm.s32 $0x1;
	s19 =	simm.s32 $0x4A00  }
0x6: {  	s18 =	simm.s32 $0x40;
	s30 =	simm.s32 $0x6A00;
	s21 =	simm.s32 $0x8A00  }
0x7: {  	s20 =	simm.s32 $0x2;
	s31 =	simm.s32 $0xAA00;
	[smem:$0x7FF] =	sst s2  }
0x8: {  	s22 =	simm.s32 $0x0;
	_ =	strace $0x80000047;
	[dreg:$0x4] =	wrdreg s19  }
0x9: {  	s5 =	smul.u32 $0x74, s1;
	s7 =	sand.u32 $0x1, s3;
	[dreg:$0x5] =	wrdreg s30  }
0xa: {  	s3 =	smul.u32 $0x34, s1;
	p0 =	seq.s32 s7, $0x0;
	[dreg:$0x6] =	wrdreg s21  }
0xb: {  	s7 =	ssub.s32 $0x2, s7;
	s19 =	simm.s32 $0x3;
	[dreg:$0x7] =	wrdreg s31  }
0xc: {  	s21 =	simm.s32 $0x4;
	s10 =	sadd.s32 $0x340, s5;
	s8 =	sshrl.u32 s7, $0x1  }
0xd: {  	s5 =	simm.s32 $0xD;
	s10 =	smov.u32 @p0 s3;
	s3 =	sadd.s32 $0x188200, s4  }
0xe: {  	s7 =	ssub.s32 s7, s8;
	s5 =	simm.s32 @!p0 $0x1D;
	s26 =	sshll.u32 s10, $0xA  }
0xf: {  	s11 =	sshll.u32 s10, $0x4;
	s7 =	smax.u32 s7, $0x1;
	s28 =	sshll.u32 s5, $0xB  }
0x10: {  	s29 =	sshll.u32 s10, $0xD;
	s10 =	sor.u32 $0x1, s10;
	s9 =	sadd.s32 s26, s4  }
0x11: {  	s4 =	sadd.s32 $0x1800, s4;
	s6 =	sadd.s32 s6, s11;
	[dreg:$0x3] =	wrdreg s28  }
0x12: {  	s8 =	sadd.s32 $0xFEC78000, s29;
	s11 =	simm.s32 $0x5;
	s9 =	sadd.s32 $0x24C400, s9  }
.LBB2_1:
0x13: {  	[tilespmem:s2], [sflag:$0x5] =	stream.linear.gather [hbm4b:s6+s2], $0x3A00, $0x38;
	[tilespmem:$0xBA00] =	vst v63  }
0x14: {  	_ =	swait.ge [sflag:s11], $0x3A00  }
0x15: {  	[sflag:s11] =	ssyncset.done $0x0  }
0x16: {  	s23 =	smov.u32 s10;
	s24 =	smov.u32 s9;
	[sflag:s11] =	ssyncadd.s32 $0xFFFFC600  }
0x17: {  	[tilespmem:s13], [sflag:$0x1] =	stream.indirect.gather [hbm4b:s3+s12], $0x40, s2, s12, $0xb8;
	[tilespmem:$0xBA00] =	vst v63  }
0x18: {  	s25 =	smov.u32 s8;
	s26 =	simm.s32 $0x1;
	s28 =	simm.s32 $0x0  }
0x19: {  	[tilespmem:s14], [sflag:$0x1] =	stream.indirect.gather [hbm4b:s3+s12], $0x40, s12, s12, $0xb8;
	[tilespmem:$0xBA00] =	vst v63  }
.LBB2_2:
0x1a: {  	s29 =	sshra.s32 s28, $0x2  }
0x1b: {  	s30 =	sadd.s32 $0x100, s29  }
0x1c: {  	[tilespmem:s15], [sflag:$0x2] =	stream.indirect.gather [hbm4b:s3+s12], $0x40, s30, s12, $0xb8;
	[tilespmem:$0xBA00] =	vst v63  }
0x1d: {  	s29 =	sadd.s32 $0x180, s29  }
0x1e: {  	[tilespmem:s16], [sflag:$0x2] =	stream.indirect.gather [hbm4b:s3+s12], $0x40, s29, s12, $0xb8;
	[tilespmem:$0xBA00] =	vst v63  }
0x1f: {  	_ =	swait.ge [sflag:s17], $0x2000  }
0x20: {  	[sflag:s17] =	ssyncset.done $0x0  }
0x21: {  	s0 =	sadd.s32 $0xFFFFFFFF, s23;
	[sflag:s17] =	ssyncadd.s32 $0xFFFFE000  }
0x22: {  	s31 =	sshrl.u32 s25, $0x3;
	p0 =	slt.u32 s0, $0x9C4;
	_ =	swait.ge [sflag:s17], $0x2000  }
0x23: {  	s30 =	sadd.s32 s4, s31;
	s29 =	sadd.s32 $0xFFFFF400, s24;
	[sflag:s17] =	ssyncset.done $0x0  }
0x24: {  	s31 =	sadd.s32 $0x2000, s25;
	s30 =	smov.u32 @p0 s29;
	[sflag:s17] =	ssyncadd.s32 $0xFFFFE000  }
0x25: {  	[hbm4b:s30+s18] =	stream.strided.scatter [tilespmem:s13], [sflag:$0x3], $0x1000, s12, s18, $0x38;
	[tilespmem:$0xBA00] =	vst v63  }
0x26: {  	s29 =	sshrl.u32 s31, $0x3;
	s0 =	rddreg [dreg:$0x4];
	s30 =	sadd.s32 $0x8, s30  }
0x27: {  	[hbm4b:s30+s18] =	stream.strided.scatter [tilespmem:s0], [sflag:$0x3], $0x1000, s12, s18, $0x38;
	[tilespmem:$0xBA00] =	vst v63  }
0x28: {  	p0 =	slt.u32 s23, $0x9C4;
	s29 =	sadd.s32 s4, s29;
	s30 =	sadd.s32 $0xFFFFF800, s24  }
0x29: {  	s29 =	smov.u32 @p0 s30  }
0x2a: {  	[hbm4b:s29+s18] =	stream.strided.scatter [tilespmem:s14], [sflag:$0x3], $0x1000, s12, s18, $0x38;
	[tilespmem:$0xBA00] =	vst v63  }
0x2b: {  	s0 =	rddreg [dreg:$0x5];
	s29 =	sadd.s32 $0x8, s29  }
0x2c: {  	[hbm4b:s29+s18] =	stream.strided.scatter [tilespmem:s0], [sflag:$0x3], $0x1000, s12, s18, $0x38;
	[tilespmem:$0xBA00] =	vst v63  }
0x2d: {  	_ =	swait.ge [sflag:s19], $0x1000  }
0x2e: {  	[sflag:s19] =	ssyncset.done $0x0  }
0x2f: {  	[sflag:s19] =	ssyncadd.s32 $0xFFFFF000  }
0x30: {  	_ =	swait.ge [sflag:s19], $0x1000  }
0x31: {  	[sflag:s19] =	ssyncset.done $0x0  }
0x32: {  	[sflag:s19] =	ssyncadd.s32 $0xFFFFF000  }
0x33: {  	_ =	swait.ge [sflag:s19], $0x1000  }
0x34: {  	[sflag:s19] =	ssyncset.done $0x0  }
0x35: {  	[sflag:s19] =	ssyncadd.s32 $0xFFFFF000  }
0x36: {  	p0 =	sge.u32 s26, s5;
	_ =	swait.ge [sflag:s19], $0x1000  }
0x37: {  	s31 =	simm.s32 @!p0 $0x80;
	s29 =	sshra.s32 @!p0 s28, $0x2;
	[sflag:s19] =	ssyncset.done $0x0  }
0x38: {  	s0 =	simm.s32 @!p0 $0x3A00;
	s30 =	sadd.s32 @!p0 $0x200, s29;
	[sflag:s19] =	ssyncadd.s32 $0xFFFFF000  }
0x39: {  	[tilespmem:s0], [sflag:$0x1] =	stream.indirect.gather @!p0 [hbm4b:s3+s31], $0x40, s30, s31, $0xb8;
	[tilespmem:$0xBA00] =	vst v63  }
0x3a: {  	s0 =	sadd.s32 @!p0 $0x280, s29;
	s29 =	simm.s32 @!p0 $0x5A00  }
0x3b: {  	[tilespmem:s29], [sflag:$0x1] =	stream.indirect.gather @!p0 [hbm4b:s3+s31], $0x40, s0, s31, $0xb8;
	[tilespmem:$0xBA00] =	vst v63  }
0x3c: {  	_ =	swait.ge [sflag:s20], $0x2000  }
0x3d: {  	[sflag:s20] =	ssyncset.done $0x0  }
0x3e: {  	s30 =	sadd.s32 $0x1, s23;
	s31 =	sadd.s32 $0x4000, s25;
	[sflag:s20] =	ssyncadd.s32 $0xFFFFE000  }
0x3f: {  	p0 =	slt.u32 s30, $0x9C4;
	s0 =	sshrl.u32 s31, $0x3;
	_ =	swait.ge [sflag:s20], $0x2000  }
0x40: {  	s29 =	sadd.s32 $0xFFFFFC00, s24;
	s0 =	sadd.s32 s4, s0;
	[sflag:s20] =	ssyncset.done $0x0  }
0x41: {  	s0 =	smov.u32 @p0 s29;
	[sflag:s20] =	ssyncadd.s32 $0xFFFFE000  }
0x42: {  	[hbm4b:s0+s18] =	stream.strided.scatter [tilespmem:s15], [sflag:$0x4], $0x1000, s12, s18, $0x38;
	[tilespmem:$0xBA00] =	vst v63  }
0x43: {  	s30 =	sadd.s32 $0x6000, s25;
	s31 =	rddreg [dreg:$0x6];
	s0 =	sadd.s32 $0x8, s0  }
0x44: {  	[hbm4b:s0+s18] =	stream.strided.scatter [tilespmem:s31], [sflag:$0x4], $0x1000, s12, s18, $0x38;
	[tilespmem:$0xBA00] =	vst v63  }
0x45: {  	s31 =	sadd.s32 $0x2, s23;
	s0 =	sshrl.u32 s30, $0x3  }
0x46: {  	p0 =	slt.u32 s31, $0x9C4;
	s0 =	sadd.s32 s4, s0  }
0x47: {  	s0 =	smov.u32 @p0 s24  }
0x48: {  	[hbm4b:s0+s18] =	stream.strided.scatter [tilespmem:s16], [sflag:$0x4], $0x1000, s12, s18, $0x38;
	[tilespmem:$0xBA00] =	vst v63  }
0x49: {  	s30 =	rddreg [dreg:$0x7];
	s0 =	sadd.s32 $0x8, s0  }
0x4a: {  	[hbm4b:s0+s18] =	stream.strided.scatter [tilespmem:s30], [sflag:$0x4], $0x1000, s12, s18, $0x38;
	[tilespmem:$0xBA00] =	vst v63  }
0x4b: {  	_ =	swait.ge [sflag:s21], $0x1000  }
0x4c: {  	[sflag:s21] =	ssyncset.done $0x0  }
0x4d: {  	[sflag:s21] =	ssyncadd.s32 $0xFFFFF000  }
0x4e: {  	_ =	swait.ge [sflag:s21], $0x1000  }
0x4f: {  	[sflag:s21] =	ssyncset.done $0x0  }
0x50: {  	[sflag:s21] =	ssyncadd.s32 $0xFFFFF000  }
0x51: {  	_ =	swait.ge [sflag:s21], $0x1000  }
0x52: {  	[sflag:s21] =	ssyncset.done $0x0  }
0x53: {  	[sflag:s21] =	ssyncadd.s32 $0xFFFFF000  }
0x54: {  	_ =	swait.ge [sflag:s21], $0x1000  }
0x55: {  	s28 =	sadd.s32 $0x800, s28;
	s31 =	rddreg [dreg:$0x3]  }
0x56: {  	p0 =	sne.s32 s31, s28  }
.Ltmp0:
0x57: {  	_ = 	snop;
	(pc) =	sbr.rel @p0 .LBB2_2-.Ltmp0, $3  }
0x58: {  	_ =	sdelay $0x1  }
0x59: {  	s26 =	sadd.s32 $0x1, s26;
	s25 =	sadd.s32 $0x8000, s25;
	[sflag:s21] =	ssyncset.done $0x0  }
0x5a: {  	s23 =	sadd.s32 $0x4, s23;
	s24 =	sadd.s32 $0x1000, s24;
	[sflag:s21] =	ssyncadd.s32 $0xFFFFF000  }
0x5b: {  	s22 =	sadd.s32 $0x1, s22  }
0x5c: {  	p0 =	sne.s32 s22, s7  }
.Ltmp1:
0x5d: {  	_ = 	snop;
	(pc) =	sbr.rel @p0 .LBB2_1-.Ltmp1, $1  }
0x5e: {  	_ =	sdelay $0x3  }
0x5f: {  	_ =	sfence.sel $0x180000  }
0x60: {  	[bflag:$0x0] =	sbarrier.arrive $0xFFFF  }
0x61: {  	_ =	strace $0x90000047  }
0x62: {  	[bflag:$0x2] =	sbarrier.arrive $0xFFFF  }
0x63: {  	p0 =	sne.s32 s1, $0x0;
	s0 =	rddreg [dreg:$0x2]  }
0x64: {  	s0 =	sadd.s32 @!p0 $0x100000, s0  }
0x65: {  	[sflag:s0] =	ssyncadd.tile.s32 @!p0 $0x1;
	_ =	shalt  }
.Lfunc_end2:
_tile_overlayer_lowered:
.L_overlay_start_2:
0x66: {  	(tag) =	ssettag $0x2  }
0x67: {  	s0 =	rddreg [dreg:$0x0];
	s2 =	stileid.u32  }
0x68: {  	s1 =	rddreg [dreg:$0x1];
	p0 =	sne.s32 s2, $0x0  }
0x69: {  	s3 =	rddreg [dreg:$0x2];
	[bflag:$0x3] =	sbarrier.arrive $0xFFFF;
	s2 =	simm.s32 @!p0 $0x1C05  }
0x6a: {  	[timem:s3], [sflag:s2] =	dma.local @!p0 [hbm:s0], s1  }
0x6b: {  	s0 =	simm.s32 @!p0 $0x5  }
0x6c: {  	_ =	swait.ge @!p0 [sflag:s0], s1  }
0x6d: {  	s1 =	ssub.s32 @!p0 $0x0, s1;
	[sflag:s0] =	ssyncset.done @!p0 $0x0  }
0x6e: {  	[sflag:s0] =	ssyncadd.s32 @!p0 s1  }
0x6f: {  	[bflag:$0x3] =	sbarrier.arrive $0xFFFF  }
0x70: {  	_ =	shalt  }

</sc_bundles>
